<compile_context>
chip_gen: v7x
topology: tpu7x:2x2x1
jax: 0.10.2.dev20260603
libtpu: 0.0.44.dev20260713+nightly
codegen_flags: <defaults>
</compile_context>

<pallas_src>
import functools

import jax
import jax.numpy as jnp
from jax import lax
from jax.experimental import pallas as pl
from jax.experimental.pallas import tpu as pltpu
from jax.experimental.pallas import tpu_sc as plsc

N_TOKENS = 2097152
N_CLASSES = 4
NUM_CORES = 2
NUM_SUBCORES = 16
NW = NUM_CORES * NUM_SUBCORES
TOK_PER_W = N_TOKENS // NW
CHUNK = 8192
N_CHUNKS = TOK_PER_W // CHUNK
LANES = 16

_LN2 = 0.6931471805599453
_SQRT2 = 1.4142135623730951


def _mesh():
    return plsc.VectorSubcoreMesh(core_axis_name="c", subcore_axis_name="s")


_CPARAMS = pltpu.CompilerParams(
    use_tc_tiling_on_sc=False, needs_layout_passes=False
)


def _worker_id():
    return lax.axis_index("s") * NUM_CORES + lax.axis_index("c")


def _log2_table():
    import numpy as np

    h = np.arange(8192, dtype=np.float64)
    return np.log2(1.0 + (h + 0.5) / 8192.0).astype(np.float32)


_TBL_HOST = _log2_table()


def _neg_log(p):
    bits = plsc.bitcast(p, jnp.int32)
    e = (bits >> 23) - 127
    m = plsc.bitcast((bits & 0x007FFFFF) | 0x3F800000, jnp.float32)
    big = m > _SQRT2
    m = jnp.where(big, m * 0.5, m)
    ef = e.astype(jnp.float32) + jnp.where(big, 1.0, 0.0)
    z = (m - 1.0) / (m + 1.0)
    z2 = z * z
    poly = 1.0 + z2 * (1.0 / 3.0 + z2 * (1.0 / 5.0 + z2 * (1.0 / 7.0 + z2 * (1.0 / 9.0))))
    logm = 2.0 * z * poly
    return -(ef * _LN2 + logm)


def _gather_probs_and_labels(obuf, lbuf, j):
    lab = lbuf[pl.ds(j * LANES, LANES)]
    sbase = ((j >> 3) << 9) + ((j * LANES) & 127)
    idx = (lab << 7) + (lax.iota(jnp.int32, LANES) + sbase)
    p = plsc.load_gather(obuf, [idx])
    return p, lab


def _neg_log_tbl(p, tb):
    bits = plsc.bitcast(p, jnp.int32)
    h = (bits >> 10) & 0x1FFF
    e = ((bits >> 23) - 127).astype(jnp.float32)
    t = plsc.load_gather(tb, [h])
    return (e + t) * (-_LN2)


def _copy_chunk(flat_hbm, lab_hbm, obuf, lbuf, tok0):
    pltpu.sync_copy(
        flat_hbm.at[pl.ds(tok0 * N_CLASSES, CHUNK * N_CLASSES)], obuf
    )
    pltpu.sync_copy(lab_hbm.at[pl.ds(tok0, CHUNK)], lbuf)


@functools.partial(
    pl.kernel,
    mesh=_mesh(),
    compiler_params=_CPARAMS,
    out_type=jax.ShapeDtypeStruct((NW, 48), jnp.float32),
    scratch_types=[
        pltpu.VMEM((CHUNK * N_CLASSES,), jnp.float32),
        pltpu.VMEM((CHUNK * N_CLASSES,), jnp.float32),
        pltpu.VMEM((CHUNK,), jnp.int32),
        pltpu.VMEM((CHUNK,), jnp.int32),
        pltpu.VMEM((48,), jnp.float32),
        pltpu.VMEM((8192,), jnp.float32),
        pltpu.SemaphoreType.DMA,
        pltpu.SemaphoreType.DMA,
    ],
)
def _phase1(flat_hbm, lab_hbm, tbl_hbm, res_hbm,
            obuf_a, obuf_b, lbuf_a, lbuf_b, rbuf, tb, sem_a, sem_b):
    wid = _worker_id()
    base = wid * TOK_PER_W
    pltpu.sync_copy(tbl_hbm, tb)

    def start(ci, ob, lb, sem):
        tok0 = base + ci * CHUNK
        pltpu.async_copy(
            flat_hbm.at[pl.ds(tok0 * N_CLASSES, CHUNK * N_CLASSES)], ob, sem
        )
        pltpu.async_copy(lab_hbm.at[pl.ds(tok0, CHUNK)], lb, sem)

    def wait(ob, lb, sem):
        pltpu.make_async_copy(
            flat_hbm.at[pl.ds(0, CHUNK * N_CLASSES)], ob, sem
        ).wait()
        pltpu.make_async_copy(lab_hbm.at[pl.ds(0, CHUNK)], lb, sem).wait()

    def compute(ob, lb, carry):
        def vec_body(j, c2):
            s1, stot, cnt = c2
            p, lab = _gather_probs_and_labels(ob, lb, j)
            cost = _neg_log_tbl(p, tb)
            is_i = lab > 0
            stot = stot + cost
            s1 = s1 + jnp.where(is_i, cost, 0.0)
            cnt = cnt + jnp.where(is_i, 1.0, 0.0)
            return s1, stot, cnt

        return lax.fori_loop(0, CHUNK // LANES, vec_body, carry)

    start(0, obuf_a, lbuf_a, sem_a)
    start(1, obuf_b, lbuf_b, sem_b)

    def chunk_pair(i, carry):
        ci = 2 * i
        wait(obuf_a, lbuf_a, sem_a)
        carry = compute(obuf_a, lbuf_a, carry)

        @pl.when(ci + 2 < N_CHUNKS)
        def _():
            start(ci + 2, obuf_a, lbuf_a, sem_a)

        wait(obuf_b, lbuf_b, sem_b)
        carry = compute(obuf_b, lbuf_b, carry)

        @pl.when(ci + 3 < N_CHUNKS)
        def _():
            start(ci + 3, obuf_b, lbuf_b, sem_b)

        return carry

    zeros = jnp.zeros((LANES,), jnp.float32)
    s1, stot, cnt = lax.fori_loop(0, N_CHUNKS // 2, chunk_pair,
                                  (zeros, zeros, zeros))
    rbuf[pl.ds(0, LANES)] = s1
    rbuf[pl.ds(LANES, LANES)] = stot - s1
    rbuf[pl.ds(2 * LANES, LANES)] = cnt
    pltpu.sync_copy(rbuf, res_hbm.at[wid])


def _make_digit_pass(digit_idx):
    shift = 24 - 8 * digit_idx

    @functools.partial(
        pl.kernel,
        mesh=_mesh(),
        compiler_params=_CPARAMS,
        out_type=jax.ShapeDtypeStruct((NW, 256 * LANES), jnp.int32),
        scratch_types=[
            pltpu.VMEM((CHUNK * N_CLASSES,), jnp.float32),
            pltpu.VMEM((CHUNK,), jnp.int32),
            pltpu.VMEM((LANES,), jnp.int32),
            pltpu.VMEM((256 * LANES,), jnp.int32),
        ],
    )
    def _digit_pass(flat_hbm, lab_hbm, pref_hbm, hist_hbm,
                    obuf, lbuf, pbuf, hist):
        wid = _worker_id()
        base = wid * TOK_PER_W
        pltpu.sync_copy(pref_hbm, pbuf)
        prefix = pbuf[pl.ds(0, LANES)][0]
        zeros = jnp.zeros((LANES,), jnp.int32)

        def zero_body(i, _):
            hist[pl.ds(i * LANES, LANES)] = zeros
            return 0

        lax.fori_loop(0, 256, zero_body, 0)

        lane_iota = lax.iota(jnp.int32, LANES)
        ones = jnp.ones((LANES,), jnp.int32)

        def chunk_body(ci, _):
            tok0 = base + ci * CHUNK
            _copy_chunk(flat_hbm, lab_hbm, obuf, lbuf, tok0)

            def vec_body(j, _2):
                p, lab = _gather_probs_and_labels(obuf, lbuf, j)
                bits = plsc.bitcast(p, jnp.int32)
                digit = (bits >> shift) & 0xFF
                mask = lab == 0
                if digit_idx > 0:
                    mask = mask & ((bits >> (shift + 8)) == prefix)
                plsc.addupdate_scatter(hist, [digit * LANES + lane_iota], ones, mask=mask)
                return 0

            return lax.fori_loop(0, CHUNK // LANES, vec_body, 0)

        lax.fori_loop(0, N_CHUNKS, chunk_body, 0)
        pltpu.sync_copy(hist, hist_hbm.at[wid])

    return _digit_pass


@functools.partial(
    pl.kernel,
    mesh=_mesh(),
    compiler_params=_CPARAMS,
    out_type=jax.ShapeDtypeStruct((NW, 48), jnp.float32),
    scratch_types=[
        pltpu.VMEM((CHUNK * N_CLASSES,), jnp.float32),
        pltpu.VMEM((CHUNK,), jnp.int32),
        pltpu.VMEM((LANES,), jnp.int32),
        pltpu.VMEM((48,), jnp.float32),
    ],
)
def _below_pass(flat_hbm, lab_hbm, thr_hbm, res_hbm,
                obuf, lbuf, tbuf, rbuf):
    wid = _worker_id()
    base = wid * TOK_PER_W
    pltpu.sync_copy(thr_hbm, tbuf)
    threshold = tbuf[pl.ds(0, LANES)][0]

    def chunk_body(ci, carry):
        bsum, bcnt = carry
        tok0 = base + ci * CHUNK
        _copy_chunk(flat_hbm, lab_hbm, obuf, lbuf, tok0)

        def vec_body(j, c2):
            bsum, bcnt = c2
            p, lab = _gather_probs_and_labels(obuf, lbuf, j)
            bits = plsc.bitcast(p, jnp.int32)
            sel = (lab == 0) & (bits < threshold)
            cost = _neg_log(p)
            bsum = bsum + jnp.where(sel, cost, 0.0)
            bcnt = bcnt + jnp.where(sel, 1.0, 0.0)
            return bsum, bcnt

        return lax.fori_loop(0, CHUNK // LANES, vec_body, (bsum, bcnt))

    zeros = jnp.zeros((LANES,), jnp.float32)
    bsum, bcnt = lax.fori_loop(0, N_CHUNKS, chunk_body, (zeros, zeros))
    rbuf[pl.ds(0, LANES)] = bsum
    rbuf[pl.ds(LANES, LANES)] = bcnt
    rbuf[pl.ds(2 * LANES, LANES)] = jnp.zeros((LANES,), jnp.float32)
    pltpu.sync_copy(rbuf, res_hbm.at[wid])


_DIGIT_PASSES = [_make_digit_pass(d) for d in range(4)]


def _topk_fallback(flat, labels, s1, k, den):
    k = k.astype(jnp.int32)
    prefix = jnp.zeros((LANES,), jnp.int32)
    rank = k

    for d in range(4):
        hist = _DIGIT_PASSES[d](flat, labels, prefix)
        h = jnp.sum(hist.reshape(NW, 256, LANES), axis=(0, 2))
        cum = jnp.cumsum(h)
        bstar = jnp.argmax(cum >= rank).astype(jnp.int32)
        c_lt = cum[bstar] - h[bstar]
        rank = rank - c_lt
        prefix = prefix.at[0].set((prefix[0] << 8) | bstar)

    threshold_bits = prefix[0]
    below = _below_pass(flat, labels, prefix.at[0].set(threshold_bits))
    below = below.reshape(NW, 3, LANES)
    below_sum = jnp.sum(below[:, 0, :])
    below_cnt = jnp.sum(below[:, 1, :])
    thr_cost = -jnp.log(lax.bitcast_convert_type(threshold_bits, jnp.float32))
    topk_sum = below_sum + (k.astype(jnp.float32) - below_cnt) * thr_cost
    return (s1 + topk_sum) / den


def kernel(outputs, labels):
    flat = outputs.reshape(N_TOKENS // 128, 128, N_CLASSES)
    flat = flat.transpose(0, 2, 1).reshape(-1)
    parts = _phase1(flat, labels,
                    jnp.asarray(_TBL_HOST)).reshape(NW, 3, LANES)
    s1 = jnp.sum(parts[:, 0, :])
    s2 = jnp.sum(parts[:, 1, :])
    n_f = jnp.sum(parts[:, 2, :])
    n_i = jnp.round(n_f).astype(jnp.int32)
    m_i = N_TOKENS - n_i
    k = jnp.minimum((5 * n_i) // 2, m_i)
    den = ((7 * n_i) // 2).astype(jnp.float32)
    return lax.cond(
        k >= m_i,
        lambda: (s1 + s2) / den,
        lambda: _topk_fallback(flat, labels, s1, k, den),
    )

# --- scband reference (transcript-rebuilt; emitter-appended) ---
"""Pipeline reference for scband-multiclass-focal-loss-32615981646280 (READ-ONLY COPY).

The authoritative reference and input builder live on the scoring server;
editing this copy changes nothing except your own understanding.
"""

import jax, jax.numpy as jnp
import numpy as np

N_TOK = 2097152
N_CLS = 4


def setup_inputs(seed: int = 0) -> dict:
    key = jax.random.key(seed)
    k1, k2 = jax.random.split(key)
    # probabilities in (0,1); min bounded away from 0 so log() is finite
    outputs = jax.random.uniform(k1, (N_TOK, N_CLS), dtype=jnp.float32, minval=1e-6, maxval=1.0)
    labels = jax.random.randint(k2, (N_TOK,), 0, N_CLS, dtype=jnp.int32)
    return {"outputs": outputs, "labels": labels}


def reference(outputs, labels):
    lab = labels.reshape(-1, 1).astype(jnp.int32)
    # torch.gather(outputs, 1, labels.view(-1,1))
    costs = jnp.take_along_axis(outputs, lab, axis=1).reshape(-1)
    costs = -1.0 * jnp.log(costs)
    is_i = labels > 0    # type I: labels > 0
    is_ii = labels == 0  # type II: labels == 0
    N = jnp.sum(is_i).astype(jnp.int32)
    M = jnp.sum(is_ii).astype(jnp.int32)
    k = jnp.minimum((5 * N) // 2, M)  # int(2.5 * N) clamped like torch slicing
    type_i_sum = jnp.sum(jnp.where(is_i, costs, 0.0))
    masked_ii = jnp.where(is_ii, costs, -jnp.inf)
    type_ii_sorted = jnp.sort(masked_ii)[::-1]  # descending sort; non-type-II sink to the end
    trunc_sum = jnp.sum(jnp.where(jnp.arange(costs.shape[0]) < k, type_ii_sorted, 0.0))
    total_costs = (type_i_sum + trunc_sum) / ((7 * N) // 2) * 1.0
    return total_costs

if __name__ == "__main__":
    import jax
    _d = setup_inputs()
    print(jax.jit(kernel)(*tuple(_d.values())))

</pallas_src>

<mosaic_0001>
#map = affine_map<(d0, d1) -> (0)>
#map1 = affine_map<(d0, d1) -> (0, 0)>
module attributes {stable_mosaic.version = 14 : i64} {
  func.func @_digit_pass(%arg0: i32, %arg1: i32, %arg2: memref<8388608xf32, #tpu.memory_space<hbm>>, %arg3: memref<2097152xi32, #tpu.memory_space<hbm>>, %arg4: memref<16xi32, #tpu.memory_space<hbm>>, %arg5: memref<32x4096xi32, #tpu.memory_space<hbm>>, %arg6: memref<32768xf32, #tpu.memory_space<vmem>>, %arg7: memref<8192xi32, #tpu.memory_space<vmem>>, %arg8: memref<16xi32, #tpu.memory_space<vmem>>, %arg9: memref<4096xi32, #tpu.memory_space<vmem>>) attributes {dimension_semantics = [#tpu.dimension_semantics<core_parallel>, #tpu.dimension_semantics<subcore_parallel>], iteration_bounds = array<i64: 2, 16>, scalar_prefetch = 0 : i64, scratch_operands = 4 : i64, tpu.core_type = #tpu.core_type<sc_vector_subcore>, window_params = [{transform_indices = #map}, {transform_indices = #map}, {transform_indices = #map}, {transform_indices = #map1}]} {
    %mul3A = arith.constant 2 : i32
    %mul3A_0 = arith.muli %arg1, %mul3A : i32
    %add3A = arith.addi %mul3A_0, %arg0 : i32
    %mul3A_1 = arith.constant 65536 : i32
    %mul3A_2 = arith.muli %add3A, %mul3A_1 : i32
    "tpu.region"() ({
      %run_scoped3A = tpu.sem_alloc : memref<!tpu.dma_semaphore, #tpu.memory_space<semaphore_mem>>
      tpu.enqueue_dma source(%arg4 : memref<16xi32, #tpu.memory_space<hbm>>) target(%arg8 : memref<16xi32, #tpu.memory_space<vmem>>) target_semaphore(%run_scoped3A : memref<!tpu.dma_semaphore, #tpu.memory_space<semaphore_mem>>)
      tpu.wait_dma2 semaphore(%run_scoped3A : memref<!tpu.dma_semaphore, #tpu.memory_space<semaphore_mem>>) src(%arg4 : memref<16xi32, #tpu.memory_space<hbm>>) dst(%arg8 : memref<16xi32, #tpu.memory_space<vmem>>)
      tpu.yield
    }) : () -> ()
    %get3A = arith.constant 0 : index
    %get3A_3 = tpu.vector_load %arg8[%get3A] {strides = array<i32>} : memref<16xi32, #tpu.memory_space<vmem>>, vector<16xi32>,
    %slice3A = vector.extract_strided_slice %get3A_3 {offsets = [0], sizes = [1], strides = [1]} : vector<16xi32> to vector<1xi32>
    %squeeze3A = vector.extract %slice3A[0] : i32 from vector<1xi32>
    %broadcast_in_dim3A = arith.constant 0 : i32
    %broadcast_in_dim3A_4 = vector.broadcast %broadcast_in_dim3A : i32 to vector<16xi32>
    %scan3A = arith.constant 0 : i32
    %scan3A_5 = arith.constant 0 : i32
    %scan3A_6 = arith.constant 256 : i32
    %scan3A_7 = arith.addi %scan3A_5, %scan3A_6 : i32
    %scan3A_8 = arith.constant 1 : i32
    %scan3A_9 = scf.for %scan3A_20 = %scan3A_5 to %scan3A_7 step %scan3A_8 iter_args(%scan3A_21 = %scan3A) -> (i32)  : i32 {
      %mul3A_22 = arith.constant 16 : i32
      %mul3A_23 = arith.muli %scan3A_20, %mul3A_22 : i32
      %swap3A = arith.index_cast %mul3A_23 : i32 to index
      %swap3A_24 = tpu.vector_load %arg9[%swap3A] {strides = array<i32>} : memref<4096xi32, #tpu.memory_space<vmem>>, vector<16xi32>,
      tpu.vector_store %arg9[%swap3A], %broadcast_in_dim3A_4 {strides = array<i32>} : memref<4096xi32, #tpu.memory_space<vmem>>, vector<16xi32>,
      %scan3A_25 = arith.constant 0 : i32
      scf.yield %scan3A_25 : i32
    }
    %scan3A_10 = arith.constant 256 : i32
    %iota3A = tpu.iota {dimensions = array<i32: 0>} : vector<16xi32>
    %broadcast_in_dim3A_11 = arith.constant 1 : i32
    %broadcast_in_dim3A_12 = vector.broadcast %broadcast_in_dim3A_11 : i32 to vector<16xi32>
    %scan3A_13 = arith.constant 0 : i32
    %scan3A_14 = arith.constant 0 : i32
    %scan3A_15 = arith.constant 8 : i32
    %scan3A_16 = arith.addi %scan3A_14, %scan3A_15 : i32
    %scan3A_17 = arith.constant 1 : i32
    %scan3A_18 = scf.for %scan3A_20 = %scan3A_14 to %scan3A_16 step %scan3A_17 iter_args(%scan3A_21 = %scan3A_13) -> (i32)  : i32 {
      %mul3A_22 = arith.constant 8192 : i32
      %mul3A_23 = arith.muli %scan3A_20, %mul3A_22 : i32
      %add3A_24 = arith.addi %mul3A_2, %mul3A_23 : i32
      %mul3A_25 = arith.constant 4 : i32
      %mul3A_26 = arith.muli %add3A_24, %mul3A_25 : i32
      "tpu.region"() ({
        %run_scoped3A = tpu.sem_alloc : memref<!tpu.dma_semaphore, #tpu.memory_space<semaphore_mem>>
        %dma_start3A = tpu.memref_slice %arg2[%mul3A_26] : memref<8388608xf32, #tpu.memory_space<hbm>> -> memref<32768xf32, #tpu.memory_space<hbm>>
        %dma_start3A_34 = tpu.memref_slice %arg2[%mul3A_26] : memref<8388608xf32, #tpu.memory_space<hbm>> -> memref<32768xf32, #tpu.memory_space<hbm>>
        tpu.enqueue_dma source(%dma_start3A_34 : memref<32768xf32, #tpu.memory_space<hbm>>) target(%arg6 : memref<32768xf32, #tpu.memory_space<vmem>>) target_semaphore(%run_scoped3A : memref<!tpu.dma_semaphore, #tpu.memory_space<semaphore_mem>>)
        %dma_wait3A = tpu.memref_slice %arg2[%mul3A_26] : memref<8388608xf32, #tpu.memory_space<hbm>> -> memref<32768xf32, #tpu.memory_space<hbm>>
        %dma_wait3A_35 = tpu.memref_slice %arg2[%mul3A_26] : memref<8388608xf32, #tpu.memory_space<hbm>> -> memref<32768xf32, #tpu.memory_space<hbm>>
        tpu.wait_dma2 semaphore(%run_scoped3A : memref<!tpu.dma_semaphore, #tpu.memory_space<semaphore_mem>>) src(%dma_wait3A_35 : memref<32768xf32, #tpu.memory_space<hbm>>) dst(%arg6 : memref<32768xf32, #tpu.memory_space<vmem>>)
        tpu.yield
      }) : () -> ()
      "tpu.region"() ({
        %run_scoped3A = tpu.sem_alloc : memref<!tpu.dma_semaphore, #tpu.memory_space<semaphore_mem>>
        %dma_start3A = tpu.memref_slice %arg3[%add3A_24] : memref<2097152xi32, #tpu.memory_space<hbm>> -> memref<8192xi32, #tpu.memory_space<hbm>>
        %dma_start3A_34 = tpu.memref_slice %arg3[%add3A_24] : memref<2097152xi32, #tpu.memory_space<hbm>> -> memref<8192xi32, #tpu.memory_space<hbm>>
        tpu.enqueue_dma source(%dma_start3A_34 : memref<8192xi32, #tpu.memory_space<hbm>>) target(%arg7 : memref<8192xi32, #tpu.memory_space<vmem>>) target_semaphore(%run_scoped3A : memref<!tpu.dma_semaphore, #tpu.memory_space<semaphore_mem>>)
        %dma_wait3A = tpu.memref_slice %arg3[%add3A_24] : memref<2097152xi32, #tpu.memory_space<hbm>> -> memref<8192xi32, #tpu.memory_space<hbm>>
        %dma_wait3A_35 = tpu.memref_slice %arg3[%add3A_24] : memref<2097152xi32, #tpu.memory_space<hbm>> -> memref<8192xi32, #tpu.memory_space<hbm>>
        tpu.wait_dma2 semaphore(%run_scoped3A : memref<!tpu.dma_semaphore, #tpu.memory_space<semaphore_mem>>) src(%dma_wait3A_35 : memref<8192xi32, #tpu.memory_space<hbm>>) dst(%arg7 : memref<8192xi32, #tpu.memory_space<vmem>>)
        tpu.yield
      }) : () -> ()
      %scan3A_27 = arith.constant 0 : i32
      %scan3A_28 = arith.constant 0 : i32
      %scan3A_29 = arith.constant 512 : i32
      %scan3A_30 = arith.addi %scan3A_28, %scan3A_29 : i32
      %scan3A_31 = arith.constant 1 : i32
      %scan3A_32 = scf.for %scan3A_34 = %scan3A_28 to %scan3A_30 step %scan3A_31 iter_args(%scan3A_35 = %scan3A_27) -> (i32)  : i32 {
        %mul3A_36 = arith.constant 16 : i32
        %mul3A_37 = arith.muli %scan3A_34, %mul3A_36 : i32
        %get3A_38 = arith.index_cast %mul3A_37 : i32 to index
        %get3A_39 = tpu.vector_load %arg7[%get3A_38] {strides = array<i32>} : memref<8192xi32, #tpu.memory_space<vmem>>, vector<16xi32>,
        %shift_right_arithmetic3A = arith.constant 3 : i32
        %shift_right_arithmetic3A_40 = arith.shrsi %scan3A_34, %shift_right_arithmetic3A : i32
        %shift_left3A = arith.constant 9 : i32
        %shift_left3A_41 = arith.shli %shift_right_arithmetic3A_40, %shift_left3A : i32
        %mul3A_42 = arith.constant 16 : i32
        %mul3A_43 = arith.muli %scan3A_34, %mul3A_42 : i32
        %and3A = arith.constant 127 : i32
        %and3A_44 = arith.andi %mul3A_43, %and3A : i32
        %add3A_45 = arith.addi %shift_left3A_41, %and3A_44 : i32
        %shift_left3A_46 = arith.constant 7 : i32
        %shift_left3A_47 = vector.broadcast %shift_left3A_46 : i32 to vector<16xi32>
        %shift_left3A_48 = arith.shli %get3A_39, %shift_left3A_47 : vector<16xi32>
        %iota3A_49 = tpu.iota {dimensions = array<i32: 0>} : vector<16xi32>
        %add3A_50 = vector.broadcast %add3A_45 : i32 to vector<16xi32>
        %add3A_51 = arith.addi %iota3A_49, %add3A_50 : vector<16xi32>
        %add3A_52 = arith.addi %shift_left3A_48, %add3A_51 : vector<16xi32>
        %gather3A = tpu.vector_load_idx %arg6[%add3A_52] : memref<32768xf32, #tpu.memory_space<vmem>>[vector<16xi32>], vector<16xf32>,
        %bitcast3A = vector.bitcast %gather3A : vector<16xf32> to vector<16xi32>
        %shift_right_arithmetic3A_53 = arith.constant 0 : i32
        %shift_right_arithmetic3A_54 = vector.broadcast %shift_right_arithmetic3A_53 : i32 to vector<16xi32>
        %shift_right_arithmetic3A_55 = arith.shrsi %bitcast3A, %shift_right_arithmetic3A_54 : vector<16xi32>
        %and3A_56 = arith.constant 255 : i32
        %and3A_57 = vector.broadcast %and3A_56 : i32 to vector<16xi32>
        %and3A_58 = arith.andi %shift_right_arithmetic3A_55, %and3A_57 : vector<16xi32>
        %eq3A = arith.constant 0 : i32
        %eq3A_59 = vector.broadcast %eq3A : i32 to vector<16xi32>
        %eq3A_60 = arith.cmpi eq, %get3A_39, %eq3A_59 : vector<16xi32>
        %shift_right_arithmetic3A_61 = arith.constant 8 : i32
        %shift_right_arithmetic3A_62 = vector.broadcast %shift_right_arithmetic3A_61 : i32 to vector<16xi32>
        %shift_right_arithmetic3A_63 = arith.shrsi %bitcast3A, %shift_right_arithmetic3A_62 : vector<16xi32>
        %eq3A_64 = vector.broadcast %squeeze3A : i32 to vector<16xi32>
        %eq3A_65 = arith.cmpi eq, %shift_right_arithmetic3A_63, %eq3A_64 : vector<16xi32>
        %and3A_66 = arith.andi %eq3A_60, %eq3A_65 : vector<16xi1>
        %mul3A_67 = arith.constant 16 : i32
        %mul3A_68 = vector.broadcast %mul3A_67 : i32 to vector<16xi32>
        %mul3A_69 = arith.muli %and3A_58, %mul3A_68 : vector<16xi32>
        %add3A_70 = arith.addi %mul3A_69, %iota3A : vector<16xi32>
        tpu.vector_store_idx %arg9[%add3A_70], %broadcast_in_dim3A_12 masked %and3A_66 {add = true} : memref<4096xi32, #tpu.memory_space<vmem>>[vector<16xi32>], vector<16xi32>, vector<16xi1>
        %scan3A_71 = arith.constant 0 : i32
        scf.yield %scan3A_71 : i32
      }
      %scan3A_33 = arith.constant 512 : i32
      scf.yield %scan3A_32 : i32
    }
    %scan3A_19 = arith.constant 8 : i32
    "tpu.region"() ({
      %run_scoped3A = tpu.sem_alloc : memref<!tpu.dma_semaphore, #tpu.memory_space<semaphore_mem>>
      %dma_start3A = arith.constant 0 : i32
      %dma_start3A_20 = tpu.memref_slice %arg5[%add3A, %dma_start3A] : memref<32x4096xi32, #tpu.memory_space<hbm>> -> memref<1x4096xi32, #tpu.memory_space<hbm>>
      %dma_start3A_21 = tpu.memref_squeeze %dma_start3A_20 : memref<1x4096xi32, #tpu.memory_space<hbm>> -> memref<4096xi32, #tpu.memory_space<hbm>>
      %dma_start3A_22 = arith.constant 0 : i32
      %dma_start3A_23 = tpu.memref_slice %arg5[%add3A, %dma_start3A_22] : memref<32x4096xi32, #tpu.memory_space<hbm>> -> memref<1x4096xi32, #tpu.memory_space<hbm>>
      %dma_start3A_24 = tpu.memref_squeeze %dma_start3A_23 : memref<1x4096xi32, #tpu.memory_space<hbm>> -> memref<4096xi32, #tpu.memory_space<hbm>>
      tpu.enqueue_dma source(%arg9 : memref<4096xi32, #tpu.memory_space<vmem>>) target(%dma_start3A_24 : memref<4096xi32, #tpu.memory_space<hbm>>) target_semaphore(%run_scoped3A : memref<!tpu.dma_semaphore, #tpu.memory_space<semaphore_mem>>)
      %dma_wait3A = arith.constant 0 : i32
      %dma_wait3A_25 = tpu.memref_slice %arg5[%add3A, %dma_wait3A] : memref<32x4096xi32, #tpu.memory_space<hbm>> -> memref<1x4096xi32, #tpu.memory_space<hbm>>
      %dma_wait3A_26 = tpu.memref_squeeze %dma_wait3A_25 : memref<1x4096xi32, #tpu.memory_space<hbm>> -> memref<4096xi32, #tpu.memory_space<hbm>>
      %dma_wait3A_27 = arith.constant 0 : i32
      %dma_wait3A_28 = tpu.memref_slice %arg5[%add3A, %dma_wait3A_27] : memref<32x4096xi32, #tpu.memory_space<hbm>> -> memref<1x4096xi32, #tpu.memory_space<hbm>>
      %dma_wait3A_29 = tpu.memref_squeeze %dma_wait3A_28 : memref<1x4096xi32, #tpu.memory_space<hbm>> -> memref<4096xi32, #tpu.memory_space<hbm>>
      tpu.wait_dma2 semaphore(%run_scoped3A : memref<!tpu.dma_semaphore, #tpu.memory_space<semaphore_mem>>) src(%arg9 : memref<4096xi32, #tpu.memory_space<vmem>>) dst(%dma_wait3A_29 : memref<4096xi32, #tpu.memory_space<hbm>>)
      tpu.yield
    }) : () -> ()
    return
  }
}

#map = affine_map<(d0, d1) -> (0)>
#map1 = affine_map<(d0, d1) -> (0, 0)>
module attributes {stable_mosaic.version = 14 : i64} {
  func.func @_digit_pass(%arg0: i32, %arg1: i32, %arg2: memref<8388608xf32, #tpu.memory_space<hbm>>, %arg3: memref<2097152xi32, #tpu.memory_space<hbm>>, %arg4: memref<16xi32, #tpu.memory_space<hbm>>, %arg5: memref<32x4096xi32, #tpu.memory_space<hbm>>, %arg6: memref<32768xf32, #tpu.memory_space<vmem>>, %arg7: memref<8192xi32, #tpu.memory_space<vmem>>, %arg8: memref<16xi32, #tpu.memory_space<vmem>>, %arg9: memref<4096xi32, #tpu.memory_space<vmem>>) attributes {dimension_semantics = [#tpu.dimension_semantics<core_parallel>, #tpu.dimension_semantics<subcore_parallel>], iteration_bounds = array<i64: 2, 16>, scalar_prefetch = 0 : i64, scratch_operands = 4 : i64, tpu.core_type = #tpu.core_type<sc_vector_subcore>, window_params = [{transform_indices = #map}, {transform_indices = #map}, {transform_indices = #map}, {transform_indices = #map1}]} {
    %mul3A = arith.constant 2 : i32
    %mul3A_0 = arith.muli %arg1, %mul3A : i32
    %add3A = arith.addi %mul3A_0, %arg0 : i32
    %mul3A_1 = arith.constant 65536 : i32
    %mul3A_2 = arith.muli %add3A, %mul3A_1 : i32
    "tpu.region"() ({
      %run_scoped3A = tpu.sem_alloc : memref<!tpu.dma_semaphore, #tpu.memory_space<semaphore_mem>>
      tpu.enqueue_dma source(%arg4 : memref<16xi32, #tpu.memory_space<hbm>>) target(%arg8 : memref<16xi32, #tpu.memory_space<vmem>>) target_semaphore(%run_scoped3A : memref<!tpu.dma_semaphore, #tpu.memory_space<semaphore_mem>>)
      tpu.wait_dma2 semaphore(%run_scoped3A : memref<!tpu.dma_semaphore, #tpu.memory_space<semaphore_mem>>) src(%arg4 : memref<16xi32, #tpu.memory_space<hbm>>) dst(%arg8 : memref<16xi32, #tpu.memory_space<vmem>>)
      tpu.yield
    }) : () -> ()
    %get3A = arith.constant 0 : index
    %get3A_3 = tpu.vector_load %arg8[%get3A] {strides = array<i32>} : memref<16xi32, #tpu.memory_space<vmem>>, vector<16xi32>,
    %slice3A = vector.extract_strided_slice %get3A_3 {offsets = [0], sizes = [1], strides = [1]} : vector<16xi32> to vector<1xi32>
    %squeeze3A = vector.extract %slice3A[0] : i32 from vector<1xi32>
    %broadcast_in_dim3A = arith.constant 0 : i32
    %broadcast_in_dim3A_4 = vector.broadcast %broadcast_in_dim3A : i32 to vector<16xi32>
    %scan3A = arith.constant 0 : i32
    %scan3A_5 = arith.constant 0 : i32
    %scan3A_6 = arith.constant 256 : i32
    %scan3A_7 = arith.addi %scan3A_5, %scan3A_6 : i32
    %scan3A_8 = arith.constant 1 : i32
    %scan3A_9 = scf.for %scan3A_20 = %scan3A_5 to %scan3A_7 step %scan3A_8 iter_args(%scan3A_21 = %scan3A) -> (i32)  : i32 {
      %mul3A_22 = arith.constant 16 : i32
      %mul3A_23 = arith.muli %scan3A_20, %mul3A_22 : i32
      %swap3A = arith.index_cast %mul3A_23 : i32 to index
      %swap3A_24 = tpu.vector_load %arg9[%swap3A] {strides = array<i32>} : memref<4096xi32, #tpu.memory_space<vmem>>, vector<16xi32>,
      tpu.vector_store %arg9[%swap3A], %broadcast_in_dim3A_4 {strides = array<i32>} : memref<4096xi32, #tpu.memory_space<vmem>>, vector<16xi32>,
      %scan3A_25 = arith.constant 0 : i32
      scf.yield %scan3A_25 : i32
    }
    %scan3A_10 = arith.constant 256 : i32
    %iota3A = tpu.iota {dimensions = array<i32: 0>} : vector<16xi32>
    %broadcast_in_dim3A_11 = arith.constant 1 : i32
    %broadcast_in_dim3A_12 = vector.broadcast %broadcast_in_dim3A_11 : i32 to vector<16xi32>
    %scan3A_13 = arith.constant 0 : i32
    %scan3A_14 = arith.constant 0 : i32
    %scan3A_15 = arith.constant 8 : i32
    %scan3A_16 = arith.addi %scan3A_14, %scan3A_15 : i32
    %scan3A_17 = arith.constant 1 : i32
    %scan3A_18 = scf.for %scan3A_20 = %scan3A_14 to %scan3A_16 step %scan3A_17 iter_args(%scan3A_21 = %scan3A_13) -> (i32)  : i32 {
      %mul3A_22 = arith.constant 8192 : i32
      %mul3A_23 = arith.muli %scan3A_20, %mul3A_22 : i32
      %add3A_24 = arith.addi %mul3A_2, %mul3A_23 : i32
      %mul3A_25 = arith.constant 4 : i32
      %mul3A_26 = arith.muli %add3A_24, %mul3A_25 : i32
      "tpu.region"() ({
        %run_scoped3A = tpu.sem_alloc : memref<!tpu.dma_semaphore, #tpu.memory_space<semaphore_mem>>
        %dma_start3A = tpu.memref_slice %arg2[%mul3A_26] : memref<8388608xf32, #tpu.memory_space<hbm>> -> memref<32768xf32, #tpu.memory_space<hbm>>
        %dma_start3A_34 = tpu.memref_slice %arg2[%mul3A_26] : memref<8388608xf32, #tpu.memory_space<hbm>> -> memref<32768xf32, #tpu.memory_space<hbm>>
        tpu.enqueue_dma source(%dma_start3A_34 : memref<32768xf32, #tpu.memory_space<hbm>>) target(%arg6 : memref<32768xf32, #tpu.memory_space<vmem>>) target_semaphore(%run_scoped3A : memref<!tpu.dma_semaphore, #tpu.memory_space<semaphore_mem>>)
        %dma_wait3A = tpu.memref_slice %arg2[%mul3A_26] : memref<8388608xf32, #tpu.memory_space<hbm>> -> memref<32768xf32, #tpu.memory_space<hbm>>
        %dma_wait3A_35 = tpu.memref_slice %arg2[%mul3A_26] : memref<8388608xf32, #tpu.memory_space<hbm>> -> memref<32768xf32, #tpu.memory_space<hbm>>
        tpu.wait_dma2 semaphore(%run_scoped3A : memref<!tpu.dma_semaphore, #tpu.memory_space<semaphore_mem>>) src(%dma_wait3A_35 : memref<32768xf32, #tpu.memory_space<hbm>>) dst(%arg6 : memref<32768xf32, #tpu.memory_space<vmem>>)
        tpu.yield
      }) : () -> ()
      "tpu.region"() ({
        %run_scoped3A = tpu.sem_alloc : memref<!tpu.dma_semaphore, #tpu.memory_space<semaphore_mem>>
        %dma_start3A = tpu.memref_slice %arg3[%add3A_24] : memref<2097152xi32, #tpu.memory_space<hbm>> -> memref<8192xi32, #tpu.memory_space<hbm>>
        %dma_start3A_34 = tpu.memref_slice %arg3[%add3A_24] : memref<2097152xi32, #tpu.memory_space<hbm>> -> memref<8192xi32, #tpu.memory_space<hbm>>
        tpu.enqueue_dma source(%dma_start3A_34 : memref<8192xi32, #tpu.memory_space<hbm>>) target(%arg7 : memref<8192xi32, #tpu.memory_space<vmem>>) target_semaphore(%run_scoped3A : memref<!tpu.dma_semaphore, #tpu.memory_space<semaphore_mem>>)
        %dma_wait3A = tpu.memref_slice %arg3[%add3A_24] : memref<2097152xi32, #tpu.memory_space<hbm>> -> memref<8192xi32, #tpu.memory_space<hbm>>
        %dma_wait3A_35 = tpu.memref_slice %arg3[%add3A_24] : memref<2097152xi32, #tpu.memory_space<hbm>> -> memref<8192xi32, #tpu.memory_space<hbm>>
        tpu.wait_dma2 semaphore(%run_scoped3A : memref<!tpu.dma_semaphore, #tpu.memory_space<semaphore_mem>>) src(%dma_wait3A_35 : memref<8192xi32, #tpu.memory_space<hbm>>) dst(%arg7 : memref<8192xi32, #tpu.memory_space<vmem>>)
        tpu.yield
      }) : () -> ()
      %scan3A_27 = arith.constant 0 : i32
      %scan3A_28 = arith.constant 0 : i32
      %scan3A_29 = arith.constant 512 : i32
      %scan3A_30 = arith.addi %scan3A_28, %scan3A_29 : i32
      %scan3A_31 = arith.constant 1 : i32
      %scan3A_32 = scf.for %scan3A_34 = %scan3A_28 to %scan3A_30 step %scan3A_31 iter_args(%scan3A_35 = %scan3A_27) -> (i32)  : i32 {
        %mul3A_36 = arith.constant 16 : i32
        %mul3A_37 = arith.muli %scan3A_34, %mul3A_36 : i32
        %get3A_38 = arith.index_cast %mul3A_37 : i32 to index
        %get3A_39 = tpu.vector_load %arg7[%get3A_38] {strides = array<i32>} : memref<8192xi32, #tpu.memory_space<vmem>>, vector<16xi32>,
        %shift_right_arithmetic3A = arith.constant 3 : i32
        %shift_right_arithmetic3A_40 = arith.shrsi %scan3A_34, %shift_right_arithmetic3A : i32
        %shift_left3A = arith.constant 9 : i32
        %shift_left3A_41 = arith.shli %shift_right_arithmetic3A_40, %shift_left3A : i32
        %mul3A_42 = arith.constant 16 : i32
        %mul3A_43 = arith.muli %scan3A_34, %mul3A_42 : i32
        %and3A = arith.constant 127 : i32
        %and3A_44 = arith.andi %mul3A_43, %and3A : i32
        %add3A_45 = arith.addi %shift_left3A_41, %and3A_44 : i32
        %shift_left3A_46 = arith.constant 7 : i32
        %shift_left3A_47 = vector.broadcast %shift_left3A_46 : i32 to vector<16xi32>
        %shift_left3A_48 = arith.shli %get3A_39, %shift_left3A_47 : vector<16xi32>
        %iota3A_49 = tpu.iota {dimensions = array<i32: 0>} : vector<16xi32>
        %add3A_50 = vector.broadcast %add3A_45 : i32 to vector<16xi32>
        %add3A_51 = arith.addi %iota3A_49, %add3A_50 : vector<16xi32>
        %add3A_52 = arith.addi %shift_left3A_48, %add3A_51 : vector<16xi32>
        %gather3A = tpu.vector_load_idx %arg6[%add3A_52] : memref<32768xf32, #tpu.memory_space<vmem>>[vector<16xi32>], vector<16xf32>,
        %bitcast3A = vector.bitcast %gather3A : vector<16xf32> to vector<16xi32>
        %shift_right_arithmetic3A_53 = arith.constant 24 : i32
        %shift_right_arithmetic3A_54 = vector.broadcast %shift_right_arithmetic3A_53 : i32 to vector<16xi32>
        %shift_right_arithmetic3A_55 = arith.shrsi %bitcast3A, %shift_right_arithmetic3A_54 : vector<16xi32>
        %and3A_56 = arith.constant 255 : i32
        %and3A_57 = vector.broadcast %and3A_56 : i32 to vector<16xi32>
        %and3A_58 = arith.andi %shift_right_arithmetic3A_55, %and3A_57 : vector<16xi32>
        %eq3A = arith.constant 0 : i32
        %eq3A_59 = vector.broadcast %eq3A : i32 to vector<16xi32>
        %eq3A_60 = arith.cmpi eq, %get3A_39, %eq3A_59 : vector<16xi32>
        %mul3A_61 = arith.constant 16 : i32
        %mul3A_62 = vector.broadcast %mul3A_61 : i32 to vector<16xi32>
        %mul3A_63 = arith.muli %and3A_58, %mul3A_62 : vector<16xi32>
        %add3A_64 = arith.addi %mul3A_63, %iota3A : vector<16xi32>
        tpu.vector_store_idx %arg9[%add3A_64], %broadcast_in_dim3A_12 masked %eq3A_60 {add = true} : memref<4096xi32, #tpu.memory_space<vmem>>[vector<16xi32>], vector<16xi32>, vector<16xi1>
        %scan3A_65 = arith.constant 0 : i32
        scf.yield %scan3A_65 : i32
      }
      %scan3A_33 = arith.constant 512 : i32
      scf.yield %scan3A_32 : i32
    }
    %scan3A_19 = arith.constant 8 : i32
    "tpu.region"() ({
      %run_scoped3A = tpu.sem_alloc : memref<!tpu.dma_semaphore, #tpu.memory_space<semaphore_mem>>
      %dma_start3A = arith.constant 0 : i32
      %dma_start3A_20 = tpu.memref_slice %arg5[%add3A, %dma_start3A] : memref<32x4096xi32, #tpu.memory_space<hbm>> -> memref<1x4096xi32, #tpu.memory_space<hbm>>
      %dma_start3A_21 = tpu.memref_squeeze %dma_start3A_20 : memref<1x4096xi32, #tpu.memory_space<hbm>> -> memref<4096xi32, #tpu.memory_space<hbm>>
      %dma_start3A_22 = arith.constant 0 : i32
      %dma_start3A_23 = tpu.memref_slice %arg5[%add3A, %dma_start3A_22] : memref<32x4096xi32, #tpu.memory_space<hbm>> -> memref<1x4096xi32, #tpu.memory_space<hbm>>
      %dma_start3A_24 = tpu.memref_squeeze %dma_start3A_23 : memref<1x4096xi32, #tpu.memory_space<hbm>> -> memref<4096xi32, #tpu.memory_space<hbm>>
      tpu.enqueue_dma source(%arg9 : memref<4096xi32, #tpu.memory_space<vmem>>) target(%dma_start3A_24 : memref<4096xi32, #tpu.memory_space<hbm>>) target_semaphore(%run_scoped3A : memref<!tpu.dma_semaphore, #tpu.memory_space<semaphore_mem>>)
      %dma_wait3A = arith.constant 0 : i32
      %dma_wait3A_25 = tpu.memref_slice %arg5[%add3A, %dma_wait3A] : memref<32x4096xi32, #tpu.memory_space<hbm>> -> memref<1x4096xi32, #tpu.memory_space<hbm>>
      %dma_wait3A_26 = tpu.memref_squeeze %dma_wait3A_25 : memref<1x4096xi32, #tpu.memory_space<hbm>> -> memref<4096xi32, #tpu.memory_space<hbm>>
      %dma_wait3A_27 = arith.constant 0 : i32
      %dma_wait3A_28 = tpu.memref_slice %arg5[%add3A, %dma_wait3A_27] : memref<32x4096xi32, #tpu.memory_space<hbm>> -> memref<1x4096xi32, #tpu.memory_space<hbm>>
      %dma_wait3A_29 = tpu.memref_squeeze %dma_wait3A_28 : memref<1x4096xi32, #tpu.memory_space<hbm>> -> memref<4096xi32, #tpu.memory_space<hbm>>
      tpu.wait_dma2 semaphore(%run_scoped3A : memref<!tpu.dma_semaphore, #tpu.memory_space<semaphore_mem>>) src(%arg9 : memref<4096xi32, #tpu.memory_space<vmem>>) dst(%dma_wait3A_29 : memref<4096xi32, #tpu.memory_space<hbm>>)
      tpu.yield
    }) : () -> ()
    return
  }
}

#map = affine_map<(d0, d1) -> (0)>
#map1 = affine_map<(d0, d1) -> (0, 0)>
module attributes {stable_mosaic.version = 14 : i64} {
  func.func @_digit_pass(%arg0: i32, %arg1: i32, %arg2: memref<8388608xf32, #tpu.memory_space<hbm>>, %arg3: memref<2097152xi32, #tpu.memory_space<hbm>>, %arg4: memref<16xi32, #tpu.memory_space<hbm>>, %arg5: memref<32x4096xi32, #tpu.memory_space<hbm>>, %arg6: memref<32768xf32, #tpu.memory_space<vmem>>, %arg7: memref<8192xi32, #tpu.memory_space<vmem>>, %arg8: memref<16xi32, #tpu.memory_space<vmem>>, %arg9: memref<4096xi32, #tpu.memory_space<vmem>>) attributes {dimension_semantics = [#tpu.dimension_semantics<core_parallel>, #tpu.dimension_semantics<subcore_parallel>], iteration_bounds = array<i64: 2, 16>, scalar_prefetch = 0 : i64, scratch_operands = 4 : i64, tpu.core_type = #tpu.core_type<sc_vector_subcore>, window_params = [{transform_indices = #map}, {transform_indices = #map}, {transform_indices = #map}, {transform_indices = #map1}]} {
    %mul3A = arith.constant 2 : i32
    %mul3A_0 = arith.muli %arg1, %mul3A : i32
    %add3A = arith.addi %mul3A_0, %arg0 : i32
    %mul3A_1 = arith.constant 65536 : i32
    %mul3A_2 = arith.muli %add3A, %mul3A_1 : i32
    "tpu.region"() ({
      %run_scoped3A = tpu.sem_alloc : memref<!tpu.dma_semaphore, #tpu.memory_space<semaphore_mem>>
      tpu.enqueue_dma source(%arg4 : memref<16xi32, #tpu.memory_space<hbm>>) target(%arg8 : memref<16xi32, #tpu.memory_space<vmem>>) target_semaphore(%run_scoped3A : memref<!tpu.dma_semaphore, #tpu.memory_space<semaphore_mem>>)
      tpu.wait_dma2 semaphore(%run_scoped3A : memref<!tpu.dma_semaphore, #tpu.memory_space<semaphore_mem>>) src(%arg4 : memref<16xi32, #tpu.memory_space<hbm>>) dst(%arg8 : memref<16xi32, #tpu.memory_space<vmem>>)
      tpu.yield
    }) : () -> ()
    %get3A = arith.constant 0 : index
    %get3A_3 = tpu.vector_load %arg8[%get3A] {strides = array<i32>} : memref<16xi32, #tpu.memory_space<vmem>>, vector<16xi32>,
    %slice3A = vector.extract_strided_slice %get3A_3 {offsets = [0], sizes = [1], strides = [1]} : vector<16xi32> to vector<1xi32>
    %squeeze3A = vector.extract %slice3A[0] : i32 from vector<1xi32>
    %broadcast_in_dim3A = arith.constant 0 : i32
    %broadcast_in_dim3A_4 = vector.broadcast %broadcast_in_dim3A : i32 to vector<16xi32>
    %scan3A = arith.constant 0 : i32
    %scan3A_5 = arith.constant 0 : i32
    %scan3A_6 = arith.constant 256 : i32
    %scan3A_7 = arith.addi %scan3A_5, %scan3A_6 : i32
    %scan3A_8 = arith.constant 1 : i32
    %scan3A_9 = scf.for %scan3A_20 = %scan3A_5 to %scan3A_7 step %scan3A_8 iter_args(%scan3A_21 = %scan3A) -> (i32)  : i32 {
      %mul3A_22 = arith.constant 16 : i32
      %mul3A_23 = arith.muli %scan3A_20, %mul3A_22 : i32
      %swap3A = arith.index_cast %mul3A_23 : i32 to index
      %swap3A_24 = tpu.vector_load %arg9[%swap3A] {strides = array<i32>} : memref<4096xi32, #tpu.memory_space<vmem>>, vector<16xi32>,
      tpu.vector_store %arg9[%swap3A], %broadcast_in_dim3A_4 {strides = array<i32>} : memref<4096xi32, #tpu.memory_space<vmem>>, vector<16xi32>,
      %scan3A_25 = arith.constant 0 : i32
      scf.yield %scan3A_25 : i32
    }
    %scan3A_10 = arith.constant 256 : i32
    %iota3A = tpu.iota {dimensions = array<i32: 0>} : vector<16xi32>
    %broadcast_in_dim3A_11 = arith.constant 1 : i32
    %broadcast_in_dim3A_12 = vector.broadcast %broadcast_in_dim3A_11 : i32 to vector<16xi32>
    %scan3A_13 = arith.constant 0 : i32
    %scan3A_14 = arith.constant 0 : i32
    %scan3A_15 = arith.constant 8 : i32
    %scan3A_16 = arith.addi %scan3A_14, %scan3A_15 : i32
    %scan3A_17 = arith.constant 1 : i32
    %scan3A_18 = scf.for %scan3A_20 = %scan3A_14 to %scan3A_16 step %scan3A_17 iter_args(%scan3A_21 = %scan3A_13) -> (i32)  : i32 {
      %mul3A_22 = arith.constant 8192 : i32
      %mul3A_23 = arith.muli %scan3A_20, %mul3A_22 : i32
      %add3A_24 = arith.addi %mul3A_2, %mul3A_23 : i32
      %mul3A_25 = arith.constant 4 : i32
      %mul3A_26 = arith.muli %add3A_24, %mul3A_25 : i32
      "tpu.region"() ({
        %run_scoped3A = tpu.sem_alloc : memref<!tpu.dma_semaphore, #tpu.memory_space<semaphore_mem>>
        %dma_start3A = tpu.memref_slice %arg2[%mul3A_26] : memref<8388608xf32, #tpu.memory_space<hbm>> -> memref<32768xf32, #tpu.memory_space<hbm>>
        %dma_start3A_34 = tpu.memref_slice %arg2[%mul3A_26] : memref<8388608xf32, #tpu.memory_space<hbm>> -> memref<32768xf32, #tpu.memory_space<hbm>>
        tpu.enqueue_dma source(%dma_start3A_34 : memref<32768xf32, #tpu.memory_space<hbm>>) target(%arg6 : memref<32768xf32, #tpu.memory_space<vmem>>) target_semaphore(%run_scoped3A : memref<!tpu.dma_semaphore, #tpu.memory_space<semaphore_mem>>)
        %dma_wait3A = tpu.memref_slice %arg2[%mul3A_26] : memref<8388608xf32, #tpu.memory_space<hbm>> -> memref<32768xf32, #tpu.memory_space<hbm>>
        %dma_wait3A_35 = tpu.memref_slice %arg2[%mul3A_26] : memref<8388608xf32, #tpu.memory_space<hbm>> -> memref<32768xf32, #tpu.memory_space<hbm>>
        tpu.wait_dma2 semaphore(%run_scoped3A : memref<!tpu.dma_semaphore, #tpu.memory_space<semaphore_mem>>) src(%dma_wait3A_35 : memref<32768xf32, #tpu.memory_space<hbm>>) dst(%arg6 : memref<32768xf32, #tpu.memory_space<vmem>>)
        tpu.yield
      }) : () -> ()
      "tpu.region"() ({
        %run_scoped3A = tpu.sem_alloc : memref<!tpu.dma_semaphore, #tpu.memory_space<semaphore_mem>>
        %dma_start3A = tpu.memref_slice %arg3[%add3A_24] : memref<2097152xi32, #tpu.memory_space<hbm>> -> memref<8192xi32, #tpu.memory_space<hbm>>
        %dma_start3A_34 = tpu.memref_slice %arg3[%add3A_24] : memref<2097152xi32, #tpu.memory_space<hbm>> -> memref<8192xi32, #tpu.memory_space<hbm>>
        tpu.enqueue_dma source(%dma_start3A_34 : memref<8192xi32, #tpu.memory_space<hbm>>) target(%arg7 : memref<8192xi32, #tpu.memory_space<vmem>>) target_semaphore(%run_scoped3A : memref<!tpu.dma_semaphore, #tpu.memory_space<semaphore_mem>>)
        %dma_wait3A = tpu.memref_slice %arg3[%add3A_24] : memref<2097152xi32, #tpu.memory_space<hbm>> -> memref<8192xi32, #tpu.memory_space<hbm>>
        %dma_wait3A_35 = tpu.memref_slice %arg3[%add3A_24] : memref<2097152xi32, #tpu.memory_space<hbm>> -> memref<8192xi32, #tpu.memory_space<hbm>>
        tpu.wait_dma2 semaphore(%run_scoped3A : memref<!tpu.dma_semaphore, #tpu.memory_space<semaphore_mem>>) src(%dma_wait3A_35 : memref<8192xi32, #tpu.memory_space<hbm>>) dst(%arg7 : memref<8192xi32, #tpu.memory_space<vmem>>)
        tpu.yield
      }) : () -> ()
      %scan3A_27 = arith.constant 0 : i32
      %scan3A_28 = arith.constant 0 : i32
      %scan3A_29 = arith.constant 512 : i32
      %scan3A_30 = arith.addi %scan3A_28, %scan3A_29 : i32
      %scan3A_31 = arith.constant 1 : i32
      %scan3A_32 = scf.for %scan3A_34 = %scan3A_28 to %scan3A_30 step %scan3A_31 iter_args(%scan3A_35 = %scan3A_27) -> (i32)  : i32 {
        %mul3A_36 = arith.constant 16 : i32
        %mul3A_37 = arith.muli %scan3A_34, %mul3A_36 : i32
        %get3A_38 = arith.index_cast %mul3A_37 : i32 to index
        %get3A_39 = tpu.vector_load %arg7[%get3A_38] {strides = array<i32>} : memref<8192xi32, #tpu.memory_space<vmem>>, vector<16xi32>,
        %shift_right_arithmetic3A = arith.constant 3 : i32
        %shift_right_arithmetic3A_40 = arith.shrsi %scan3A_34, %shift_right_arithmetic3A : i32
        %shift_left3A = arith.constant 9 : i32
        %shift_left3A_41 = arith.shli %shift_right_arithmetic3A_40, %shift_left3A : i32
        %mul3A_42 = arith.constant 16 : i32
        %mul3A_43 = arith.muli %scan3A_34, %mul3A_42 : i32
        %and3A = arith.constant 127 : i32
        %and3A_44 = arith.andi %mul3A_43, %and3A : i32
        %add3A_45 = arith.addi %shift_left3A_41, %and3A_44 : i32
        %shift_left3A_46 = arith.constant 7 : i32
        %shift_left3A_47 = vector.broadcast %shift_left3A_46 : i32 to vector<16xi32>
        %shift_left3A_48 = arith.shli %get3A_39, %shift_left3A_47 : vector<16xi32>
        %iota3A_49 = tpu.iota {dimensions = array<i32: 0>} : vector<16xi32>
        %add3A_50 = vector.broadcast %add3A_45 : i32 to vector<16xi32>
        %add3A_51 = arith.addi %iota3A_49, %add3A_50 : vector<16xi32>
        %add3A_52 = arith.addi %shift_left3A_48, %add3A_51 : vector<16xi32>
        %gather3A = tpu.vector_load_idx %arg6[%add3A_52] : memref<32768xf32, #tpu.memory_space<vmem>>[vector<16xi32>], vector<16xf32>,
        %bitcast3A = vector.bitcast %gather3A : vector<16xf32> to vector<16xi32>
        %shift_right_arithmetic3A_53 = arith.constant 16 : i32
        %shift_right_arithmetic3A_54 = vector.broadcast %shift_right_arithmetic3A_53 : i32 to vector<16xi32>
        %shift_right_arithmetic3A_55 = arith.shrsi %bitcast3A, %shift_right_arithmetic3A_54 : vector<16xi32>
        %and3A_56 = arith.constant 255 : i32
        %and3A_57 = vector.broadcast %and3A_56 : i32 to vector<16xi32>
        %and3A_58 = arith.andi %shift_right_arithmetic3A_55, %and3A_57 : vector<16xi32>
        %eq3A = arith.constant 0 : i32
        %eq3A_59 = vector.broadcast %eq3A : i32 to vector<16xi32>
        %eq3A_60 = arith.cmpi eq, %get3A_39, %eq3A_59 : vector<16xi32>
        %shift_right_arithmetic3A_61 = arith.constant 24 : i32
        %shift_right_arithmetic3A_62 = vector.broadcast %shift_right_arithmetic3A_61 : i32 to vector<16xi32>
        %shift_right_arithmetic3A_63 = arith.shrsi %bitcast3A, %shift_right_arithmetic3A_62 : vector<16xi32>
        %eq3A_64 = vector.broadcast %squeeze3A : i32 to vector<16xi32>
        %eq3A_65 = arith.cmpi eq, %shift_right_arithmetic3A_63, %eq3A_64 : vector<16xi32>
        %and3A_66 = arith.andi %eq3A_60, %eq3A_65 : vector<16xi1>
        %mul3A_67 = arith.constant 16 : i32
        %mul3A_68 = vector.broadcast %mul3A_67 : i32 to vector<16xi32>
        %mul3A_69 = arith.muli %and3A_58, %mul3A_68 : vector<16xi32>
        %add3A_70 = arith.addi %mul3A_69, %iota3A : vector<16xi32>
        tpu.vector_store_idx %arg9[%add3A_70], %broadcast_in_dim3A_12 masked %and3A_66 {add = true} : memref<4096xi32, #tpu.memory_space<vmem>>[vector<16xi32>], vector<16xi32>, vector<16xi1>
        %scan3A_71 = arith.constant 0 : i32
        scf.yield %scan3A_71 : i32
      }
      %scan3A_33 = arith.constant 512 : i32
      scf.yield %scan3A_32 : i32
    }
    %scan3A_19 = arith.constant 8 : i32
    "tpu.region"() ({
      %run_scoped3A = tpu.sem_alloc : memref<!tpu.dma_semaphore, #tpu.memory_space<semaphore_mem>>
      %dma_start3A = arith.constant 0 : i32
      %dma_start3A_20 = tpu.memref_slice %arg5[%add3A, %dma_start3A] : memref<32x4096xi32, #tpu.memory_space<hbm>> -> memref<1x4096xi32, #tpu.memory_space<hbm>>
      %dma_start3A_21 = tpu.memref_squeeze %dma_start3A_20 : memref<1x4096xi32, #tpu.memory_space<hbm>> -> memref<4096xi32, #tpu.memory_space<hbm>>
      %dma_start3A_22 = arith.constant 0 : i32
      %dma_start3A_23 = tpu.memref_slice %arg5[%add3A, %dma_start3A_22] : memref<32x4096xi32, #tpu.memory_space<hbm>> -> memref<1x4096xi32, #tpu.memory_space<hbm>>
      %dma_start3A_24 = tpu.memref_squeeze %dma_start3A_23 : memref<1x4096xi32, #tpu.memory_space<hbm>> -> memref<4096xi32, #tpu.memory_space<hbm>>
      tpu.enqueue_dma source(%arg9 : memref<4096xi32, #tpu.memory_space<vmem>>) target(%dma_start3A_24 : memref<4096xi32, #tpu.memory_space<hbm>>) target_semaphore(%run_scoped3A : memref<!tpu.dma_semaphore, #tpu.memory_space<semaphore_mem>>)
      %dma_wait3A = arith.constant 0 : i32
      %dma_wait3A_25 = tpu.memref_slice %arg5[%add3A, %dma_wait3A] : memref<32x4096xi32, #tpu.memory_space<hbm>> -> memref<1x4096xi32, #tpu.memory_space<hbm>>
      %dma_wait3A_26 = tpu.memref_squeeze %dma_wait3A_25 : memref<1x4096xi32, #tpu.memory_space<hbm>> -> memref<4096xi32, #tpu.memory_space<hbm>>
      %dma_wait3A_27 = arith.constant 0 : i32
      %dma_wait3A_28 = tpu.memref_slice %arg5[%add3A, %dma_wait3A_27] : memref<32x4096xi32, #tpu.memory_space<hbm>> -> memref<1x4096xi32, #tpu.memory_space<hbm>>
      %dma_wait3A_29 = tpu.memref_squeeze %dma_wait3A_28 : memref<1x4096xi32, #tpu.memory_space<hbm>> -> memref<4096xi32, #tpu.memory_space<hbm>>
      tpu.wait_dma2 semaphore(%run_scoped3A : memref<!tpu.dma_semaphore, #tpu.memory_space<semaphore_mem>>) src(%arg9 : memref<4096xi32, #tpu.memory_space<vmem>>) dst(%dma_wait3A_29 : memref<4096xi32, #tpu.memory_space<hbm>>)
      tpu.yield
    }) : () -> ()
    return
  }
}

#map = affine_map<(d0, d1) -> (0)>
#map1 = affine_map<(d0, d1) -> (0, 0)>
module attributes {stable_mosaic.version = 14 : i64} {
  func.func @_digit_pass(%arg0: i32, %arg1: i32, %arg2: memref<8388608xf32, #tpu.memory_space<hbm>>, %arg3: memref<2097152xi32, #tpu.memory_space<hbm>>, %arg4: memref<16xi32, #tpu.memory_space<hbm>>, %arg5: memref<32x4096xi32, #tpu.memory_space<hbm>>, %arg6: memref<32768xf32, #tpu.memory_space<vmem>>, %arg7: memref<8192xi32, #tpu.memory_space<vmem>>, %arg8: memref<16xi32, #tpu.memory_space<vmem>>, %arg9: memref<4096xi32, #tpu.memory_space<vmem>>) attributes {dimension_semantics = [#tpu.dimension_semantics<core_parallel>, #tpu.dimension_semantics<subcore_parallel>], iteration_bounds = array<i64: 2, 16>, scalar_prefetch = 0 : i64, scratch_operands = 4 : i64, tpu.core_type = #tpu.core_type<sc_vector_subcore>, window_params = [{transform_indices = #map}, {transform_indices = #map}, {transform_indices = #map}, {transform_indices = #map1}]} {
    %mul3A = arith.constant 2 : i32
    %mul3A_0 = arith.muli %arg1, %mul3A : i32
    %add3A = arith.addi %mul3A_0, %arg0 : i32
    %mul3A_1 = arith.constant 65536 : i32
    %mul3A_2 = arith.muli %add3A, %mul3A_1 : i32
    "tpu.region"() ({
      %run_scoped3A = tpu.sem_alloc : memref<!tpu.dma_semaphore, #tpu.memory_space<semaphore_mem>>
      tpu.enqueue_dma source(%arg4 : memref<16xi32, #tpu.memory_space<hbm>>) target(%arg8 : memref<16xi32, #tpu.memory_space<vmem>>) target_semaphore(%run_scoped3A : memref<!tpu.dma_semaphore, #tpu.memory_space<semaphore_mem>>)
      tpu.wait_dma2 semaphore(%run_scoped3A : memref<!tpu.dma_semaphore, #tpu.memory_space<semaphore_mem>>) src(%arg4 : memref<16xi32, #tpu.memory_space<hbm>>) dst(%arg8 : memref<16xi32, #tpu.memory_space<vmem>>)
      tpu.yield
    }) : () -> ()
    %get3A = arith.constant 0 : index
    %get3A_3 = tpu.vector_load %arg8[%get3A] {strides = array<i32>} : memref<16xi32, #tpu.memory_space<vmem>>, vector<16xi32>,
    %slice3A = vector.extract_strided_slice %get3A_3 {offsets = [0], sizes = [1], strides = [1]} : vector<16xi32> to vector<1xi32>
    %squeeze3A = vector.extract %slice3A[0] : i32 from vector<1xi32>
    %broadcast_in_dim3A = arith.constant 0 : i32
    %broadcast_in_dim3A_4 = vector.broadcast %broadcast_in_dim3A : i32 to vector<16xi32>
    %scan3A = arith.constant 0 : i32
    %scan3A_5 = arith.constant 0 : i32
    %scan3A_6 = arith.constant 256 : i32
    %scan3A_7 = arith.addi %scan3A_5, %scan3A_6 : i32
    %scan3A_8 = arith.constant 1 : i32
    %scan3A_9 = scf.for %scan3A_20 = %scan3A_5 to %scan3A_7 step %scan3A_8 iter_args(%scan3A_21 = %scan3A) -> (i32)  : i32 {
      %mul3A_22 = arith.constant 16 : i32
      %mul3A_23 = arith.muli %scan3A_20, %mul3A_22 : i32
      %swap3A = arith.index_cast %mul3A_23 : i32 to index
      %swap3A_24 = tpu.vector_load %arg9[%swap3A] {strides = array<i32>} : memref<4096xi32, #tpu.memory_space<vmem>>, vector<16xi32>,
      tpu.vector_store %arg9[%swap3A], %broadcast_in_dim3A_4 {strides = array<i32>} : memref<4096xi32, #tpu.memory_space<vmem>>, vector<16xi32>,
      %scan3A_25 = arith.constant 0 : i32
      scf.yield %scan3A_25 : i32
    }
    %scan3A_10 = arith.constant 256 : i32
    %iota3A = tpu.iota {dimensions = array<i32: 0>} : vector<16xi32>
    %broadcast_in_dim3A_11 = arith.constant 1 : i32
    %broadcast_in_dim3A_12 = vector.broadcast %broadcast_in_dim3A_11 : i32 to vector<16xi32>
    %scan3A_13 = arith.constant 0 : i32
    %scan3A_14 = arith.constant 0 : i32
    %scan3A_15 = arith.constant 8 : i32
    %scan3A_16 = arith.addi %scan3A_14, %scan3A_15 : i32
    %scan3A_17 = arith.constant 1 : i32
    %scan3A_18 = scf.for %scan3A_20 = %scan3A_14 to %scan3A_16 step %scan3A_17 iter_args(%scan3A_21 = %scan3A_13) -> (i32)  : i32 {
      %mul3A_22 = arith.constant 8192 : i32
      %mul3A_23 = arith.muli %scan3A_20, %mul3A_22 : i32
      %add3A_24 = arith.addi %mul3A_2, %mul3A_23 : i32
      %mul3A_25 = arith.constant 4 : i32
      %mul3A_26 = arith.muli %add3A_24, %mul3A_25 : i32
      "tpu.region"() ({
        %run_scoped3A = tpu.sem_alloc : memref<!tpu.dma_semaphore, #tpu.memory_space<semaphore_mem>>
        %dma_start3A = tpu.memref_slice %arg2[%mul3A_26] : memref<8388608xf32, #tpu.memory_space<hbm>> -> memref<32768xf32, #tpu.memory_space<hbm>>
        %dma_start3A_34 = tpu.memref_slice %arg2[%mul3A_26] : memref<8388608xf32, #tpu.memory_space<hbm>> -> memref<32768xf32, #tpu.memory_space<hbm>>
        tpu.enqueue_dma source(%dma_start3A_34 : memref<32768xf32, #tpu.memory_space<hbm>>) target(%arg6 : memref<32768xf32, #tpu.memory_space<vmem>>) target_semaphore(%run_scoped3A : memref<!tpu.dma_semaphore, #tpu.memory_space<semaphore_mem>>)
        %dma_wait3A = tpu.memref_slice %arg2[%mul3A_26] : memref<8388608xf32, #tpu.memory_space<hbm>> -> memref<32768xf32, #tpu.memory_space<hbm>>
        %dma_wait3A_35 = tpu.memref_slice %arg2[%mul3A_26] : memref<8388608xf32, #tpu.memory_space<hbm>> -> memref<32768xf32, #tpu.memory_space<hbm>>
        tpu.wait_dma2 semaphore(%run_scoped3A : memref<!tpu.dma_semaphore, #tpu.memory_space<semaphore_mem>>) src(%dma_wait3A_35 : memref<32768xf32, #tpu.memory_space<hbm>>) dst(%arg6 : memref<32768xf32, #tpu.memory_space<vmem>>)
        tpu.yield
      }) : () -> ()
      "tpu.region"() ({
        %run_scoped3A = tpu.sem_alloc : memref<!tpu.dma_semaphore, #tpu.memory_space<semaphore_mem>>
        %dma_start3A = tpu.memref_slice %arg3[%add3A_24] : memref<2097152xi32, #tpu.memory_space<hbm>> -> memref<8192xi32, #tpu.memory_space<hbm>>
        %dma_start3A_34 = tpu.memref_slice %arg3[%add3A_24] : memref<2097152xi32, #tpu.memory_space<hbm>> -> memref<8192xi32, #tpu.memory_space<hbm>>
        tpu.enqueue_dma source(%dma_start3A_34 : memref<8192xi32, #tpu.memory_space<hbm>>) target(%arg7 : memref<8192xi32, #tpu.memory_space<vmem>>) target_semaphore(%run_scoped3A : memref<!tpu.dma_semaphore, #tpu.memory_space<semaphore_mem>>)
        %dma_wait3A = tpu.memref_slice %arg3[%add3A_24] : memref<2097152xi32, #tpu.memory_space<hbm>> -> memref<8192xi32, #tpu.memory_space<hbm>>
        %dma_wait3A_35 = tpu.memref_slice %arg3[%add3A_24] : memref<2097152xi32, #tpu.memory_space<hbm>> -> memref<8192xi32, #tpu.memory_space<hbm>>
        tpu.wait_dma2 semaphore(%run_scoped3A : memref<!tpu.dma_semaphore, #tpu.memory_space<semaphore_mem>>) src(%dma_wait3A_35 : memref<8192xi32, #tpu.memory_space<hbm>>) dst(%arg7 : memref<8192xi32, #tpu.memory_space<vmem>>)
        tpu.yield
      }) : () -> ()
      %scan3A_27 = arith.constant 0 : i32
      %scan3A_28 = arith.constant 0 : i32
      %scan3A_29 = arith.constant 512 : i32
      %scan3A_30 = arith.addi %scan3A_28, %scan3A_29 : i32
      %scan3A_31 = arith.constant 1 : i32
      %scan3A_32 = scf.for %scan3A_34 = %scan3A_28 to %scan3A_30 step %scan3A_31 iter_args(%scan3A_35 = %scan3A_27) -> (i32)  : i32 {
        %mul3A_36 = arith.constant 16 : i32
        %mul3A_37 = arith.muli %scan3A_34, %mul3A_36 : i32
        %get3A_38 = arith.index_cast %mul3A_37 : i32 to index
        %get3A_39 = tpu.vector_load %arg7[%get3A_38] {strides = array<i32>} : memref<8192xi32, #tpu.memory_space<vmem>>, vector<16xi32>,
        %shift_right_arithmetic3A = arith.constant 3 : i32
        %shift_right_arithmetic3A_40 = arith.shrsi %scan3A_34, %shift_right_arithmetic3A : i32
        %shift_left3A = arith.constant 9 : i32
        %shift_left3A_41 = arith.shli %shift_right_arithmetic3A_40, %shift_left3A : i32
        %mul3A_42 = arith.constant 16 : i32
        %mul3A_43 = arith.muli %scan3A_34, %mul3A_42 : i32
        %and3A = arith.constant 127 : i32
        %and3A_44 = arith.andi %mul3A_43, %and3A : i32
        %add3A_45 = arith.addi %shift_left3A_41, %and3A_44 : i32
        %shift_left3A_46 = arith.constant 7 : i32
        %shift_left3A_47 = vector.broadcast %shift_left3A_46 : i32 to vector<16xi32>
        %shift_left3A_48 = arith.shli %get3A_39, %shift_left3A_47 : vector<16xi32>
        %iota3A_49 = tpu.iota {dimensions = array<i32: 0>} : vector<16xi32>
        %add3A_50 = vector.broadcast %add3A_45 : i32 to vector<16xi32>
        %add3A_51 = arith.addi %iota3A_49, %add3A_50 : vector<16xi32>
        %add3A_52 = arith.addi %shift_left3A_48, %add3A_51 : vector<16xi32>
        %gather3A = tpu.vector_load_idx %arg6[%add3A_52] : memref<32768xf32, #tpu.memory_space<vmem>>[vector<16xi32>], vector<16xf32>,
        %bitcast3A = vector.bitcast %gather3A : vector<16xf32> to vector<16xi32>
        %shift_right_arithmetic3A_53 = arith.constant 8 : i32
        %shift_right_arithmetic3A_54 = vector.broadcast %shift_right_arithmetic3A_53 : i32 to vector<16xi32>
        %shift_right_arithmetic3A_55 = arith.shrsi %bitcast3A, %shift_right_arithmetic3A_54 : vector<16xi32>
        %and3A_56 = arith.constant 255 : i32
        %and3A_57 = vector.broadcast %and3A_56 : i32 to vector<16xi32>
        %and3A_58 = arith.andi %shift_right_arithmetic3A_55, %and3A_57 : vector<16xi32>
        %eq3A = arith.constant 0 : i32
        %eq3A_59 = vector.broadcast %eq3A : i32 to vector<16xi32>
        %eq3A_60 = arith.cmpi eq, %get3A_39, %eq3A_59 : vector<16xi32>
        %shift_right_arithmetic3A_61 = arith.constant 16 : i32
        %shift_right_arithmetic3A_62 = vector.broadcast %shift_right_arithmetic3A_61 : i32 to vector<16xi32>
        %shift_right_arithmetic3A_63 = arith.shrsi %bitcast3A, %shift_right_arithmetic3A_62 : vector<16xi32>
        %eq3A_64 = vector.broadcast %squeeze3A : i32 to vector<16xi32>
        %eq3A_65 = arith.cmpi eq, %shift_right_arithmetic3A_63, %eq3A_64 : vector<16xi32>
        %and3A_66 = arith.andi %eq3A_60, %eq3A_65 : vector<16xi1>
        %mul3A_67 = arith.constant 16 : i32
        %mul3A_68 = vector.broadcast %mul3A_67 : i32 to vector<16xi32>
        %mul3A_69 = arith.muli %and3A_58, %mul3A_68 : vector<16xi32>
        %add3A_70 = arith.addi %mul3A_69, %iota3A : vector<16xi32>
        tpu.vector_store_idx %arg9[%add3A_70], %broadcast_in_dim3A_12 masked %and3A_66 {add = true} : memref<4096xi32, #tpu.memory_space<vmem>>[vector<16xi32>], vector<16xi32>, vector<16xi1>
        %scan3A_71 = arith.constant 0 : i32
        scf.yield %scan3A_71 : i32
      }
      %scan3A_33 = arith.constant 512 : i32
      scf.yield %scan3A_32 : i32
    }
    %scan3A_19 = arith.constant 8 : i32
    "tpu.region"() ({
      %run_scoped3A = tpu.sem_alloc : memref<!tpu.dma_semaphore, #tpu.memory_space<semaphore_mem>>
      %dma_start3A = arith.constant 0 : i32
      %dma_start3A_20 = tpu.memref_slice %arg5[%add3A, %dma_start3A] : memref<32x4096xi32, #tpu.memory_space<hbm>> -> memref<1x4096xi32, #tpu.memory_space<hbm>>
      %dma_start3A_21 = tpu.memref_squeeze %dma_start3A_20 : memref<1x4096xi32, #tpu.memory_space<hbm>> -> memref<4096xi32, #tpu.memory_space<hbm>>
      %dma_start3A_22 = arith.constant 0 : i32
      %dma_start3A_23 = tpu.memref_slice %arg5[%add3A, %dma_start3A_22] : memref<32x4096xi32, #tpu.memory_space<hbm>> -> memref<1x4096xi32, #tpu.memory_space<hbm>>
      %dma_start3A_24 = tpu.memref_squeeze %dma_start3A_23 : memref<1x4096xi32, #tpu.memory_space<hbm>> -> memref<4096xi32, #tpu.memory_space<hbm>>
      tpu.enqueue_dma source(%arg9 : memref<4096xi32, #tpu.memory_space<vmem>>) target(%dma_start3A_24 : memref<4096xi32, #tpu.memory_space<hbm>>) target_semaphore(%run_scoped3A : memref<!tpu.dma_semaphore, #tpu.memory_space<semaphore_mem>>)
      %dma_wait3A = arith.constant 0 : i32
      %dma_wait3A_25 = tpu.memref_slice %arg5[%add3A, %dma_wait3A] : memref<32x4096xi32, #tpu.memory_space<hbm>> -> memref<1x4096xi32, #tpu.memory_space<hbm>>
      %dma_wait3A_26 = tpu.memref_squeeze %dma_wait3A_25 : memref<1x4096xi32, #tpu.memory_space<hbm>> -> memref<4096xi32, #tpu.memory_space<hbm>>
      %dma_wait3A_27 = arith.constant 0 : i32
      %dma_wait3A_28 = tpu.memref_slice %arg5[%add3A, %dma_wait3A_27] : memref<32x4096xi32, #tpu.memory_space<hbm>> -> memref<1x4096xi32, #tpu.memory_space<hbm>>
      %dma_wait3A_29 = tpu.memref_squeeze %dma_wait3A_28 : memref<1x4096xi32, #tpu.memory_space<hbm>> -> memref<4096xi32, #tpu.memory_space<hbm>>
      tpu.wait_dma2 semaphore(%run_scoped3A : memref<!tpu.dma_semaphore, #tpu.memory_space<semaphore_mem>>) src(%arg9 : memref<4096xi32, #tpu.memory_space<vmem>>) dst(%dma_wait3A_29 : memref<4096xi32, #tpu.memory_space<hbm>>)
      tpu.yield
    }) : () -> ()
    return
  }
}

#map = affine_map<(d0, d1) -> (0)>
#map1 = affine_map<(d0, d1) -> (0, 0)>
module attributes {stable_mosaic.version = 14 : i64} {
  func.func @_below_pass(%arg0: i32, %arg1: i32, %arg2: memref<8388608xf32, #tpu.memory_space<hbm>>, %arg3: memref<2097152xi32, #tpu.memory_space<hbm>>, %arg4: memref<16xi32, #tpu.memory_space<hbm>>, %arg5: memref<32x48xf32, #tpu.memory_space<hbm>>, %arg6: memref<32768xf32, #tpu.memory_space<vmem>>, %arg7: memref<8192xi32, #tpu.memory_space<vmem>>, %arg8: memref<16xi32, #tpu.memory_space<vmem>>, %arg9: memref<48xf32, #tpu.memory_space<vmem>>) attributes {dimension_semantics = [#tpu.dimension_semantics<core_parallel>, #tpu.dimension_semantics<subcore_parallel>], iteration_bounds = array<i64: 2, 16>, scalar_prefetch = 0 : i64, scratch_operands = 4 : i64, tpu.core_type = #tpu.core_type<sc_vector_subcore>, window_params = [{transform_indices = #map}, {transform_indices = #map}, {transform_indices = #map}, {transform_indices = #map1}]} {
    %mul3A = arith.constant 2 : i32
    %mul3A_0 = arith.muli %arg1, %mul3A : i32
    %add3A = arith.addi %mul3A_0, %arg0 : i32
    %mul3A_1 = arith.constant 65536 : i32
    %mul3A_2 = arith.muli %add3A, %mul3A_1 : i32
    "tpu.region"() ({
      %run_scoped3A = tpu.sem_alloc : memref<!tpu.dma_semaphore, #tpu.memory_space<semaphore_mem>>
      tpu.enqueue_dma source(%arg4 : memref<16xi32, #tpu.memory_space<hbm>>) target(%arg8 : memref<16xi32, #tpu.memory_space<vmem>>) target_semaphore(%run_scoped3A : memref<!tpu.dma_semaphore, #tpu.memory_space<semaphore_mem>>)
      tpu.wait_dma2 semaphore(%run_scoped3A : memref<!tpu.dma_semaphore, #tpu.memory_space<semaphore_mem>>) src(%arg4 : memref<16xi32, #tpu.memory_space<hbm>>) dst(%arg8 : memref<16xi32, #tpu.memory_space<vmem>>)
      tpu.yield
    }) : () -> ()
    %get3A = arith.constant 0 : index
    %get3A_3 = tpu.vector_load %arg8[%get3A] {strides = array<i32>} : memref<16xi32, #tpu.memory_space<vmem>>, vector<16xi32>,
    %slice3A = vector.extract_strided_slice %get3A_3 {offsets = [0], sizes = [1], strides = [1]} : vector<16xi32> to vector<1xi32>
    %squeeze3A = vector.extract %slice3A[0] : i32 from vector<1xi32>
    %broadcast_in_dim3A = arith.constant 0.000000e+00 : f32
    %broadcast_in_dim3A_4 = vector.broadcast %broadcast_in_dim3A : f32 to vector<16xf32>
    %scan3A = arith.constant 0 : i32
    %scan3A_5 = arith.constant 8 : i32
    %scan3A_6 = arith.addi %scan3A, %scan3A_5 : i32
    %scan3A_7 = arith.constant 1 : i32
    %scan3A_8:2 = scf.for %scan3A_17 = %scan3A to %scan3A_6 step %scan3A_7 iter_args(%scan3A_18 = %broadcast_in_dim3A_4, %scan3A_19 = %broadcast_in_dim3A_4) -> (vector<16xf32>, vector<16xf32>)  : i32 {
      %mul3A_20 = arith.constant 8192 : i32
      %mul3A_21 = arith.muli %scan3A_17, %mul3A_20 : i32
      %add3A_22 = arith.addi %mul3A_2, %mul3A_21 : i32
      %mul3A_23 = arith.constant 4 : i32
      %mul3A_24 = arith.muli %add3A_22, %mul3A_23 : i32
      "tpu.region"() ({
        %run_scoped3A = tpu.sem_alloc : memref<!tpu.dma_semaphore, #tpu.memory_space<semaphore_mem>>
        %dma_start3A = tpu.memref_slice %arg2[%mul3A_24] : memref<8388608xf32, #tpu.memory_space<hbm>> -> memref<32768xf32, #tpu.memory_space<hbm>>
        %dma_start3A_31 = tpu.memref_slice %arg2[%mul3A_24] : memref<8388608xf32, #tpu.memory_space<hbm>> -> memref<32768xf32, #tpu.memory_space<hbm>>
        tpu.enqueue_dma source(%dma_start3A_31 : memref<32768xf32, #tpu.memory_space<hbm>>) target(%arg6 : memref<32768xf32, #tpu.memory_space<vmem>>) target_semaphore(%run_scoped3A : memref<!tpu.dma_semaphore, #tpu.memory_space<semaphore_mem>>)
        %dma_wait3A = tpu.memref_slice %arg2[%mul3A_24] : memref<8388608xf32, #tpu.memory_space<hbm>> -> memref<32768xf32, #tpu.memory_space<hbm>>
        %dma_wait3A_32 = tpu.memref_slice %arg2[%mul3A_24] : memref<8388608xf32, #tpu.memory_space<hbm>> -> memref<32768xf32, #tpu.memory_space<hbm>>
        tpu.wait_dma2 semaphore(%run_scoped3A : memref<!tpu.dma_semaphore, #tpu.memory_space<semaphore_mem>>) src(%dma_wait3A_32 : memref<32768xf32, #tpu.memory_space<hbm>>) dst(%arg6 : memref<32768xf32, #tpu.memory_space<vmem>>)
        tpu.yield
      }) : () -> ()
      "tpu.region"() ({
        %run_scoped3A = tpu.sem_alloc : memref<!tpu.dma_semaphore, #tpu.memory_space<semaphore_mem>>
        %dma_start3A = tpu.memref_slice %arg3[%add3A_22] : memref<2097152xi32, #tpu.memory_space<hbm>> -> memref<8192xi32, #tpu.memory_space<hbm>>
        %dma_start3A_31 = tpu.memref_slice %arg3[%add3A_22] : memref<2097152xi32, #tpu.memory_space<hbm>> -> memref<8192xi32, #tpu.memory_space<hbm>>
        tpu.enqueue_dma source(%dma_start3A_31 : memref<8192xi32, #tpu.memory_space<hbm>>) target(%arg7 : memref<8192xi32, #tpu.memory_space<vmem>>) target_semaphore(%run_scoped3A : memref<!tpu.dma_semaphore, #tpu.memory_space<semaphore_mem>>)
        %dma_wait3A = tpu.memref_slice %arg3[%add3A_22] : memref<2097152xi32, #tpu.memory_space<hbm>> -> memref<8192xi32, #tpu.memory_space<hbm>>
        %dma_wait3A_32 = tpu.memref_slice %arg3[%add3A_22] : memref<2097152xi32, #tpu.memory_space<hbm>> -> memref<8192xi32, #tpu.memory_space<hbm>>
        tpu.wait_dma2 semaphore(%run_scoped3A : memref<!tpu.dma_semaphore, #tpu.memory_space<semaphore_mem>>) src(%dma_wait3A_32 : memref<8192xi32, #tpu.memory_space<hbm>>) dst(%arg7 : memref<8192xi32, #tpu.memory_space<vmem>>)
        tpu.yield
      }) : () -> ()
      %scan3A_25 = arith.constant 0 : i32
      %scan3A_26 = arith.constant 512 : i32
      %scan3A_27 = arith.addi %scan3A_25, %scan3A_26 : i32
      %scan3A_28 = arith.constant 1 : i32
      %scan3A_29:2 = scf.for %scan3A_31 = %scan3A_25 to %scan3A_27 step %scan3A_28 iter_args(%scan3A_32 = %scan3A_18, %scan3A_33 = %scan3A_19) -> (vector<16xf32>, vector<16xf32>)  : i32 {
        %mul3A_34 = arith.constant 16 : i32
        %mul3A_35 = arith.muli %scan3A_31, %mul3A_34 : i32
        %get3A_36 = arith.index_cast %mul3A_35 : i32 to index
        %get3A_37 = tpu.vector_load %arg7[%get3A_36] {strides = array<i32>} : memref<8192xi32, #tpu.memory_space<vmem>>, vector<16xi32>,
        %shift_right_arithmetic3A = arith.constant 3 : i32
        %shift_right_arithmetic3A_38 = arith.shrsi %scan3A_31, %shift_right_arithmetic3A : i32
        %shift_left3A = arith.constant 9 : i32
        %shift_left3A_39 = arith.shli %shift_right_arithmetic3A_38, %shift_left3A : i32
        %mul3A_40 = arith.constant 16 : i32
        %mul3A_41 = arith.muli %scan3A_31, %mul3A_40 : i32
        %and3A = arith.constant 127 : i32
        %and3A_42 = arith.andi %mul3A_41, %and3A : i32
        %add3A_43 = arith.addi %shift_left3A_39, %and3A_42 : i32
        %shift_left3A_44 = arith.constant 7 : i32
        %shift_left3A_45 = vector.broadcast %shift_left3A_44 : i32 to vector<16xi32>
        %shift_left3A_46 = arith.shli %get3A_37, %shift_left3A_45 : vector<16xi32>
        %iota3A = tpu.iota {dimensions = array<i32: 0>} : vector<16xi32>
        %add3A_47 = vector.broadcast %add3A_43 : i32 to vector<16xi32>
        %add3A_48 = arith.addi %iota3A, %add3A_47 : vector<16xi32>
        %add3A_49 = arith.addi %shift_left3A_46, %add3A_48 : vector<16xi32>
        %gather3A = tpu.vector_load_idx %arg6[%add3A_49] : memref<32768xf32, #tpu.memory_space<vmem>>[vector<16xi32>], vector<16xf32>,
        %bitcast3A = vector.bitcast %gather3A : vector<16xf32> to vector<16xi32>
        %eq3A = arith.constant 0 : i32
        %eq3A_50 = vector.broadcast %eq3A : i32 to vector<16xi32>
        %eq3A_51 = arith.cmpi eq, %get3A_37, %eq3A_50 : vector<16xi32>
        %lt3A = vector.broadcast %squeeze3A : i32 to vector<16xi32>
        %lt3A_52 = arith.cmpi slt, %bitcast3A, %lt3A : vector<16xi32>
        %and3A_53 = arith.andi %eq3A_51, %lt3A_52 : vector<16xi1>
        %bitcast3A_54 = vector.bitcast %gather3A : vector<16xf32> to vector<16xi32>
        %shift_right_arithmetic3A_55 = arith.constant 23 : i32
        %shift_right_arithmetic3A_56 = vector.broadcast %shift_right_arithmetic3A_55 : i32 to vector<16xi32>
        %shift_right_arithmetic3A_57 = arith.shrsi %bitcast3A_54, %shift_right_arithmetic3A_56 : vector<16xi32>
        %sub3A = arith.constant 127 : i32
        %sub3A_58 = vector.broadcast %sub3A : i32 to vector<16xi32>
        %sub3A_59 = arith.subi %shift_right_arithmetic3A_57, %sub3A_58 : vector<16xi32>
        %and3A_60 = arith.constant 8388607 : i32
        %and3A_61 = vector.broadcast %and3A_60 : i32 to vector<16xi32>
        %and3A_62 = arith.andi %bitcast3A_54, %and3A_61 : vector<16xi32>
        %or3A = arith.constant 1065353216 : i32
        %or3A_63 = vector.broadcast %or3A : i32 to vector<16xi32>
        %or3A_64 = arith.ori %and3A_62, %or3A_63 : vector<16xi32>
        %bitcast3A_65 = vector.bitcast %or3A_64 : vector<16xi32> to vector<16xf32>
        %gt3A = arith.constant 1.41421354 : f32
        %gt3A_66 = vector.broadcast %gt3A : f32 to vector<16xf32>
        %gt3A_67 = arith.cmpf ogt, %bitcast3A_65, %gt3A_66 : vector<16xf32>
        %mul3A_68 = arith.constant 5.000000e-01 : f32
        %mul3A_69 = vector.broadcast %mul3A_68 : f32 to vector<16xf32>
        %mul3A_70 = arith.mulf %bitcast3A_65, %mul3A_69 : vector<16xf32>
        %select_n3A = arith.select %gt3A_67, %mul3A_70, %bitcast3A_65 : vector<16xi1>, vector<16xf32>
        %convert_element_type3A = arith.sitofp %sub3A_59 : vector<16xi32> to vector<16xf32>
        %jit3A = arith.constant 1.000000e+00 : f32
        %jit3A_71 = arith.constant 0.000000e+00 : f32
        %broadcast_in_dim3A_72 = vector.broadcast %jit3A : f32 to vector<16xf32>
        %broadcast_in_dim3A_73 = vector.broadcast %jit3A_71 : f32 to vector<16xf32>
        %select_n3A_74 = arith.select %gt3A_67, %broadcast_in_dim3A_72, %broadcast_in_dim3A_73 : vector<16xi1>, vector<16xf32>
        %add3A_75 = arith.addf %convert_element_type3A, %select_n3A_74 : vector<16xf32>
        %sub3A_76 = arith.constant 1.000000e+00 : f32
        %sub3A_77 = vector.broadcast %sub3A_76 : f32 to vector<16xf32>
        %sub3A_78 = arith.subf %select_n3A, %sub3A_77 : vector<16xf32>
        %add3A_79 = arith.constant 1.000000e+00 : f32
        %add3A_80 = vector.broadcast %add3A_79 : f32 to vector<16xf32>
        %add3A_81 = arith.addf %select_n3A, %add3A_80 : vector<16xf32>
        %div3A = arith.divf %sub3A_78, %add3A_81 : vector<16xf32>
        %mul3A_82 = arith.mulf %div3A, %div3A : vector<16xf32>
        %mul3A_83 = arith.constant 0.111111112 : f32
        %mul3A_84 = vector.broadcast %mul3A_83 : f32 to vector<16xf32>
        %mul3A_85 = arith.mulf %mul3A_82, %mul3A_84 : vector<16xf32>
        %add3A_86 = arith.constant 0.142857149 : f32
        %add3A_87 = vector.broadcast %add3A_86 : f32 to vector<16xf32>
        %add3A_88 = arith.addf %add3A_87, %mul3A_85 : vector<16xf32>
        %mul3A_89 = arith.mulf %mul3A_82, %add3A_88 : vector<16xf32>
        %add3A_90 = arith.constant 2.000000e-01 : f32
        %add3A_91 = vector.broadcast %add3A_90 : f32 to vector<16xf32>
        %add3A_92 = arith.addf %add3A_91, %mul3A_89 : vector<16xf32>
        %mul3A_93 = arith.mulf %mul3A_82, %add3A_92 : vector<16xf32>
        %add3A_94 = arith.constant 0.333333343 : f32
        %add3A_95 = vector.broadcast %add3A_94 : f32 to vector<16xf32>
        %add3A_96 = arith.addf %add3A_95, %mul3A_93 : vector<16xf32>
        %mul3A_97 = arith.mulf %mul3A_82, %add3A_96 : vector<16xf32>
        %add3A_98 = arith.constant 1.000000e+00 : f32
        %add3A_99 = vector.broadcast %add3A_98 : f32 to vector<16xf32>
        %add3A_100 = arith.addf %add3A_99, %mul3A_97 : vector<16xf32>
        %mul3A_101 = arith.constant 2.000000e+00 : f32
        %mul3A_102 = vector.broadcast %mul3A_101 : f32 to vector<16xf32>
        %mul3A_103 = arith.mulf %mul3A_102, %div3A : vector<16xf32>
        %mul3A_104 = arith.mulf %mul3A_103, %add3A_100 : vector<16xf32>
        %mul3A_105 = arith.constant 0.693147182 : f32
        %mul3A_106 = vector.broadcast %mul3A_105 : f32 to vector<16xf32>
        %mul3A_107 = arith.mulf %add3A_75, %mul3A_106 : vector<16xf32>
        %add3A_108 = arith.addf %mul3A_107, %mul3A_104 : vector<16xf32>
        %neg3A = arith.constant 0.000000e+00 : f32
        %neg3A_109 = vector.broadcast %neg3A : f32 to vector<16xf32>
        %neg3A_110 = arith.subf %neg3A_109, %add3A_108 : vector<16xf32>
        %jit3A_111 = arith.constant 0.000000e+00 : f32
        %broadcast_in_dim3A_112 = vector.broadcast %jit3A_111 : f32 to vector<16xf32>
        %select_n3A_113 = arith.select %and3A_53, %neg3A_110, %broadcast_in_dim3A_112 : vector<16xi1>, vector<16xf32>
        %add3A_114 = arith.addf %scan3A_32, %select_n3A_113 : vector<16xf32>
        %jit3A_115 = arith.constant 1.000000e+00 : f32
        %jit3A_116 = arith.constant 0.000000e+00 : f32
        %broadcast_in_dim3A_117 = vector.broadcast %jit3A_115 : f32 to vector<16xf32>
        %broadcast_in_dim3A_118 = vector.broadcast %jit3A_116 : f32 to vector<16xf32>
        %select_n3A_119 = arith.select %and3A_53, %broadcast_in_dim3A_117, %broadcast_in_dim3A_118 : vector<16xi1>, vector<16xf32>
        %add3A_120 = arith.addf %scan3A_33, %select_n3A_119 : vector<16xf32>
        scf.yield %add3A_114, %add3A_120 : vector<16xf32>, vector<16xf32>
      }
      %scan3A_30 = arith.constant 512 : i32
      scf.yield %scan3A_29#0, %scan3A_29#1 : vector<16xf32>, vector<16xf32>
    }
    %scan3A_9 = arith.constant 8 : i32
    %swap3A = arith.constant 0 : index
    %swap3A_10 = tpu.vector_load %arg9[%swap3A] {strides = array<i32>} : memref<48xf32, #tpu.memory_space<vmem>>, vector<16xf32>,
    tpu.vector_store %arg9[%swap3A], %scan3A_8#0 {strides = array<i32>} : memref<48xf32, #tpu.memory_space<vmem>>, vector<16xf32>,
    %swap3A_11 = arith.constant 16 : index
    %swap3A_12 = tpu.vector_load %arg9[%swap3A_11] {strides = array<i32>} : memref<48xf32, #tpu.memory_space<vmem>>, vector<16xf32>,
    tpu.vector_store %arg9[%swap3A_11], %scan3A_8#1 {strides = array<i32>} : memref<48xf32, #tpu.memory_space<vmem>>, vector<16xf32>,
    %broadcast_in_dim3A_13 = arith.constant 0.000000e+00 : f32
    %broadcast_in_dim3A_14 = vector.broadcast %broadcast_in_dim3A_13 : f32 to vector<16xf32>
    %swap3A_15 = arith.constant 32 : index
    %swap3A_16 = tpu.vector_load %arg9[%swap3A_15] {strides = array<i32>} : memref<48xf32, #tpu.memory_space<vmem>>, vector<16xf32>,
    tpu.vector_store %arg9[%swap3A_15], %broadcast_in_dim3A_14 {strides = array<i32>} : memref<48xf32, #tpu.memory_space<vmem>>, vector<16xf32>,
    "tpu.region"() ({
      %run_scoped3A = tpu.sem_alloc : memref<!tpu.dma_semaphore, #tpu.memory_space<semaphore_mem>>
      %dma_start3A = arith.constant 0 : i32
      %dma_start3A_17 = tpu.memref_slice %arg5[%add3A, %dma_start3A] : memref<32x48xf32, #tpu.memory_space<hbm>> -> memref<1x48xf32, #tpu.memory_space<hbm>>
      %dma_start3A_18 = tpu.memref_squeeze %dma_start3A_17 : memref<1x48xf32, #tpu.memory_space<hbm>> -> memref<48xf32, #tpu.memory_space<hbm>>
      %dma_start3A_19 = arith.constant 0 : i32
      %dma_start3A_20 = tpu.memref_slice %arg5[%add3A, %dma_start3A_19] : memref<32x48xf32, #tpu.memory_space<hbm>> -> memref<1x48xf32, #tpu.memory_space<hbm>>
      %dma_start3A_21 = tpu.memref_squeeze %dma_start3A_20 : memref<1x48xf32, #tpu.memory_space<hbm>> -> memref<48xf32, #tpu.memory_space<hbm>>
      tpu.enqueue_dma source(%arg9 : memref<48xf32, #tpu.memory_space<vmem>>) target(%dma_start3A_21 : memref<48xf32, #tpu.memory_space<hbm>>) target_semaphore(%run_scoped3A : memref<!tpu.dma_semaphore, #tpu.memory_space<semaphore_mem>>)
      %dma_wait3A = arith.constant 0 : i32
      %dma_wait3A_22 = tpu.memref_slice %arg5[%add3A, %dma_wait3A] : memref<32x48xf32, #tpu.memory_space<hbm>> -> memref<1x48xf32, #tpu.memory_space<hbm>>
      %dma_wait3A_23 = tpu.memref_squeeze %dma_wait3A_22 : memref<1x48xf32, #tpu.memory_space<hbm>> -> memref<48xf32, #tpu.memory_space<hbm>>
      %dma_wait3A_24 = arith.constant 0 : i32
      %dma_wait3A_25 = tpu.memref_slice %arg5[%add3A, %dma_wait3A_24] : memref<32x48xf32, #tpu.memory_space<hbm>> -> memref<1x48xf32, #tpu.memory_space<hbm>>
      %dma_wait3A_26 = tpu.memref_squeeze %dma_wait3A_25 : memref<1x48xf32, #tpu.memory_space<hbm>> -> memref<48xf32, #tpu.memory_space<hbm>>
      tpu.wait_dma2 semaphore(%run_scoped3A : memref<!tpu.dma_semaphore, #tpu.memory_space<semaphore_mem>>) src(%arg9 : memref<48xf32, #tpu.memory_space<vmem>>) dst(%dma_wait3A_26 : memref<48xf32, #tpu.memory_space<hbm>>)
      tpu.yield
    }) : () -> ()
    return
  }
}

#map = affine_map<(d0, d1) -> (0)>
#map1 = affine_map<(d0, d1) -> (0, 0)>
module attributes {stable_mosaic.version = 14 : i64} {
  func.func @_phase1(%arg0: i32, %arg1: i32, %arg2: memref<8388608xf32, #tpu.memory_space<hbm>>, %arg3: memref<2097152xi32, #tpu.memory_space<hbm>>, %arg4: memref<8192xf32, #tpu.memory_space<hbm>>, %arg5: memref<32x48xf32, #tpu.memory_space<hbm>>, %arg6: memref<32768xf32, #tpu.memory_space<vmem>>, %arg7: memref<32768xf32, #tpu.memory_space<vmem>>, %arg8: memref<8192xi32, #tpu.memory_space<vmem>>, %arg9: memref<8192xi32, #tpu.memory_space<vmem>>, %arg10: memref<48xf32, #tpu.memory_space<vmem>>, %arg11: memref<8192xf32, #tpu.memory_space<vmem>>, %arg12: memref<!tpu.dma_semaphore, #tpu.memory_space<semaphore_mem>>, %arg13: memref<!tpu.dma_semaphore, #tpu.memory_space<semaphore_mem>>) attributes {dimension_semantics = [#tpu.dimension_semantics<core_parallel>, #tpu.dimension_semantics<subcore_parallel>], iteration_bounds = array<i64: 2, 16>, scalar_prefetch = 0 : i64, scratch_operands = 8 : i64, tpu.core_type = #tpu.core_type<sc_vector_subcore>, window_params = [{transform_indices = #map}, {transform_indices = #map}, {transform_indices = #map}, {transform_indices = #map1}]} {
    %mul3A = arith.constant 2 : i32
    %mul3A_0 = arith.muli %arg1, %mul3A : i32
    %add3A = arith.addi %mul3A_0, %arg0 : i32
    %mul3A_1 = arith.constant 65536 : i32
    %mul3A_2 = arith.muli %add3A, %mul3A_1 : i32
    "tpu.region"() ({
      %run_scoped3A = tpu.sem_alloc : memref<!tpu.dma_semaphore, #tpu.memory_space<semaphore_mem>>
      tpu.enqueue_dma source(%arg4 : memref<8192xf32, #tpu.memory_space<hbm>>) target(%arg11 : memref<8192xf32, #tpu.memory_space<vmem>>) target_semaphore(%run_scoped3A : memref<!tpu.dma_semaphore, #tpu.memory_space<semaphore_mem>>)
      tpu.wait_dma2 semaphore(%run_scoped3A : memref<!tpu.dma_semaphore, #tpu.memory_space<semaphore_mem>>) src(%arg4 : memref<8192xf32, #tpu.memory_space<hbm>>) dst(%arg11 : memref<8192xf32, #tpu.memory_space<vmem>>)
      tpu.yield
    }) : () -> ()
    %add3A_3 = arith.constant 0 : i32
    %add3A_4 = arith.addi %mul3A_2, %add3A_3 : i32
    %mul3A_5 = arith.constant 4 : i32
    %mul3A_6 = arith.muli %add3A_4, %mul3A_5 : i32
    %dma_start3A = tpu.memref_slice %arg2[%mul3A_6] : memref<8388608xf32, #tpu.memory_space<hbm>> -> memref<32768xf32, #tpu.memory_space<hbm>>
    %dma_start3A_7 = tpu.memref_slice %arg2[%mul3A_6] : memref<8388608xf32, #tpu.memory_space<hbm>> -> memref<32768xf32, #tpu.memory_space<hbm>>
    tpu.enqueue_dma source(%dma_start3A_7 : memref<32768xf32, #tpu.memory_space<hbm>>) target(%arg6 : memref<32768xf32, #tpu.memory_space<vmem>>) target_semaphore(%arg12 : memref<!tpu.dma_semaphore, #tpu.memory_space<semaphore_mem>>)
    %dma_start3A_8 = tpu.memref_slice %arg3[%add3A_4] : memref<2097152xi32, #tpu.memory_space<hbm>> -> memref<8192xi32, #tpu.memory_space<hbm>>
    %dma_start3A_9 = tpu.memref_slice %arg3[%add3A_4] : memref<2097152xi32, #tpu.memory_space<hbm>> -> memref<8192xi32, #tpu.memory_space<hbm>>
    tpu.enqueue_dma source(%dma_start3A_9 : memref<8192xi32, #tpu.memory_space<hbm>>) target(%arg8 : memref<8192xi32, #tpu.memory_space<vmem>>) target_semaphore(%arg12 : memref<!tpu.dma_semaphore, #tpu.memory_space<semaphore_mem>>)
    %add3A_10 = arith.constant 8192 : i32
    %add3A_11 = arith.addi %mul3A_2, %add3A_10 : i32
    %mul3A_12 = arith.constant 4 : i32
    %mul3A_13 = arith.muli %add3A_11, %mul3A_12 : i32
    %dma_start3A_14 = tpu.memref_slice %arg2[%mul3A_13] : memref<8388608xf32, #tpu.memory_space<hbm>> -> memref<32768xf32, #tpu.memory_space<hbm>>
    %dma_start3A_15 = tpu.memref_slice %arg2[%mul3A_13] : memref<8388608xf32, #tpu.memory_space<hbm>> -> memref<32768xf32, #tpu.memory_space<hbm>>
    tpu.enqueue_dma source(%dma_start3A_15 : memref<32768xf32, #tpu.memory_space<hbm>>) target(%arg7 : memref<32768xf32, #tpu.memory_space<vmem>>) target_semaphore(%arg13 : memref<!tpu.dma_semaphore, #tpu.memory_space<semaphore_mem>>)
    %dma_start3A_16 = tpu.memref_slice %arg3[%add3A_11] : memref<2097152xi32, #tpu.memory_space<hbm>> -> memref<8192xi32, #tpu.memory_space<hbm>>
    %dma_start3A_17 = tpu.memref_slice %arg3[%add3A_11] : memref<2097152xi32, #tpu.memory_space<hbm>> -> memref<8192xi32, #tpu.memory_space<hbm>>
    tpu.enqueue_dma source(%dma_start3A_17 : memref<8192xi32, #tpu.memory_space<hbm>>) target(%arg9 : memref<8192xi32, #tpu.memory_space<vmem>>) target_semaphore(%arg13 : memref<!tpu.dma_semaphore, #tpu.memory_space<semaphore_mem>>)
    %broadcast_in_dim3A = arith.constant 0.000000e+00 : f32
    %broadcast_in_dim3A_18 = vector.broadcast %broadcast_in_dim3A : f32 to vector<16xf32>
    %scan3A = arith.constant 0 : i32
    %scan3A_19 = arith.constant 4 : i32
    %scan3A_20 = arith.addi %scan3A, %scan3A_19 : i32
    %scan3A_21 = arith.constant 1 : i32
    %scan3A_22:3 = scf.for %scan3A_29 = %scan3A to %scan3A_20 step %scan3A_21 iter_args(%scan3A_30 = %broadcast_in_dim3A_18, %scan3A_31 = %broadcast_in_dim3A_18, %scan3A_32 = %broadcast_in_dim3A_18) -> (vector<16xf32>, vector<16xf32>, vector<16xf32>)  : i32 {
      %mul3A_33 = arith.constant 2 : i32
      %mul3A_34 = arith.muli %mul3A_33, %scan3A_29 : i32
      %dma_wait3A = arith.constant 0 : i32
      %dma_wait3A_35 = tpu.memref_slice %arg2[%dma_wait3A] : memref<8388608xf32, #tpu.memory_space<hbm>> -> memref<32768xf32, #tpu.memory_space<hbm>>
      %dma_wait3A_36 = arith.constant 0 : i32
      %dma_wait3A_37 = tpu.memref_slice %arg2[%dma_wait3A_36] : memref<8388608xf32, #tpu.memory_space<hbm>> -> memref<32768xf32, #tpu.memory_space<hbm>>
      tpu.wait_dma2 semaphore(%arg12 : memref<!tpu.dma_semaphore, #tpu.memory_space<semaphore_mem>>) src(%dma_wait3A_37 : memref<32768xf32, #tpu.memory_space<hbm>>) dst(%arg6 : memref<32768xf32, #tpu.memory_space<vmem>>)
      %dma_wait3A_38 = arith.constant 0 : i32
      %dma_wait3A_39 = tpu.memref_slice %arg3[%dma_wait3A_38] : memref<2097152xi32, #tpu.memory_space<hbm>> -> memref<8192xi32, #tpu.memory_space<hbm>>
      %dma_wait3A_40 = arith.constant 0 : i32
      %dma_wait3A_41 = tpu.memref_slice %arg3[%dma_wait3A_40] : memref<2097152xi32, #tpu.memory_space<hbm>> -> memref<8192xi32, #tpu.memory_space<hbm>>
      tpu.wait_dma2 semaphore(%arg12 : memref<!tpu.dma_semaphore, #tpu.memory_space<semaphore_mem>>) src(%dma_wait3A_41 : memref<8192xi32, #tpu.memory_space<hbm>>) dst(%arg8 : memref<8192xi32, #tpu.memory_space<vmem>>)
      %scan3A_42 = arith.constant 0 : i32
      %scan3A_43 = arith.constant 512 : i32
      %scan3A_44 = arith.addi %scan3A_42, %scan3A_43 : i32
      %scan3A_45 = arith.constant 1 : i32
      %scan3A_46:3 = scf.for %scan3A_73 = %scan3A_42 to %scan3A_44 step %scan3A_45 iter_args(%scan3A_74 = %scan3A_30, %scan3A_75 = %scan3A_31, %scan3A_76 = %scan3A_32) -> (vector<16xf32>, vector<16xf32>, vector<16xf32>)  : i32 {
        %mul3A_77 = arith.constant 16 : i32
        %mul3A_78 = arith.muli %scan3A_73, %mul3A_77 : i32
        %get3A = arith.index_cast %mul3A_78 : i32 to index
        %get3A_79 = tpu.vector_load %arg8[%get3A] {strides = array<i32>} : memref<8192xi32, #tpu.memory_space<vmem>>, vector<16xi32>,
        %shift_right_arithmetic3A = arith.constant 3 : i32
        %shift_right_arithmetic3A_80 = arith.shrsi %scan3A_73, %shift_right_arithmetic3A : i32
        %shift_left3A = arith.constant 9 : i32
        %shift_left3A_81 = arith.shli %shift_right_arithmetic3A_80, %shift_left3A : i32
        %mul3A_82 = arith.constant 16 : i32
        %mul3A_83 = arith.muli %scan3A_73, %mul3A_82 : i32
        %and3A = arith.constant 127 : i32
        %and3A_84 = arith.andi %mul3A_83, %and3A : i32
        %add3A_85 = arith.addi %shift_left3A_81, %and3A_84 : i32
        %shift_left3A_86 = arith.constant 7 : i32
        %shift_left3A_87 = vector.broadcast %shift_left3A_86 : i32 to vector<16xi32>
        %shift_left3A_88 = arith.shli %get3A_79, %shift_left3A_87 : vector<16xi32>
        %iota3A = tpu.iota {dimensions = array<i32: 0>} : vector<16xi32>
        %add3A_89 = vector.broadcast %add3A_85 : i32 to vector<16xi32>
        %add3A_90 = arith.addi %iota3A, %add3A_89 : vector<16xi32>
        %add3A_91 = arith.addi %shift_left3A_88, %add3A_90 : vector<16xi32>
        %gather3A = tpu.vector_load_idx %arg6[%add3A_91] : memref<32768xf32, #tpu.memory_space<vmem>>[vector<16xi32>], vector<16xf32>,
        %bitcast3A = vector.bitcast %gather3A : vector<16xf32> to vector<16xi32>
        %shift_right_arithmetic3A_92 = arith.constant 10 : i32
        %shift_right_arithmetic3A_93 = vector.broadcast %shift_right_arithmetic3A_92 : i32 to vector<16xi32>
        %shift_right_arithmetic3A_94 = arith.shrsi %bitcast3A, %shift_right_arithmetic3A_93 : vector<16xi32>
        %and3A_95 = arith.constant 8191 : i32
        %and3A_96 = vector.broadcast %and3A_95 : i32 to vector<16xi32>
        %and3A_97 = arith.andi %shift_right_arithmetic3A_94, %and3A_96 : vector<16xi32>
        %shift_right_arithmetic3A_98 = arith.constant 23 : i32
        %shift_right_arithmetic3A_99 = vector.broadcast %shift_right_arithmetic3A_98 : i32 to vector<16xi32>
        %shift_right_arithmetic3A_100 = arith.shrsi %bitcast3A, %shift_right_arithmetic3A_99 : vector<16xi32>
        %sub3A_101 = arith.constant 127 : i32
        %sub3A_102 = vector.broadcast %sub3A_101 : i32 to vector<16xi32>
        %sub3A_103 = arith.subi %shift_right_arithmetic3A_100, %sub3A_102 : vector<16xi32>
        %convert_element_type3A_104 = arith.sitofp %sub3A_103 : vector<16xi32> to vector<16xf32>
        %gather3A_105 = tpu.vector_load_idx %arg11[%and3A_97] : memref<8192xf32, #tpu.memory_space<vmem>>[vector<16xi32>], vector<16xf32>,
        %add3A_106 = arith.addf %convert_element_type3A_104, %gather3A_105 : vector<16xf32>
        %mul3A_107 = arith.constant -0.693147182 : f32
        %mul3A_108 = vector.broadcast %mul3A_107 : f32 to vector<16xf32>
        %mul3A_109 = arith.mulf %add3A_106, %mul3A_108 : vector<16xf32>
        %gt3A = arith.constant 0 : i32
        %gt3A_110 = vector.broadcast %gt3A : i32 to vector<16xi32>
        %gt3A_111 = arith.cmpi sgt, %get3A_79, %gt3A_110 : vector<16xi32>
        %add3A_112 = arith.addf %scan3A_75, %mul3A_109 : vector<16xf32>
        %jit3A = arith.constant 0.000000e+00 : f32
        %broadcast_in_dim3A_113 = vector.broadcast %jit3A : f32 to vector<16xf32>
        %select_n3A = arith.select %gt3A_111, %mul3A_109, %broadcast_in_dim3A_113 : vector<16xi1>, vector<16xf32>
        %add3A_114 = arith.addf %scan3A_74, %select_n3A : vector<16xf32>
        %jit3A_115 = arith.constant 1.000000e+00 : f32
        %jit3A_116 = arith.constant 0.000000e+00 : f32
        %broadcast_in_dim3A_117 = vector.broadcast %jit3A_115 : f32 to vector<16xf32>
        %broadcast_in_dim3A_118 = vector.broadcast %jit3A_116 : f32 to vector<16xf32>
        %select_n3A_119 = arith.select %gt3A_111, %broadcast_in_dim3A_117, %broadcast_in_dim3A_118 : vector<16xi1>, vector<16xf32>
        %add3A_120 = arith.addf %scan3A_76, %select_n3A_119 : vector<16xf32>
        scf.yield %add3A_114, %add3A_112, %add3A_120 : vector<16xf32>, vector<16xf32>, vector<16xf32>
      }
      %scan3A_47 = arith.constant 512 : i32
      %add3A_48 = arith.constant 2 : i32
      %add3A_49 = arith.addi %mul3A_34, %add3A_48 : i32
      %lt3A = arith.constant 8 : i32
      %lt3A_50 = arith.cmpi slt, %add3A_49, %lt3A : i32
      %convert_element_type3A = arith.extui %lt3A_50 : i1 to i32
      %cond3A = arith.constant 0 : i32
      %cond3A_51 = arith.cmpi ne, %convert_element_type3A, %cond3A : i32
      scf.if %cond3A_51 {
        %add3A_73 = arith.constant 2 : i32
        %add3A_74 = arith.addi %mul3A_34, %add3A_73 : i32
        %mul3A_75 = arith.constant 8192 : i32
        %mul3A_76 = arith.muli %add3A_74, %mul3A_75 : i32
        %add3A_77 = arith.addi %mul3A_2, %mul3A_76 : i32
        %mul3A_78 = arith.constant 4 : i32
        %mul3A_79 = arith.muli %add3A_77, %mul3A_78 : i32
        %dma_start3A_80 = tpu.memref_slice %arg2[%mul3A_79] : memref<8388608xf32, #tpu.memory_space<hbm>> -> memref<32768xf32, #tpu.memory_space<hbm>>
        %dma_start3A_81 = tpu.memref_slice %arg2[%mul3A_79] : memref<8388608xf32, #tpu.memory_space<hbm>> -> memref<32768xf32, #tpu.memory_space<hbm>>
        tpu.enqueue_dma source(%dma_start3A_81 : memref<32768xf32, #tpu.memory_space<hbm>>) target(%arg6 : memref<32768xf32, #tpu.memory_space<vmem>>) target_semaphore(%arg12 : memref<!tpu.dma_semaphore, #tpu.memory_space<semaphore_mem>>)
        %dma_start3A_82 = tpu.memref_slice %arg3[%add3A_77] : memref<2097152xi32, #tpu.memory_space<hbm>> -> memref<8192xi32, #tpu.memory_space<hbm>>
        %dma_start3A_83 = tpu.memref_slice %arg3[%add3A_77] : memref<2097152xi32, #tpu.memory_space<hbm>> -> memref<8192xi32, #tpu.memory_space<hbm>>
        tpu.enqueue_dma source(%dma_start3A_83 : memref<8192xi32, #tpu.memory_space<hbm>>) target(%arg8 : memref<8192xi32, #tpu.memory_space<vmem>>) target_semaphore(%arg12 : memref<!tpu.dma_semaphore, #tpu.memory_space<semaphore_mem>>)
      } else {
      }
      %dma_wait3A_52 = arith.constant 0 : i32
      %dma_wait3A_53 = tpu.memref_slice %arg2[%dma_wait3A_52] : memref<8388608xf32, #tpu.memory_space<hbm>> -> memref<32768xf32, #tpu.memory_space<hbm>>
      %dma_wait3A_54 = arith.constant 0 : i32
      %dma_wait3A_55 = tpu.memref_slice %arg2[%dma_wait3A_54] : memref<8388608xf32, #tpu.memory_space<hbm>> -> memref<32768xf32, #tpu.memory_space<hbm>>
      tpu.wait_dma2 semaphore(%arg13 : memref<!tpu.dma_semaphore, #tpu.memory_space<semaphore_mem>>) src(%dma_wait3A_55 : memref<32768xf32, #tpu.memory_space<hbm>>) dst(%arg7 : memref<32768xf32, #tpu.memory_space<vmem>>)
      %dma_wait3A_56 = arith.constant 0 : i32
      %dma_wait3A_57 = tpu.memref_slice %arg3[%dma_wait3A_56] : memref<2097152xi32, #tpu.memory_space<hbm>> -> memref<8192xi32, #tpu.memory_space<hbm>>
      %dma_wait3A_58 = arith.constant 0 : i32
      %dma_wait3A_59 = tpu.memref_slice %arg3[%dma_wait3A_58] : memref<2097152xi32, #tpu.memory_space<hbm>> -> memref<8192xi32, #tpu.memory_space<hbm>>
      tpu.wait_dma2 semaphore(%arg13 : memref<!tpu.dma_semaphore, #tpu.memory_space<semaphore_mem>>) src(%dma_wait3A_59 : memref<8192xi32, #tpu.memory_space<hbm>>) dst(%arg9 : memref<8192xi32, #tpu.memory_space<vmem>>)
      %scan3A_60 = arith.constant 0 : i32
      %scan3A_61 = arith.constant 512 : i32
      %scan3A_62 = arith.addi %scan3A_60, %scan3A_61 : i32
      %scan3A_63 = arith.constant 1 : i32
      %scan3A_64:3 = scf.for %scan3A_73 = %scan3A_60 to %scan3A_62 step %scan3A_63 iter_args(%scan3A_74 = %scan3A_46#0, %scan3A_75 = %scan3A_46#1, %scan3A_76 = %scan3A_46#2) -> (vector<16xf32>, vector<16xf32>, vector<16xf32>)  : i32 {
        %mul3A_77 = arith.constant 16 : i32
        %mul3A_78 = arith.muli %scan3A_73, %mul3A_77 : i32
        %get3A = arith.index_cast %mul3A_78 : i32 to index
        %get3A_79 = tpu.vector_load %arg9[%get3A] {strides = array<i32>} : memref<8192xi32, #tpu.memory_space<vmem>>, vector<16xi32>,
        %shift_right_arithmetic3A = arith.constant 3 : i32
        %shift_right_arithmetic3A_80 = arith.shrsi %scan3A_73, %shift_right_arithmetic3A : i32
        %shift_left3A = arith.constant 9 : i32
        %shift_left3A_81 = arith.shli %shift_right_arithmetic3A_80, %shift_left3A : i32
        %mul3A_82 = arith.constant 16 : i32
        %mul3A_83 = arith.muli %scan3A_73, %mul3A_82 : i32
        %and3A = arith.constant 127 : i32
        %and3A_84 = arith.andi %mul3A_83, %and3A : i32
        %add3A_85 = arith.addi %shift_left3A_81, %and3A_84 : i32
        %shift_left3A_86 = arith.constant 7 : i32
        %shift_left3A_87 = vector.broadcast %shift_left3A_86 : i32 to vector<16xi32>
        %shift_left3A_88 = arith.shli %get3A_79, %shift_left3A_87 : vector<16xi32>
        %iota3A = tpu.iota {dimensions = array<i32: 0>} : vector<16xi32>
        %add3A_89 = vector.broadcast %add3A_85 : i32 to vector<16xi32>
        %add3A_90 = arith.addi %iota3A, %add3A_89 : vector<16xi32>
        %add3A_91 = arith.addi %shift_left3A_88, %add3A_90 : vector<16xi32>
        %gather3A = tpu.vector_load_idx %arg7[%add3A_91] : memref<32768xf32, #tpu.memory_space<vmem>>[vector<16xi32>], vector<16xf32>,
        %bitcast3A = vector.bitcast %gather3A : vector<16xf32> to vector<16xi32>
        %shift_right_arithmetic3A_92 = arith.constant 10 : i32
        %shift_right_arithmetic3A_93 = vector.broadcast %shift_right_arithmetic3A_92 : i32 to vector<16xi32>
        %shift_right_arithmetic3A_94 = arith.shrsi %bitcast3A, %shift_right_arithmetic3A_93 : vector<16xi32>
        %and3A_95 = arith.constant 8191 : i32
        %and3A_96 = vector.broadcast %and3A_95 : i32 to vector<16xi32>
        %and3A_97 = arith.andi %shift_right_arithmetic3A_94, %and3A_96 : vector<16xi32>
        %shift_right_arithmetic3A_98 = arith.constant 23 : i32
        %shift_right_arithmetic3A_99 = vector.broadcast %shift_right_arithmetic3A_98 : i32 to vector<16xi32>
        %shift_right_arithmetic3A_100 = arith.shrsi %bitcast3A, %shift_right_arithmetic3A_99 : vector<16xi32>
        %sub3A_101 = arith.constant 127 : i32
        %sub3A_102 = vector.broadcast %sub3A_101 : i32 to vector<16xi32>
        %sub3A_103 = arith.subi %shift_right_arithmetic3A_100, %sub3A_102 : vector<16xi32>
        %convert_element_type3A_104 = arith.sitofp %sub3A_103 : vector<16xi32> to vector<16xf32>
        %gather3A_105 = tpu.vector_load_idx %arg11[%and3A_97] : memref<8192xf32, #tpu.memory_space<vmem>>[vector<16xi32>], vector<16xf32>,
        %add3A_106 = arith.addf %convert_element_type3A_104, %gather3A_105 : vector<16xf32>
        %mul3A_107 = arith.constant -0.693147182 : f32
        %mul3A_108 = vector.broadcast %mul3A_107 : f32 to vector<16xf32>
        %mul3A_109 = arith.mulf %add3A_106, %mul3A_108 : vector<16xf32>
        %gt3A = arith.constant 0 : i32
        %gt3A_110 = vector.broadcast %gt3A : i32 to vector<16xi32>
        %gt3A_111 = arith.cmpi sgt, %get3A_79, %gt3A_110 : vector<16xi32>
        %add3A_112 = arith.addf %scan3A_75, %mul3A_109 : vector<16xf32>
        %jit3A = arith.constant 0.000000e+00 : f32
        %broadcast_in_dim3A_113 = vector.broadcast %jit3A : f32 to vector<16xf32>
        %select_n3A = arith.select %gt3A_111, %mul3A_109, %broadcast_in_dim3A_113 : vector<16xi1>, vector<16xf32>
        %add3A_114 = arith.addf %scan3A_74, %select_n3A : vector<16xf32>
        %jit3A_115 = arith.constant 1.000000e+00 : f32
        %jit3A_116 = arith.constant 0.000000e+00 : f32
        %broadcast_in_dim3A_117 = vector.broadcast %jit3A_115 : f32 to vector<16xf32>
        %broadcast_in_dim3A_118 = vector.broadcast %jit3A_116 : f32 to vector<16xf32>
        %select_n3A_119 = arith.select %gt3A_111, %broadcast_in_dim3A_117, %broadcast_in_dim3A_118 : vector<16xi1>, vector<16xf32>
        %add3A_120 = arith.addf %scan3A_76, %select_n3A_119 : vector<16xf32>
        scf.yield %add3A_114, %add3A_112, %add3A_120 : vector<16xf32>, vector<16xf32>, vector<16xf32>
      }
      %scan3A_65 = arith.constant 512 : i32
      %add3A_66 = arith.constant 3 : i32
      %add3A_67 = arith.addi %mul3A_34, %add3A_66 : i32
      %lt3A_68 = arith.constant 8 : i32
      %lt3A_69 = arith.cmpi slt, %add3A_67, %lt3A_68 : i32
      %convert_element_type3A_70 = arith.extui %lt3A_69 : i1 to i32
      %cond3A_71 = arith.constant 0 : i32
      %cond3A_72 = arith.cmpi ne, %convert_element_type3A_70, %cond3A_71 : i32
      scf.if %cond3A_72 {
        %add3A_73 = arith.constant 3 : i32
        %add3A_74 = arith.addi %mul3A_34, %add3A_73 : i32
        %mul3A_75 = arith.constant 8192 : i32
        %mul3A_76 = arith.muli %add3A_74, %mul3A_75 : i32
        %add3A_77 = arith.addi %mul3A_2, %mul3A_76 : i32
        %mul3A_78 = arith.constant 4 : i32
        %mul3A_79 = arith.muli %add3A_77, %mul3A_78 : i32
        %dma_start3A_80 = tpu.memref_slice %arg2[%mul3A_79] : memref<8388608xf32, #tpu.memory_space<hbm>> -> memref<32768xf32, #tpu.memory_space<hbm>>
        %dma_start3A_81 = tpu.memref_slice %arg2[%mul3A_79] : memref<8388608xf32, #tpu.memory_space<hbm>> -> memref<32768xf32, #tpu.memory_space<hbm>>
        tpu.enqueue_dma source(%dma_start3A_81 : memref<32768xf32, #tpu.memory_space<hbm>>) target(%arg7 : memref<32768xf32, #tpu.memory_space<vmem>>) target_semaphore(%arg13 : memref<!tpu.dma_semaphore, #tpu.memory_space<semaphore_mem>>)
        %dma_start3A_82 = tpu.memref_slice %arg3[%add3A_77] : memref<2097152xi32, #tpu.memory_space<hbm>> -> memref<8192xi32, #tpu.memory_space<hbm>>
        %dma_start3A_83 = tpu.memref_slice %arg3[%add3A_77] : memref<2097152xi32, #tpu.memory_space<hbm>> -> memref<8192xi32, #tpu.memory_space<hbm>>
        tpu.enqueue_dma source(%dma_start3A_83 : memref<8192xi32, #tpu.memory_space<hbm>>) target(%arg9 : memref<8192xi32, #tpu.memory_space<vmem>>) target_semaphore(%arg13 : memref<!tpu.dma_semaphore, #tpu.memory_space<semaphore_mem>>)
      } else {
      }
      scf.yield %scan3A_64#0, %scan3A_64#1, %scan3A_64#2 : vector<16xf32>, vector<16xf32>, vector<16xf32>
    }
    %scan3A_23 = arith.constant 4 : i32
    %swap3A = arith.constant 0 : index
    %swap3A_24 = tpu.vector_load %arg10[%swap3A] {strides = array<i32>} : memref<48xf32, #tpu.memory_space<vmem>>, vector<16xf32>,
    tpu.vector_store %arg10[%swap3A], %scan3A_22#0 {strides = array<i32>} : memref<48xf32, #tpu.memory_space<vmem>>, vector<16xf32>,
    %sub3A = arith.subf %scan3A_22#1, %scan3A_22#0 : vector<16xf32>
    %swap3A_25 = arith.constant 16 : index
    %swap3A_26 = tpu.vector_load %arg10[%swap3A_25] {strides = array<i32>} : memref<48xf32, #tpu.memory_space<vmem>>, vector<16xf32>,
    tpu.vector_store %arg10[%swap3A_25], %sub3A {strides = array<i32>} : memref<48xf32, #tpu.memory_space<vmem>>, vector<16xf32>,
    %swap3A_27 = arith.constant 32 : index
    %swap3A_28 = tpu.vector_load %arg10[%swap3A_27] {strides = array<i32>} : memref<48xf32, #tpu.memory_space<vmem>>, vector<16xf32>,
    tpu.vector_store %arg10[%swap3A_27], %scan3A_22#2 {strides = array<i32>} : memref<48xf32, #tpu.memory_space<vmem>>, vector<16xf32>,
    "tpu.region"() ({
      %run_scoped3A = tpu.sem_alloc : memref<!tpu.dma_semaphore, #tpu.memory_space<semaphore_mem>>
      %dma_start3A_29 = arith.constant 0 : i32
      %dma_start3A_30 = tpu.memref_slice %arg5[%add3A, %dma_start3A_29] : memref<32x48xf32, #tpu.memory_space<hbm>> -> memref<1x48xf32, #tpu.memory_space<hbm>>
      %dma_start3A_31 = tpu.memref_squeeze %dma_start3A_30 : memref<1x48xf32, #tpu.memory_space<hbm>> -> memref<48xf32, #tpu.memory_space<hbm>>
      %dma_start3A_32 = arith.constant 0 : i32
      %dma_start3A_33 = tpu.memref_slice %arg5[%add3A, %dma_start3A_32] : memref<32x48xf32, #tpu.memory_space<hbm>> -> memref<1x48xf32, #tpu.memory_space<hbm>>
      %dma_start3A_34 = tpu.memref_squeeze %dma_start3A_33 : memref<1x48xf32, #tpu.memory_space<hbm>> -> memref<48xf32, #tpu.memory_space<hbm>>
      tpu.enqueue_dma source(%arg10 : memref<48xf32, #tpu.memory_space<vmem>>) target(%dma_start3A_34 : memref<48xf32, #tpu.memory_space<hbm>>) target_semaphore(%run_scoped3A : memref<!tpu.dma_semaphore, #tpu.memory_space<semaphore_mem>>)
      %dma_wait3A = arith.constant 0 : i32
      %dma_wait3A_35 = tpu.memref_slice %arg5[%add3A, %dma_wait3A] : memref<32x48xf32, #tpu.memory_space<hbm>> -> memref<1x48xf32, #tpu.memory_space<hbm>>
      %dma_wait3A_36 = tpu.memref_squeeze %dma_wait3A_35 : memref<1x48xf32, #tpu.memory_space<hbm>> -> memref<48xf32, #tpu.memory_space<hbm>>
      %dma_wait3A_37 = arith.constant 0 : i32
      %dma_wait3A_38 = tpu.memref_slice %arg5[%add3A, %dma_wait3A_37] : memref<32x48xf32, #tpu.memory_space<hbm>> -> memref<1x48xf32, #tpu.memory_space<hbm>>
      %dma_wait3A_39 = tpu.memref_squeeze %dma_wait3A_38 : memref<1x48xf32, #tpu.memory_space<hbm>> -> memref<48xf32, #tpu.memory_space<hbm>>
      tpu.wait_dma2 semaphore(%run_scoped3A : memref<!tpu.dma_semaphore, #tpu.memory_space<semaphore_mem>>) src(%arg10 : memref<48xf32, #tpu.memory_space<vmem>>) dst(%dma_wait3A_39 : memref<48xf32, #tpu.memory_space<hbm>>)
      tpu.yield
    }) : () -> ()
    return
  }
}

</mosaic_0001>

<sc_bundles>
// kernel: branch_0_fun.12.cloned.1.call-start
scs
__scs_entry_jumppad:
0x0: {  	(pc) =	sbr.rel $0x88, $3  }
0x1: {  	(tag) =	ssettag $0x0;
	lr =	simm.s32 $0x1  }
0x2: {  	[smem:$0x3F9F] =	sst lr;
	_ =	strace $0xD0000000  }
0x3: {  	_ = 	snop  }
0x4: {  	_ = 	snop  }
0x5: {  	_ = 	snop  }
0x6: {  	_ = 	snop  }
0x7: {  	_ = 	snop  }
__scs_overlays_trampoline_lowered:
0x8: {  	[smem:$0x3FAE] =	sst s0  }
0x9: {  	[smem:$0x3FAF] =	sst s1  }
0xa: {  	[smem:$0x3FB0] =	sst s2  }
0xb: {  	[smem:$0x3FB1] =	sst s3  }
0xc: {  	[smem:$0x3FB2] =	sst s4  }
0xd: {  	[smem:$0x3FB3] =	sst s5  }
0xe: {  	[smem:$0x3FB4] =	sst s6  }
0xf: {  	[smem:$0x3FB5] =	sst s7  }
0x10: {  	[smem:$0x3FB6] =	sst s8  }
0x11: {  	[smem:$0x3FB7] =	sst s9;
	s0 =	simm.s32 @!p0 $0x0  }
0x12: {  	s1 =	sld [smem:$0x3F9D];
	s0 =	simm.s32 @p0 $0x1  }
0x13: {  	[smem:$0x3FB8] =	sst s0;
	s0 =	simm.s32 @!p1 $0x0  }
0x14: {  	s2 =	sld [smem:$0x3F9C];
	s0 =	simm.s32 @p1 $0x1  }
0x15: {  	[smem:$0x3FB9] =	sst s0;
	s0 =	simm.s32 @!p2 $0x0  }
0x16: {  	s3 =	sld [smem:$0x3FDB];
	s0 =	simm.s32 @p2 $0x1  }
0x17: {  	s4 =	simm.s32 $0x1BF5;
	[smem:$0x3FBB] =	sst s0  }
0x18: {  	s0 =	sld [smem:$0x3F9E];
	_ =	swait.ge [sflag:s4], $0x0  }
0x19: {  	s7 =	sld [smem:$0x3F9F]  }
0x1a: {  	s8 =	sadd.s32 $0xFFFFE003, lr  }
0x1b: {  	s9 =	sadd.s32 $0xFFFFFEF7, lr;
	s5 =	simm.s32 $0xFFFFFFFF;
	p2 =	slt.u32 s8, $0xFFFFF086  }
0x1c: {  	p1 =	slt.u32 s9, $0xF7A;
	s5 =	simm.s32 @!p2 $0x0  }
0x1d: {  	s5 =	simm.s32 @p1 $0x1;
	p0 =	seq.s32 s7, s2  }
0x1e: {  	s7 =	smul.u32 @!p0 $0xF7A, s2;
	p2 =	seq.s32 @!p0 s5, $0x0  }
0x1f: {  	s9 =	smul.u32 $0xF7A, s1;
	s8 =	simm.s32 @!p0 $0x1BF5;
	p2 =	por !p2, p0  }
0x20: {  	[sflag:s8] =	ssyncset.s32 @!p0 $0xFFFFF086;
	s6 =	sadd.s32 @!p0 s3, s7;
	s7 =	simm.s32 @!p0 $0x108  }
0x21: {  	s3 =	sadd.s32 s3, s9;
	s6 =	sadd.s32 @!p0 $0x88, s6;
	s7 =	simm.s32 @p2 $0x1082  }
0x22: {  	[simem:s7], [sflag:s8] =	dma.local @!p0 [hbm:s6], $0xF7A  }
0x23: {  	s9 =	sor.u32 $0xD0000000, s2;
	s6 =	simm.s32 $0x108;
	_ =	swait.ge @!p0 [sflag:s8], $0x0  }
0x24: {  	s3 =	sadd.s32 $0x88, s3;
	s6 =	simm.s32 @!p1 $0x1082;
	[sflag:s4] =	ssyncset.s32 $0xFFFFF086  }
0x25: {  	[simem:s6], [sflag:s4] =	dma.local [hbm:s3], $0xF7A  }
0x26: {  	[smem:$0x3F9F] =	sst s1;
	(tag) =	ssettag s2;
	_ =	strace s9  }
0x27: {  	s1 =	sld [smem:$0x3FAF]  }
0x28: {  	s2 =	sld [smem:$0x3FB0]  }
0x29: {  	s4 =	sld [smem:$0x3FB2]  }
0x2a: {  	p0 =	seq.s32 s5, $0x0;
	s5 =	sld [smem:$0x3FB3]  }
0x2b: {  	s6 =	sld [smem:$0x3FB4]  }
0x2c: {  	s7 =	sld [smem:$0x3FB5]  }
0x2d: {  	s3 =	simm.s32 $0x108;
	s8 =	sld [smem:$0x3FB6]  }
0x2e: {  	s3 =	simm.s32 @!p0 $0x1082;
	s9 =	sld [smem:$0x3FB7]  }
0x2f: {  	lr =	sadd.s32 s0, s3;
	s0 =	sld [smem:$0x3FAE]  }
0x30: {  	s3 =	sld [smem:$0x3FB1]  }
0x31: {  	[smem:$0x3FBA] =	sst s10  }
0x32: {  	s10 =	sld [smem:$0x3FB8];
	_ =	sdelay $0x3  }
0x33: {  	p0 =	seq.s32 s10, $0x1;
	s10 =	sld [smem:$0x3FBA];
	_ =	sdelay $0x3  }
0x34: {  	[smem:$0x3FBA] =	sst s10  }
0x35: {  	s10 =	sld [smem:$0x3FB9];
	_ =	sdelay $0x3  }
0x36: {  	p1 =	seq.s32 s10, $0x1;
	s10 =	sld [smem:$0x3FBA];
	_ =	sdelay $0x3  }
0x37: {  	[smem:$0x3FBA] =	sst s10  }
0x38: {  	s10 =	sld [smem:$0x3FBB]  }
0x39: {  	_ = 	snop;
	(pc) =	sbr.ind lr, $3  }
0x3a: {  	_ = 	snop  }
0x3b: {  	_ = 	snop  }
0x3c: {  	p2 =	seq.s32 s10, $0x1;
	s10 =	sld [smem:$0x3FBA]  }
0x3d: {  	_ =	shalt  }
0x3e: {  	_ =	shalt  }
0x3f: {  	_ =	shalt  }
0x40: {  	_ =	shalt  }
0x41: {  	_ =	shalt  }
0x42: {  	_ =	shalt  }
0x43: {  	_ =	shalt  }
0x44: {  	_ =	shalt  }
0x45: {  	_ =	shalt  }
0x46: {  	_ =	shalt  }
0x47: {  	_ =	shalt  }
0x48: {  	_ =	shalt  }
0x49: {  	_ =	shalt  }
0x4a: {  	_ =	shalt  }
0x4b: {  	_ =	shalt  }
0x4c: {  	_ =	shalt  }
0x4d: {  	_ =	shalt  }
0x4e: {  	_ =	shalt  }
0x4f: {  	_ =	shalt  }
0x50: {  	_ =	shalt  }
0x51: {  	_ =	shalt  }
0x52: {  	_ =	shalt  }
0x53: {  	_ =	shalt  }
0x54: {  	_ =	shalt  }
0x55: {  	_ =	shalt  }
0x56: {  	_ =	shalt  }
0x57: {  	_ =	shalt  }
0x58: {  	_ =	shalt  }
0x59: {  	_ =	shalt  }
0x5a: {  	_ =	shalt  }
0x5b: {  	_ =	shalt  }
0x5c: {  	_ =	shalt  }
0x5d: {  	_ =	shalt  }
0x5e: {  	_ =	shalt  }
0x5f: {  	_ =	shalt  }
0x60: {  	_ =	shalt  }
0x61: {  	_ =	shalt  }
0x62: {  	_ =	shalt  }
0x63: {  	_ =	shalt  }
0x64: {  	_ =	shalt  }
0x65: {  	_ =	shalt  }
0x66: {  	_ =	shalt  }
0x67: {  	_ =	shalt  }
0x68: {  	_ =	shalt  }
0x69: {  	_ =	shalt  }
0x6a: {  	_ =	shalt  }
0x6b: {  	_ =	shalt  }
0x6c: {  	_ =	shalt  }
0x6d: {  	_ =	shalt  }
0x6e: {  	_ =	shalt  }
0x6f: {  	_ =	shalt  }
0x70: {  	_ =	shalt  }
0x71: {  	_ =	shalt  }
0x72: {  	_ =	shalt  }
0x73: {  	_ =	shalt  }
0x74: {  	_ =	shalt  }
0x75: {  	_ =	shalt  }
0x76: {  	_ =	shalt  }
0x77: {  	_ =	shalt  }
0x78: {  	_ =	shalt  }
0x79: {  	_ =	shalt  }
0x7a: {  	_ =	shalt  }
0x7b: {  	_ =	shalt  }
0x7c: {  	_ =	shalt  }
0x7d: {  	_ =	shalt  }
0x7e: {  	_ =	shalt  }
0x7f: {  	_ =	shalt  }
0x80: {  	_ =	shalt  }
0x81: {  	_ =	shalt  }
0x82: {  	_ =	shalt  }
0x83: {  	_ =	shalt  }
0x84: {  	_ =	shalt  }
0x85: {  	_ =	shalt  }
0x86: {  	_ =	shalt  }
0x87: {  	_ =	shalt  }
.Lfunc_end0:
.L_simem_size_0:
called_computation_lowered:
.L_overlay_start_0:
0x88: {  	s2 =	sld [smem:$0x3FD9]  }
0x89: {  	s3 =	sld [smem:$0x3FFE];
	_ =	sdelay $0x1  }
0x8a: {  	s1 =	srdreg.scid  }
0x8b: {  	s0 =	sand.u32 $0x1, s1  }
0x8c: {  	s17 =	sshll.u32 s0, $0xA;
	s2 =	sadd.s32 s3, s2  }
0x8d: {  	s2 =	sadd.s32 s2, s17  }
0x8e: {  	[smem:$0x3FC6] =	sst s2  }
0x8f: {  	_ = 	snop  }
0x90: {  	s2 =	sld [smem:$0x3FC9]  }
0x91: {  	s18 =	sld [smem:$0x3FC8]  }
0x92: {  	s4 =	sld [smem:$0x3FD0];
	(tm) =	ssettm $0x1  }
0x93: {  	s5 =	sld [smem:$0x3FFB];
	_ =	sdelay $0x3  }
0x94: {  	_ =	strace s5  }
0x95: {  	s5 =	sld [smem:$0x3FFC];
	_ =	sdelay $0x3  }
0x96: {  	_ =	strace s5  }
0x97: {  	s5 =	sld [smem:$0x3FFD];
	_ =	sdelay $0x3  }
0x98: {  	_ =	strace s5  }
0x99: {  	_ =	strace $0x8FFFFFFF  }
0x9a: {  	s19 =	sld [smem:$0x3FDB];
	_ =	sdelay $0x1  }
0x9b: {  	s6 =	simm.s32 $_scs_section_size  }
0x9c: {  	s7 =	simm.s32 $_size__tile_overlayer_lowered;
	s8 =	simm.s32 $_tile_overlayer_lowered  }
0x9d: {  	s22 =	simm.s32 $0x1BFF;
	s21 =	sshll.u32 s8, $0x1;
	s5 =	sadd.s32 s6, s19  }
0x9e: {  	s9 =	simm.s32 $0x0;
	s20 =	sshll.u32 s7, $0x1;
	s7 =	sadd.s32 s21, s5  }
0x9f: {  	[timem:s9], [sflag:s22] =	dma.local [hbm:s7], s20  }
0xa0: {  	_ =	swait.ge [sflag:s22], s20  }
0xa1: {  	s6 =	ssub.s32 $0x0, s20;
	[sflag:s22] =	ssyncset.done $0x0  }
0xa2: {  	[sflag:s22] =	ssyncadd.s32 s6;
	_ =	sdelay $0x1  }
0xa3: {  	s23 =	simm.s32 $0x1B8B  }
0xa4: {  	_ =	swait.ge [sflag:s23], $0x1  }
0xa5: {  	[sflag:s23] =	ssyncset.done $0x0  }
0xa6: {  	s25 =	simm.s32 $0x1B8E;
	s24 =	sld [smem:$0x3FFE];
	[sflag:s23] =	ssyncadd.s32 $0xFFFFFFFF  }
0xa7: {  	s26 =	simm.s32 $execute0_lowered;
	[smem:$0x3FD2] =	sst s25  }
0xa8: {  	s7 =	sshll.u32 s26, $0x1;
	_ =	strace $0x80000046;
	[dreg:$0x1] =	wrdreg $0xFFFFFFFF  }
0xa9: {  	s28 =	simm.s32 $_size_execute0_lowered;
	s5 =	sadd.s32 s5, s7;
	[dreg:$0x0] =	wrdreg $0x0  }
0xaa: {  	s7 =	sshll.u32 s28, $0x1;
	[dreg:$0x2] =	wrdreg s5  }
0xab: {  	[dreg:$0x3] =	wrdreg s7  }
0xac: {  	[dreg:$0x4] =	wrdreg $0xC0  }
0xad: {  	_ =	task [dreg:s9], $0x5FFFF  }
0xae: {  	[dreg:$0x1] =	wrdreg $0xFFFFFFFF  }
0xaf: {  	[dreg:$0x0] =	wrdreg $0x60  }
0xb0: {  	[dreg:$0x2] =	wrdreg s2  }
0xb1: {  	[dreg:$0x3] =	wrdreg s18  }
0xb2: {  	[dreg:$0x4] =	wrdreg s4  }
0xb3: {  	[dreg:$0x5] =	wrdreg s24  }
0xb4: {  	[dreg:$0x6] =	wrdreg $0x9  }
0xb5: {  	_ =	task.clear_ibuf [dreg:s9], $0x7FFFF;
	_ =	strace $0x90000046  }
0xb6: {  	s29 =	simm.s32 $0x9;
	_ =	strace $0x80000048  }
0xb7: {  	_ =	swait.ge [sflag:s29], $0x1  }
0xb8: {  	[sflag:s29] =	ssyncadd.s32 $0xFFFFFFFF  }
0xb9: {  	_ =	strace $0x90000048  }
0xba: {  	_ =	sfence  }
0xbb: {  	s30 =	sld [smem:$0x0];
	_ =	sdelay $0x2  }
0xbc: {  	s31 =	sshll.u32 s1, $0xD;
	s1 =	sshrl.u32 s1, $0x2  }
0xbd: {  	s3 =	sand.u32 $0x4000, s31;
	s1 =	sadd.s32 s1, s30  }
0xbe: {  	s0 =	sor.u32 s3, s0;
	s1 =	sshll.u32 s1, $0x11  }
0xbf: {  	s0 =	sor.u32 s1, s0  }
0xc0: {  	s0 =	sadd.s32 $0x8F2B, s0  }
0xc1: {  	[sflag:s0] =	ssyncadd.remote.s32 $0x1  }
0xc2: {  	_ =	sfence.sel $0xFFFF  }
0xc3: {  	[dreg:$0x0] =	wrdreg $0xFFFFFFFF;
	(pc) =	sbr.abs _section_cstart, $3  }
0xc4: {  	[dreg:$0x1] =	wrdreg $0xFFFFFFFF  }
0xc5: {  	_ =	task.clear_ibuf [dreg:s9], $0x2FFFF;
	_ =	strace $0x9FFFFFFF  }
0xc6: {  	(tm) =	ssettm $0x7FFFFFFF  }
0xc7: {  	_ =	shalt  }
tec
execute0_lowered:
.L_overlay_start_1:
0x0: {  	(tag) =	ssettag $0x1  }
0x1: {  	s1 =	rddreg [dreg:$0x0]  }
0x2: {  	s2 =	rddreg [dreg:$0x1]  }
0x3: {  	s4 =	rddreg [dreg:$0x2]  }
0x4: {  	s3 =	srdreg.scid;
	s0 =	stileid.u32  }
0x5: {  	s6 =	rddreg [dreg:$0x3];
	s5 =	simm.s32 $0x0;
	s11 =	simm.s32 $0x8000  }
0x6: {  	s12 =	simm.s32 $0xA010;
	s7 =	sand.u32 $0x1, s3;
	s8 =	sshll.u32 s0, $0x1  }
0x7: {  	s13 =	simm.s32 $0x0;
	s3 =	rddreg [dreg:$0x4];
	s8 =	sor.u32 s7, s8  }
0x8: {  	[smem:$0x7FF] =	sst s5;
	s7 =	ssub.s32 $0x2, s7;
	s9 =	sshll.u32 s8, $0x9  }
0x9: {  	_ =	strace $0x80000047;
	s31 =	sshrl.u32 s7, $0x1;
	s9 =	sadd.s32 s9, s6  }
0xa: {  	v0 =	vlaneseq.u32;
	s10 =	ssub.s32 s7, s31;
	s6 =	sshll.u32 s8, $0x10;
	s7 =	sadd.s32 $0x800, s9  }
0xb: {  	v1 =	vimm.s32 $0x0;
	v3 =	vimm.s32 $0x1;
	v2 =	vand.u32 $0x7, v0;
	s8 =	smax.u32 s10, $0x1;
	s9 =	simm.s32 $0xA000;
	s10 =	simm.s32 $0x1  }
.LBB2_1:
0xc: {  	[tilespmem:s9], [sflag:$0x1] =	stream.linear.gather [hbm4b:s4+s5], $0x10, $0x38;
	[tilespmem:$0xB010] =	vst v63  }
0xd: {  	_ =	swait.ge [sflag:s10], $0x10  }
0xe: {  	[sflag:s10] =	ssyncset.done $0x0  }
0xf: {  	s14 =	simm.s32 $0x40;
	s15 =	simm.s32 $0x0;
	[sflag:s10] =	ssyncadd.s32 $0xFFFFFFF0  }
.LBB2_2:
0x10: {  	p0 =	sne.s32 s14, $0x3FC0;
	[tilespmem:s15+$0xA010] =	vst v1;
	s15 =	smov.u32 s14;
	s14 =	sadd.s32 $0x40, s14  }
.Ltmp0:
0x11: {  	(pc) =	sbr.rel @p0 .LBB2_2-.Ltmp0, $2  }
0x12: {  	_ =	sdelay $0x2  }
0x13: {  	s15 =	sshra.s32 s15, $0x2  }
0x14: {  	[tilespmem:s15+$0xA010] =	vst v1;
	s14 =	simm.s32 $0x0;
	s15 =	simm.s32 $0x0  }
.LBB2_4:
0x15: {  	s16 =	sshll.u32 s15, $0xD  }
0x16: {  	s16 =	sadd.s32 s6, s16  }
0x17: {  	s17 =	sshrl.u32 s16, $0x1  }
0x18: {  	s17 =	sadd.s32 s1, s17  }
0x19: {  	[tilespmem:s14], [sflag:$0x1] =	stream.linear.gather [hbm4b:s17+s14], $0x8000, $0x38;
	[tilespmem:$0xB010] =	vst v63  }
0x1a: {  	_ =	swait.ge [sflag:s10], $0x8000  }
0x1b: {  	s16 =	sshrl.u32 s16, $0x3;
	[sflag:s10] =	ssyncset.done $0x0  }
0x1c: {  	s16 =	sadd.s32 s2, s16;
	[sflag:s10] =	ssyncadd.s32 $0xFFFF8000  }
0x1d: {  	[tilespmem:s11], [sflag:$0x1] =	stream.linear.gather [hbm4b:s16+s14], $0x2000, $0x38;
	[tilespmem:$0xB010] =	vst v63  }
0x1e: {  	_ =	swait.ge [sflag:s10], $0x2000  }
0x1f: {  	[sflag:s10] =	ssyncset.done $0x0  }
0x20: {  	s17 =	simm.s32 $0x0;
	s16 =	simm.s32 $0x0;
	[sflag:s10] =	ssyncadd.s32 $0xFFFFE000  }
.LBB2_5:
0x21: {  	s18 =	sshra.s32 s16, $0x2  }
0x22: {  	v4 =	vld [tilespmem:s18+$0x8000];
	_ =	sdelay $0x3  }
0x23: {  	s31 =	sand.u32 $0x7E00, s16;
	s19 =	sand.u32 $0x70, s17  }
0x24: {  	s18 =	sor.u32 s19, s31;
	v5 =	vshll.u32 v4, $0x7  }
0x25: {  	v5 =	vadd.s32 s18, v5  }
0x26: {  	v5 =	vor.u32 v0, v5  }
0x27: {  	v5 =	vand.u32 $0xFFFFFFF8, v5  }
0x28: {  	v5 =	vor.u32 v2, v5;
	_ =	sdelay $0x4  }
0x29: {  	v5 =	vld.idx.msk [tilespmem:v5+s5+$0x0], $0xffff;
	_ =	sdelay $0x4  }
0x2a: {  	v5 =	vshrl.u32 v5, $0x14  }
0x2b: {  	vm0 =	veq.s32 v4, $0x0;
	v4 =	vand.u32 $0xFF0, v5  }
0x2c: {  	p0 =	sne.s32 s17, $0x1FF0;
	v4 =	vor.u32 v0, v4  }
.Ltmp1:
0x2d: {  	_ = 	snop;
	(pc) =	sbr.rel @p0 .LBB2_5-.Ltmp1, $2  }
0x2e: {  	_ =	sdelay $0x2  }
0x2f: {  	s16 =	sadd.s32 $0x40, s16;
	s17 =	sadd.s32 $0x10, s17;
	[tilespmem:v4+s12+$0x0] =	vst.idx.add.s32.msk vm0, v3  }
0x30: {  	s15 =	sadd.s32 $0x1, s15  }
0x31: {  	p0 =	sne.s32 s15, $0x8  }
.Ltmp2:
0x32: {  	_ = 	snop;
	(pc) =	sbr.rel @p0 .LBB2_4-.Ltmp2, $1  }
0x33: {  	_ =	sdelay $0x3  }
0x34: {  	s13 =	sadd.s32 $0x1, s13  }
0x35: {  	p0 =	sne.s32 s13, s8  }
.Ltmp3:
0x36: {  	_ = 	snop;
	(pc) =	sbr.rel @p0 .LBB2_1-.Ltmp3, $4  }
0x37: {  	[hbm4b:s7+s5] =	stream.linear.scatter [tilespmem:s12], [sflag:$0x1], $0x1000, $0x38;
	[tilespmem:$0xB010] =	vst v63  }
0x38: {  	_ =	swait.ge [sflag:s10], $0x1000  }
0x39: {  	[sflag:s10] =	ssyncset.done $0x0  }
0x3a: {  	[sflag:s10] =	ssyncadd.s32 $0xFFFFF000  }
0x3b: {  	_ =	sfence.sel $0x180000  }
0x3c: {  	[bflag:$0x0] =	sbarrier.arrive $0xFFFF  }
0x3d: {  	p0 =	sne.s32 s0, $0x0;
	_ =	strace $0x90000047  }
0x3e: {  	s0 =	sadd.s32 @!p0 $0x100000, s3;
	[bflag:$0x2] =	sbarrier.arrive $0xFFFF  }
0x3f: {  	[sflag:s0] =	ssyncadd.tile.s32 @!p0 $0x1;
	_ =	shalt  }
.Lfunc_end2:
_tile_overlayer_lowered:
.L_overlay_start_2:
0x40: {  	(tag) =	ssettag $0x2  }
0x41: {  	s0 =	rddreg [dreg:$0x0];
	s2 =	stileid.u32  }
0x42: {  	s1 =	rddreg [dreg:$0x1];
	p0 =	sne.s32 s2, $0x0  }
0x43: {  	s3 =	rddreg [dreg:$0x2];
	[bflag:$0x3] =	sbarrier.arrive $0xFFFF;
	s2 =	simm.s32 @!p0 $0x1C01  }
0x44: {  	[timem:s3], [sflag:s2] =	dma.local @!p0 [hbm:s0], s1  }
0x45: {  	s0 =	simm.s32 @!p0 $0x1  }
0x46: {  	_ =	swait.ge @!p0 [sflag:s0], s1  }
0x47: {  	s1 =	ssub.s32 @!p0 $0x0, s1;
	[sflag:s0] =	ssyncset.done @!p0 $0x0  }
0x48: {  	[sflag:s0] =	ssyncadd.s32 @!p0 s1  }
0x49: {  	[bflag:$0x3] =	sbarrier.arrive $0xFFFF  }
0x4a: {  	_ =	shalt  }

// kernel: branch_0_fun.15.cloned.1.call-start
scs
__scs_entry_jumppad:
0x0: {  	(pc) =	sbr.rel $0x88, $3  }
0x1: {  	(tag) =	ssettag $0x0;
	lr =	simm.s32 $0x1  }
0x2: {  	[smem:$0x3F9F] =	sst lr;
	_ =	strace $0xD0000000  }
0x3: {  	_ = 	snop  }
0x4: {  	_ = 	snop  }
0x5: {  	_ = 	snop  }
0x6: {  	_ = 	snop  }
0x7: {  	_ = 	snop  }
__scs_overlays_trampoline_lowered:
0x8: {  	[smem:$0x3FAE] =	sst s0  }
0x9: {  	[smem:$0x3FAF] =	sst s1  }
0xa: {  	[smem:$0x3FB0] =	sst s2  }
0xb: {  	[smem:$0x3FB1] =	sst s3  }
0xc: {  	[smem:$0x3FB2] =	sst s4  }
0xd: {  	[smem:$0x3FB3] =	sst s5  }
0xe: {  	[smem:$0x3FB4] =	sst s6  }
0xf: {  	[smem:$0x3FB5] =	sst s7  }
0x10: {  	[smem:$0x3FB6] =	sst s8  }
0x11: {  	[smem:$0x3FB7] =	sst s9;
	s0 =	simm.s32 @!p0 $0x0  }
0x12: {  	s1 =	sld [smem:$0x3F9D];
	s0 =	simm.s32 @p0 $0x1  }
0x13: {  	[smem:$0x3FB8] =	sst s0;
	s0 =	simm.s32 @!p1 $0x0  }
0x14: {  	s2 =	sld [smem:$0x3F9C];
	s0 =	simm.s32 @p1 $0x1  }
0x15: {  	[smem:$0x3FB9] =	sst s0;
	s0 =	simm.s32 @!p2 $0x0  }
0x16: {  	s3 =	sld [smem:$0x3FDB];
	s0 =	simm.s32 @p2 $0x1  }
0x17: {  	s4 =	simm.s32 $0x1BF5;
	[smem:$0x3FBB] =	sst s0  }
0x18: {  	s0 =	sld [smem:$0x3F9E];
	_ =	swait.ge [sflag:s4], $0x0  }
0x19: {  	s7 =	sld [smem:$0x3F9F]  }
0x1a: {  	s8 =	sadd.s32 $0xFFFFE003, lr  }
0x1b: {  	s9 =	sadd.s32 $0xFFFFFEF7, lr;
	s5 =	simm.s32 $0xFFFFFFFF;
	p2 =	slt.u32 s8, $0xFFFFF086  }
0x1c: {  	p1 =	slt.u32 s9, $0xF7A;
	s5 =	simm.s32 @!p2 $0x0  }
0x1d: {  	s5 =	simm.s32 @p1 $0x1;
	p0 =	seq.s32 s7, s2  }
0x1e: {  	s7 =	smul.u32 @!p0 $0xF7A, s2;
	p2 =	seq.s32 @!p0 s5, $0x0  }
0x1f: {  	s9 =	smul.u32 $0xF7A, s1;
	s8 =	simm.s32 @!p0 $0x1BF5;
	p2 =	por !p2, p0  }
0x20: {  	[sflag:s8] =	ssyncset.s32 @!p0 $0xFFFFF086;
	s6 =	sadd.s32 @!p0 s3, s7;
	s7 =	simm.s32 @!p0 $0x108  }
0x21: {  	s3 =	sadd.s32 s3, s9;
	s6 =	sadd.s32 @!p0 $0x88, s6;
	s7 =	simm.s32 @p2 $0x1082  }
0x22: {  	[simem:s7], [sflag:s8] =	dma.local @!p0 [hbm:s6], $0xF7A  }
0x23: {  	s9 =	sor.u32 $0xD0000000, s2;
	s6 =	simm.s32 $0x108;
	_ =	swait.ge @!p0 [sflag:s8], $0x0  }
0x24: {  	s3 =	sadd.s32 $0x88, s3;
	s6 =	simm.s32 @!p1 $0x1082;
	[sflag:s4] =	ssyncset.s32 $0xFFFFF086  }
0x25: {  	[simem:s6], [sflag:s4] =	dma.local [hbm:s3], $0xF7A  }
0x26: {  	[smem:$0x3F9F] =	sst s1;
	(tag) =	ssettag s2;
	_ =	strace s9  }
0x27: {  	s1 =	sld [smem:$0x3FAF]  }
0x28: {  	s2 =	sld [smem:$0x3FB0]  }
0x29: {  	s4 =	sld [smem:$0x3FB2]  }
0x2a: {  	p0 =	seq.s32 s5, $0x0;
	s5 =	sld [smem:$0x3FB3]  }
0x2b: {  	s6 =	sld [smem:$0x3FB4]  }
0x2c: {  	s7 =	sld [smem:$0x3FB5]  }
0x2d: {  	s3 =	simm.s32 $0x108;
	s8 =	sld [smem:$0x3FB6]  }
0x2e: {  	s3 =	simm.s32 @!p0 $0x1082;
	s9 =	sld [smem:$0x3FB7]  }
0x2f: {  	lr =	sadd.s32 s0, s3;
	s0 =	sld [smem:$0x3FAE]  }
0x30: {  	s3 =	sld [smem:$0x3FB1]  }
0x31: {  	[smem:$0x3FBA] =	sst s10  }
0x32: {  	s10 =	sld [smem:$0x3FB8];
	_ =	sdelay $0x3  }
0x33: {  	p0 =	seq.s32 s10, $0x1;
	s10 =	sld [smem:$0x3FBA];
	_ =	sdelay $0x3  }
0x34: {  	[smem:$0x3FBA] =	sst s10  }
0x35: {  	s10 =	sld [smem:$0x3FB9];
	_ =	sdelay $0x3  }
0x36: {  	p1 =	seq.s32 s10, $0x1;
	s10 =	sld [smem:$0x3FBA];
	_ =	sdelay $0x3  }
0x37: {  	[smem:$0x3FBA] =	sst s10  }
0x38: {  	s10 =	sld [smem:$0x3FBB]  }
0x39: {  	_ = 	snop;
	(pc) =	sbr.ind lr, $3  }
0x3a: {  	_ = 	snop  }
0x3b: {  	_ = 	snop  }
0x3c: {  	p2 =	seq.s32 s10, $0x1;
	s10 =	sld [smem:$0x3FBA]  }
0x3d: {  	_ =	shalt  }
0x3e: {  	_ =	shalt  }
0x3f: {  	_ =	shalt  }
0x40: {  	_ =	shalt  }
0x41: {  	_ =	shalt  }
0x42: {  	_ =	shalt  }
0x43: {  	_ =	shalt  }
0x44: {  	_ =	shalt  }
0x45: {  	_ =	shalt  }
0x46: {  	_ =	shalt  }
0x47: {  	_ =	shalt  }
0x48: {  	_ =	shalt  }
0x49: {  	_ =	shalt  }
0x4a: {  	_ =	shalt  }
0x4b: {  	_ =	shalt  }
0x4c: {  	_ =	shalt  }
0x4d: {  	_ =	shalt  }
0x4e: {  	_ =	shalt  }
0x4f: {  	_ =	shalt  }
0x50: {  	_ =	shalt  }
0x51: {  	_ =	shalt  }
0x52: {  	_ =	shalt  }
0x53: {  	_ =	shalt  }
0x54: {  	_ =	shalt  }
0x55: {  	_ =	shalt  }
0x56: {  	_ =	shalt  }
0x57: {  	_ =	shalt  }
0x58: {  	_ =	shalt  }
0x59: {  	_ =	shalt  }
0x5a: {  	_ =	shalt  }
0x5b: {  	_ =	shalt  }
0x5c: {  	_ =	shalt  }
0x5d: {  	_ =	shalt  }
0x5e: {  	_ =	shalt  }
0x5f: {  	_ =	shalt  }
0x60: {  	_ =	shalt  }
0x61: {  	_ =	shalt  }
0x62: {  	_ =	shalt  }
0x63: {  	_ =	shalt  }
0x64: {  	_ =	shalt  }
0x65: {  	_ =	shalt  }
0x66: {  	_ =	shalt  }
0x67: {  	_ =	shalt  }
0x68: {  	_ =	shalt  }
0x69: {  	_ =	shalt  }
0x6a: {  	_ =	shalt  }
0x6b: {  	_ =	shalt  }
0x6c: {  	_ =	shalt  }
0x6d: {  	_ =	shalt  }
0x6e: {  	_ =	shalt  }
0x6f: {  	_ =	shalt  }
0x70: {  	_ =	shalt  }
0x71: {  	_ =	shalt  }
0x72: {  	_ =	shalt  }
0x73: {  	_ =	shalt  }
0x74: {  	_ =	shalt  }
0x75: {  	_ =	shalt  }
0x76: {  	_ =	shalt  }
0x77: {  	_ =	shalt  }
0x78: {  	_ =	shalt  }
0x79: {  	_ =	shalt  }
0x7a: {  	_ =	shalt  }
0x7b: {  	_ =	shalt  }
0x7c: {  	_ =	shalt  }
0x7d: {  	_ =	shalt  }
0x7e: {  	_ =	shalt  }
0x7f: {  	_ =	shalt  }
0x80: {  	_ =	shalt  }
0x81: {  	_ =	shalt  }
0x82: {  	_ =	shalt  }
0x83: {  	_ =	shalt  }
0x84: {  	_ =	shalt  }
0x85: {  	_ =	shalt  }
0x86: {  	_ =	shalt  }
0x87: {  	_ =	shalt  }
.Lfunc_end0:
.L_simem_size_0:
called_computation.1_lowered:
.L_overlay_start_0:
0x88: {  	s2 =	sld [smem:$0x3FD9]  }
0x89: {  	s3 =	sld [smem:$0x3FFE];
	_ =	sdelay $0x1  }
0x8a: {  	s1 =	srdreg.scid  }
0x8b: {  	s0 =	sand.u32 $0x1, s1  }
0x8c: {  	s17 =	sshll.u32 s0, $0xA;
	s2 =	sadd.s32 s3, s2  }
0x8d: {  	s2 =	sadd.s32 s2, s17  }
0x8e: {  	[smem:$0x3FC6] =	sst s2  }
0x8f: {  	_ = 	snop  }
0x90: {  	s2 =	sld [smem:$0x3FC9]  }
0x91: {  	s18 =	sld [smem:$0x3FC8]  }
0x92: {  	s4 =	sld [smem:$0x3FD0];
	(tm) =	ssettm $0x1  }
0x93: {  	s5 =	sld [smem:$0x3FFB];
	_ =	sdelay $0x3  }
0x94: {  	_ =	strace s5  }
0x95: {  	s5 =	sld [smem:$0x3FFC];
	_ =	sdelay $0x3  }
0x96: {  	_ =	strace s5  }
0x97: {  	s5 =	sld [smem:$0x3FFD];
	_ =	sdelay $0x3  }
0x98: {  	_ =	strace s5  }
0x99: {  	_ =	strace $0x8FFFFFFF  }
0x9a: {  	s19 =	sld [smem:$0x3FDB];
	_ =	sdelay $0x1  }
0x9b: {  	s6 =	simm.s32 $_scs_section_size  }
0x9c: {  	s7 =	simm.s32 $_size__tile_overlayer_lowered;
	s8 =	simm.s32 $_tile_overlayer_lowered  }
0x9d: {  	s22 =	simm.s32 $0x1BFF;
	s21 =	sshll.u32 s8, $0x1;
	s5 =	sadd.s32 s6, s19  }
0x9e: {  	s9 =	simm.s32 $0x0;
	s20 =	sshll.u32 s7, $0x1;
	s7 =	sadd.s32 s21, s5  }
0x9f: {  	[timem:s9], [sflag:s22] =	dma.local [hbm:s7], s20  }
0xa0: {  	_ =	swait.ge [sflag:s22], s20  }
0xa1: {  	s6 =	ssub.s32 $0x0, s20;
	[sflag:s22] =	ssyncset.done $0x0  }
0xa2: {  	[sflag:s22] =	ssyncadd.s32 s6;
	_ =	sdelay $0x1  }
0xa3: {  	s23 =	simm.s32 $0x1B8B  }
0xa4: {  	_ =	swait.ge [sflag:s23], $0x1  }
0xa5: {  	[sflag:s23] =	ssyncset.done $0x0  }
0xa6: {  	s25 =	simm.s32 $0x1B8E;
	s24 =	sld [smem:$0x3FFE];
	[sflag:s23] =	ssyncadd.s32 $0xFFFFFFFF  }
0xa7: {  	s26 =	simm.s32 $execute0_lowered;
	[smem:$0x3FD2] =	sst s25  }
0xa8: {  	s7 =	sshll.u32 s26, $0x1;
	_ =	strace $0x80000049;
	[dreg:$0x1] =	wrdreg $0xFFFFFFFF  }
0xa9: {  	s28 =	simm.s32 $_size_execute0_lowered;
	s5 =	sadd.s32 s5, s7;
	[dreg:$0x0] =	wrdreg $0x0  }
0xaa: {  	s7 =	sshll.u32 s28, $0x1;
	[dreg:$0x2] =	wrdreg s5  }
0xab: {  	[dreg:$0x3] =	wrdreg s7  }
0xac: {  	[dreg:$0x4] =	wrdreg $0xC0  }
0xad: {  	_ =	task [dreg:s9], $0x5FFFF  }
0xae: {  	[dreg:$0x1] =	wrdreg $0xFFFFFFFF  }
0xaf: {  	[dreg:$0x0] =	wrdreg $0x60  }
0xb0: {  	[dreg:$0x2] =	wrdreg s2  }
0xb1: {  	[dreg:$0x3] =	wrdreg s18  }
0xb2: {  	[dreg:$0x4] =	wrdreg s4  }
0xb3: {  	[dreg:$0x5] =	wrdreg s24  }
0xb4: {  	[dreg:$0x6] =	wrdreg $0x9  }
0xb5: {  	_ =	task.clear_ibuf [dreg:s9], $0x7FFFF;
	_ =	strace $0x90000049  }
0xb6: {  	s29 =	simm.s32 $0x9;
	_ =	strace $0x8000004B  }
0xb7: {  	_ =	swait.ge [sflag:s29], $0x1  }
0xb8: {  	[sflag:s29] =	ssyncadd.s32 $0xFFFFFFFF  }
0xb9: {  	_ =	strace $0x9000004B  }
0xba: {  	_ =	sfence  }
0xbb: {  	s30 =	sld [smem:$0x0];
	_ =	sdelay $0x2  }
0xbc: {  	s31 =	sshll.u32 s1, $0xD;
	s1 =	sshrl.u32 s1, $0x2  }
0xbd: {  	s3 =	sand.u32 $0x4000, s31;
	s1 =	sadd.s32 s1, s30  }
0xbe: {  	s0 =	sor.u32 s3, s0;
	s1 =	sshll.u32 s1, $0x11  }
0xbf: {  	s0 =	sor.u32 s1, s0  }
0xc0: {  	s0 =	sadd.s32 $0x8F2B, s0  }
0xc1: {  	[sflag:s0] =	ssyncadd.remote.s32 $0x1  }
0xc2: {  	_ =	sfence.sel $0xFFFF  }
0xc3: {  	[dreg:$0x0] =	wrdreg $0xFFFFFFFF;
	(pc) =	sbr.abs _section_cstart, $3  }
0xc4: {  	[dreg:$0x1] =	wrdreg $0xFFFFFFFF  }
0xc5: {  	_ =	task.clear_ibuf [dreg:s9], $0x2FFFF;
	_ =	strace $0x9FFFFFFF  }
0xc6: {  	(tm) =	ssettm $0x7FFFFFFF  }
0xc7: {  	_ =	shalt  }
tec
execute0_lowered:
.L_overlay_start_1:
0x0: {  	(tag) =	ssettag $0x1  }
0x1: {  	s1 =	rddreg [dreg:$0x0]  }
0x2: {  	s2 =	rddreg [dreg:$0x1]  }
0x3: {  	s4 =	rddreg [dreg:$0x2]  }
0x4: {  	s3 =	srdreg.scid;
	s0 =	stileid.u32  }
0x5: {  	s6 =	rddreg [dreg:$0x3];
	s5 =	simm.s32 $0x0;
	s11 =	simm.s32 $0x8000  }
0x6: {  	s12 =	simm.s32 $0xA010;
	s7 =	sand.u32 $0x1, s3;
	s8 =	sshll.u32 s0, $0x1  }
0x7: {  	s13 =	simm.s32 $0x0;
	s3 =	rddreg [dreg:$0x4];
	s8 =	sor.u32 s7, s8  }
0x8: {  	[smem:$0x7FF] =	sst s5;
	s7 =	ssub.s32 $0x2, s7;
	s9 =	sshll.u32 s8, $0x9  }
0x9: {  	_ =	strace $0x8000004A;
	s31 =	sshrl.u32 s7, $0x1;
	s9 =	sadd.s32 s9, s6  }
0xa: {  	v0 =	vlaneseq.u32;
	s10 =	ssub.s32 s7, s31;
	s6 =	sshll.u32 s8, $0x10;
	s7 =	sadd.s32 $0xA00, s9  }
0xb: {  	v1 =	vimm.s32 $0x0;
	v3 =	vimm.s32 $0x1;
	v2 =	vand.u32 $0x7, v0;
	s8 =	smax.u32 s10, $0x1;
	s9 =	simm.s32 $0xA000;
	s10 =	simm.s32 $0x1  }
.LBB2_1:
0xc: {  	[tilespmem:s9], [sflag:$0x1] =	stream.linear.gather [hbm4b:s4+s5], $0x10, $0x38;
	[tilespmem:$0xB010] =	vst v63  }
0xd: {  	_ =	swait.ge [sflag:s10], $0x10  }
0xe: {  	[sflag:s10] =	ssyncset.done $0x0  }
0xf: {  	[sflag:s10] =	ssyncadd.s32 $0xFFFFFFF0  }
0x10: {  	s14 =	simm.s32 $0x40;
	s15 =	simm.s32 $0x0;
	v4 =	vld [tilespmem:$0xA000]  }
.LBB2_2:
0x11: {  	p0 =	seq.s32 s14, $0x3FC0;
	[tilespmem:s15+$0xA010] =	vst v1;
	s15 =	smov.u32 s14;
	s14 =	sadd.s32 $0x40, s14  }
.Ltmp0:
0x12: {  	(pc) =	sbr.rel @!p0 .LBB2_2-.Ltmp0, $2  }
0x13: {  	_ =	sdelay $0x2  }
0x14: {  	s15 =	sshra.s32 s15, $0x2  }
0x15: {  	[tilespmem:s15+$0xA010] =	vst v1;
	v4 =	vbroadcast v4, $0x0;
	s14 =	simm.s32 $0x0;
	s15 =	simm.s32 $0x0  }
.LBB2_4:
0x16: {  	s16 =	sshll.u32 s15, $0xD  }
0x17: {  	s16 =	sadd.s32 s6, s16  }
0x18: {  	s17 =	sshrl.u32 s16, $0x1  }
0x19: {  	s17 =	sadd.s32 s1, s17  }
0x1a: {  	[tilespmem:s14], [sflag:$0x1] =	stream.linear.gather [hbm4b:s17+s14], $0x8000, $0x38;
	[tilespmem:$0xB010] =	vst v63  }
0x1b: {  	_ =	swait.ge [sflag:s10], $0x8000  }
0x1c: {  	s16 =	sshrl.u32 s16, $0x3;
	[sflag:s10] =	ssyncset.done $0x0  }
0x1d: {  	s16 =	sadd.s32 s2, s16;
	[sflag:s10] =	ssyncadd.s32 $0xFFFF8000  }
0x1e: {  	[tilespmem:s11], [sflag:$0x1] =	stream.linear.gather [hbm4b:s16+s14], $0x2000, $0x38;
	[tilespmem:$0xB010] =	vst v63  }
0x1f: {  	_ =	swait.ge [sflag:s10], $0x2000  }
0x20: {  	[sflag:s10] =	ssyncset.done $0x0  }
0x21: {  	s17 =	simm.s32 $0x0;
	s16 =	simm.s32 $0x0;
	[sflag:s10] =	ssyncadd.s32 $0xFFFFE000  }
.LBB2_5:
0x22: {  	s18 =	sshra.s32 s16, $0x2  }
0x23: {  	v5 =	vld [tilespmem:s18+$0x8000];
	_ =	sdelay $0x3  }
0x24: {  	s31 =	sand.u32 $0x7E00, s16;
	s19 =	sand.u32 $0x70, s17  }
0x25: {  	s18 =	sor.u32 s19, s31;
	v6 =	vshll.u32 v5, $0x7  }
0x26: {  	v6 =	vadd.s32 s18, v6  }
0x27: {  	v6 =	vor.u32 v0, v6  }
0x28: {  	v6 =	vand.u32 $0xFFFFFFF8, v6  }
0x29: {  	v6 =	vor.u32 v2, v6;
	_ =	sdelay $0x4  }
0x2a: {  	v6 =	vld.idx.msk [tilespmem:v6+s5+$0x0], $0xffff;
	_ =	sdelay $0x4  }
0x2b: {  	v7 =	vshra.s32 v6, $0x18  }
0x2c: {  	vm0 =	veq.s32 v5, $0x0;
	v5 =	vshrl.u32 v6, $0xC;
	vm1 =	veq.s32 v7, v4  }
0x2d: {  	v5 =	vand.u32 $0xFF0, v5;
	vm0 =	vmand vm0, vm1  }
0x2e: {  	p0 =	sne.s32 s17, $0x1FF0;
	v5 =	vor.u32 v0, v5  }
.Ltmp1:
0x2f: {  	_ = 	snop;
	(pc) =	sbr.rel @p0 .LBB2_5-.Ltmp1, $2  }
0x30: {  	_ =	sdelay $0x2  }
0x31: {  	s16 =	sadd.s32 $0x40, s16;
	s17 =	sadd.s32 $0x10, s17;
	[tilespmem:v5+s12+$0x0] =	vst.idx.add.s32.msk vm0, v3  }
0x32: {  	s15 =	sadd.s32 $0x1, s15  }
0x33: {  	p0 =	sne.s32 s15, $0x8  }
.Ltmp2:
0x34: {  	_ = 	snop;
	(pc) =	sbr.rel @p0 .LBB2_4-.Ltmp2, $1  }
0x35: {  	_ =	sdelay $0x3  }
0x36: {  	s13 =	sadd.s32 $0x1, s13  }
0x37: {  	p0 =	sne.s32 s13, s8  }
.Ltmp3:
0x38: {  	_ = 	snop;
	(pc) =	sbr.rel @p0 .LBB2_1-.Ltmp3, $4  }
0x39: {  	[hbm4b:s7+s5] =	stream.linear.scatter [tilespmem:s12], [sflag:$0x1], $0x1000, $0x38;
	[tilespmem:$0xB010] =	vst v63  }
0x3a: {  	_ =	swait.ge [sflag:s10], $0x1000  }
0x3b: {  	[sflag:s10] =	ssyncset.done $0x0  }
0x3c: {  	[sflag:s10] =	ssyncadd.s32 $0xFFFFF000  }
0x3d: {  	_ =	sfence.sel $0x180000  }
0x3e: {  	[bflag:$0x0] =	sbarrier.arrive $0xFFFF  }
0x3f: {  	p0 =	sne.s32 s0, $0x0;
	_ =	strace $0x9000004A  }
0x40: {  	s0 =	sadd.s32 @!p0 $0x100000, s3;
	[bflag:$0x2] =	sbarrier.arrive $0xFFFF  }
0x41: {  	[sflag:s0] =	ssyncadd.tile.s32 @!p0 $0x1;
	_ =	shalt  }
.Lfunc_end2:
_tile_overlayer_lowered:
.L_overlay_start_2:
0x42: {  	(tag) =	ssettag $0x2  }
0x43: {  	s0 =	rddreg [dreg:$0x0];
	s2 =	stileid.u32  }
0x44: {  	s1 =	rddreg [dreg:$0x1];
	p0 =	sne.s32 s2, $0x0  }
0x45: {  	s3 =	rddreg [dreg:$0x2];
	[bflag:$0x3] =	sbarrier.arrive $0xFFFF;
	s2 =	simm.s32 @!p0 $0x1C01  }
0x46: {  	[timem:s3], [sflag:s2] =	dma.local @!p0 [hbm:s0], s1  }
0x47: {  	s0 =	simm.s32 @!p0 $0x1  }
0x48: {  	_ =	swait.ge @!p0 [sflag:s0], s1  }
0x49: {  	s1 =	ssub.s32 @!p0 $0x0, s1;
	[sflag:s0] =	ssyncset.done @!p0 $0x0  }
0x4a: {  	[sflag:s0] =	ssyncadd.s32 @!p0 s1  }
0x4b: {  	[bflag:$0x3] =	sbarrier.arrive $0xFFFF  }
0x4c: {  	_ =	shalt  }

// kernel: branch_0_fun.18.cloned.1.call-start
scs
__scs_entry_jumppad:
0x0: {  	(pc) =	sbr.rel $0x88, $3  }
0x1: {  	(tag) =	ssettag $0x0;
	lr =	simm.s32 $0x1  }
0x2: {  	[smem:$0x3F9F] =	sst lr;
	_ =	strace $0xD0000000  }
0x3: {  	_ = 	snop  }
0x4: {  	_ = 	snop  }
0x5: {  	_ = 	snop  }
0x6: {  	_ = 	snop  }
0x7: {  	_ = 	snop  }
__scs_overlays_trampoline_lowered:
0x8: {  	[smem:$0x3FAE] =	sst s0  }
0x9: {  	[smem:$0x3FAF] =	sst s1  }
0xa: {  	[smem:$0x3FB0] =	sst s2  }
0xb: {  	[smem:$0x3FB1] =	sst s3  }
0xc: {  	[smem:$0x3FB2] =	sst s4  }
0xd: {  	[smem:$0x3FB3] =	sst s5  }
0xe: {  	[smem:$0x3FB4] =	sst s6  }
0xf: {  	[smem:$0x3FB5] =	sst s7  }
0x10: {  	[smem:$0x3FB6] =	sst s8  }
0x11: {  	[smem:$0x3FB7] =	sst s9;
	s0 =	simm.s32 @!p0 $0x0  }
0x12: {  	s1 =	sld [smem:$0x3F9D];
	s0 =	simm.s32 @p0 $0x1  }
0x13: {  	[smem:$0x3FB8] =	sst s0;
	s0 =	simm.s32 @!p1 $0x0  }
0x14: {  	s2 =	sld [smem:$0x3F9C];
	s0 =	simm.s32 @p1 $0x1  }
0x15: {  	[smem:$0x3FB9] =	sst s0;
	s0 =	simm.s32 @!p2 $0x0  }
0x16: {  	s3 =	sld [smem:$0x3FDB];
	s0 =	simm.s32 @p2 $0x1  }
0x17: {  	s4 =	simm.s32 $0x1BF5;
	[smem:$0x3FBB] =	sst s0  }
0x18: {  	s0 =	sld [smem:$0x3F9E];
	_ =	swait.ge [sflag:s4], $0x0  }
0x19: {  	s7 =	sld [smem:$0x3F9F]  }
0x1a: {  	s8 =	sadd.s32 $0xFFFFE003, lr  }
0x1b: {  	s9 =	sadd.s32 $0xFFFFFEF7, lr;
	s5 =	simm.s32 $0xFFFFFFFF;
	p2 =	slt.u32 s8, $0xFFFFF086  }
0x1c: {  	p1 =	slt.u32 s9, $0xF7A;
	s5 =	simm.s32 @!p2 $0x0  }
0x1d: {  	s5 =	simm.s32 @p1 $0x1;
	p0 =	seq.s32 s7, s2  }
0x1e: {  	s7 =	smul.u32 @!p0 $0xF7A, s2;
	p2 =	seq.s32 @!p0 s5, $0x0  }
0x1f: {  	s9 =	smul.u32 $0xF7A, s1;
	s8 =	simm.s32 @!p0 $0x1BF5;
	p2 =	por !p2, p0  }
0x20: {  	[sflag:s8] =	ssyncset.s32 @!p0 $0xFFFFF086;
	s6 =	sadd.s32 @!p0 s3, s7;
	s7 =	simm.s32 @!p0 $0x108  }
0x21: {  	s3 =	sadd.s32 s3, s9;
	s6 =	sadd.s32 @!p0 $0x88, s6;
	s7 =	simm.s32 @p2 $0x1082  }
0x22: {  	[simem:s7], [sflag:s8] =	dma.local @!p0 [hbm:s6], $0xF7A  }
0x23: {  	s9 =	sor.u32 $0xD0000000, s2;
	s6 =	simm.s32 $0x108;
	_ =	swait.ge @!p0 [sflag:s8], $0x0  }
0x24: {  	s3 =	sadd.s32 $0x88, s3;
	s6 =	simm.s32 @!p1 $0x1082;
	[sflag:s4] =	ssyncset.s32 $0xFFFFF086  }
0x25: {  	[simem:s6], [sflag:s4] =	dma.local [hbm:s3], $0xF7A  }
0x26: {  	[smem:$0x3F9F] =	sst s1;
	(tag) =	ssettag s2;
	_ =	strace s9  }
0x27: {  	s1 =	sld [smem:$0x3FAF]  }
0x28: {  	s2 =	sld [smem:$0x3FB0]  }
0x29: {  	s4 =	sld [smem:$0x3FB2]  }
0x2a: {  	p0 =	seq.s32 s5, $0x0;
	s5 =	sld [smem:$0x3FB3]  }
0x2b: {  	s6 =	sld [smem:$0x3FB4]  }
0x2c: {  	s7 =	sld [smem:$0x3FB5]  }
0x2d: {  	s3 =	simm.s32 $0x108;
	s8 =	sld [smem:$0x3FB6]  }
0x2e: {  	s3 =	simm.s32 @!p0 $0x1082;
	s9 =	sld [smem:$0x3FB7]  }
0x2f: {  	lr =	sadd.s32 s0, s3;
	s0 =	sld [smem:$0x3FAE]  }
0x30: {  	s3 =	sld [smem:$0x3FB1]  }
0x31: {  	[smem:$0x3FBA] =	sst s10  }
0x32: {  	s10 =	sld [smem:$0x3FB8];
	_ =	sdelay $0x3  }
0x33: {  	p0 =	seq.s32 s10, $0x1;
	s10 =	sld [smem:$0x3FBA];
	_ =	sdelay $0x3  }
0x34: {  	[smem:$0x3FBA] =	sst s10  }
0x35: {  	s10 =	sld [smem:$0x3FB9];
	_ =	sdelay $0x3  }
0x36: {  	p1 =	seq.s32 s10, $0x1;
	s10 =	sld [smem:$0x3FBA];
	_ =	sdelay $0x3  }
0x37: {  	[smem:$0x3FBA] =	sst s10  }
0x38: {  	s10 =	sld [smem:$0x3FBB]  }
0x39: {  	_ = 	snop;
	(pc) =	sbr.ind lr, $3  }
0x3a: {  	_ = 	snop  }
0x3b: {  	_ = 	snop  }
0x3c: {  	p2 =	seq.s32 s10, $0x1;
	s10 =	sld [smem:$0x3FBA]  }
0x3d: {  	_ =	shalt  }
0x3e: {  	_ =	shalt  }
0x3f: {  	_ =	shalt  }
0x40: {  	_ =	shalt  }
0x41: {  	_ =	shalt  }
0x42: {  	_ =	shalt  }
0x43: {  	_ =	shalt  }
0x44: {  	_ =	shalt  }
0x45: {  	_ =	shalt  }
0x46: {  	_ =	shalt  }
0x47: {  	_ =	shalt  }
0x48: {  	_ =	shalt  }
0x49: {  	_ =	shalt  }
0x4a: {  	_ =	shalt  }
0x4b: {  	_ =	shalt  }
0x4c: {  	_ =	shalt  }
0x4d: {  	_ =	shalt  }
0x4e: {  	_ =	shalt  }
0x4f: {  	_ =	shalt  }
0x50: {  	_ =	shalt  }
0x51: {  	_ =	shalt  }
0x52: {  	_ =	shalt  }
0x53: {  	_ =	shalt  }
0x54: {  	_ =	shalt  }
0x55: {  	_ =	shalt  }
0x56: {  	_ =	shalt  }
0x57: {  	_ =	shalt  }
0x58: {  	_ =	shalt  }
0x59: {  	_ =	shalt  }
0x5a: {  	_ =	shalt  }
0x5b: {  	_ =	shalt  }
0x5c: {  	_ =	shalt  }
0x5d: {  	_ =	shalt  }
0x5e: {  	_ =	shalt  }
0x5f: {  	_ =	shalt  }
0x60: {  	_ =	shalt  }
0x61: {  	_ =	shalt  }
0x62: {  	_ =	shalt  }
0x63: {  	_ =	shalt  }
0x64: {  	_ =	shalt  }
0x65: {  	_ =	shalt  }
0x66: {  	_ =	shalt  }
0x67: {  	_ =	shalt  }
0x68: {  	_ =	shalt  }
0x69: {  	_ =	shalt  }
0x6a: {  	_ =	shalt  }
0x6b: {  	_ =	shalt  }
0x6c: {  	_ =	shalt  }
0x6d: {  	_ =	shalt  }
0x6e: {  	_ =	shalt  }
0x6f: {  	_ =	shalt  }
0x70: {  	_ =	shalt  }
0x71: {  	_ =	shalt  }
0x72: {  	_ =	shalt  }
0x73: {  	_ =	shalt  }
0x74: {  	_ =	shalt  }
0x75: {  	_ =	shalt  }
0x76: {  	_ =	shalt  }
0x77: {  	_ =	shalt  }
0x78: {  	_ =	shalt  }
0x79: {  	_ =	shalt  }
0x7a: {  	_ =	shalt  }
0x7b: {  	_ =	shalt  }
0x7c: {  	_ =	shalt  }
0x7d: {  	_ =	shalt  }
0x7e: {  	_ =	shalt  }
0x7f: {  	_ =	shalt  }
0x80: {  	_ =	shalt  }
0x81: {  	_ =	shalt  }
0x82: {  	_ =	shalt  }
0x83: {  	_ =	shalt  }
0x84: {  	_ =	shalt  }
0x85: {  	_ =	shalt  }
0x86: {  	_ =	shalt  }
0x87: {  	_ =	shalt  }
.Lfunc_end0:
.L_simem_size_0:
called_computation.2_lowered:
.L_overlay_start_0:
0x88: {  	s2 =	sld [smem:$0x3FD9]  }
0x89: {  	s3 =	sld [smem:$0x3FFE];
	_ =	sdelay $0x1  }
0x8a: {  	s1 =	srdreg.scid  }
0x8b: {  	s0 =	sand.u32 $0x1, s1  }
0x8c: {  	s17 =	sshll.u32 s0, $0xA;
	s2 =	sadd.s32 s3, s2  }
0x8d: {  	s2 =	sadd.s32 s2, s17  }
0x8e: {  	[smem:$0x3FC6] =	sst s2  }
0x8f: {  	_ = 	snop  }
0x90: {  	s2 =	sld [smem:$0x3FC9]  }
0x91: {  	s18 =	sld [smem:$0x3FC8]  }
0x92: {  	s4 =	sld [smem:$0x3FD0];
	(tm) =	ssettm $0x1  }
0x93: {  	s5 =	sld [smem:$0x3FFB];
	_ =	sdelay $0x3  }
0x94: {  	_ =	strace s5  }
0x95: {  	s5 =	sld [smem:$0x3FFC];
	_ =	sdelay $0x3  }
0x96: {  	_ =	strace s5  }
0x97: {  	s5 =	sld [smem:$0x3FFD];
	_ =	sdelay $0x3  }
0x98: {  	_ =	strace s5  }
0x99: {  	_ =	strace $0x8FFFFFFF  }
0x9a: {  	s19 =	sld [smem:$0x3FDB];
	_ =	sdelay $0x1  }
0x9b: {  	s6 =	simm.s32 $_scs_section_size  }
0x9c: {  	s7 =	simm.s32 $_size__tile_overlayer_lowered;
	s8 =	simm.s32 $_tile_overlayer_lowered  }
0x9d: {  	s22 =	simm.s32 $0x1BFF;
	s21 =	sshll.u32 s8, $0x1;
	s5 =	sadd.s32 s6, s19  }
0x9e: {  	s9 =	simm.s32 $0x0;
	s20 =	sshll.u32 s7, $0x1;
	s7 =	sadd.s32 s21, s5  }
0x9f: {  	[timem:s9], [sflag:s22] =	dma.local [hbm:s7], s20  }
0xa0: {  	_ =	swait.ge [sflag:s22], s20  }
0xa1: {  	s6 =	ssub.s32 $0x0, s20;
	[sflag:s22] =	ssyncset.done $0x0  }
0xa2: {  	[sflag:s22] =	ssyncadd.s32 s6;
	_ =	sdelay $0x1  }
0xa3: {  	s23 =	simm.s32 $0x1B8B  }
0xa4: {  	_ =	swait.ge [sflag:s23], $0x1  }
0xa5: {  	[sflag:s23] =	ssyncset.done $0x0  }
0xa6: {  	s25 =	simm.s32 $0x1B8E;
	s24 =	sld [smem:$0x3FFE];
	[sflag:s23] =	ssyncadd.s32 $0xFFFFFFFF  }
0xa7: {  	s26 =	simm.s32 $execute0_lowered;
	[smem:$0x3FD2] =	sst s25  }
0xa8: {  	s7 =	sshll.u32 s26, $0x1;
	_ =	strace $0x8000004C;
	[dreg:$0x1] =	wrdreg $0xFFFFFFFF  }
0xa9: {  	s28 =	simm.s32 $_size_execute0_lowered;
	s5 =	sadd.s32 s5, s7;
	[dreg:$0x0] =	wrdreg $0x0  }
0xaa: {  	s7 =	sshll.u32 s28, $0x1;
	[dreg:$0x2] =	wrdreg s5  }
0xab: {  	[dreg:$0x3] =	wrdreg s7  }
0xac: {  	[dreg:$0x4] =	wrdreg $0xC0  }
0xad: {  	_ =	task [dreg:s9], $0x5FFFF  }
0xae: {  	[dreg:$0x1] =	wrdreg $0xFFFFFFFF  }
0xaf: {  	[dreg:$0x0] =	wrdreg $0x60  }
0xb0: {  	[dreg:$0x2] =	wrdreg s2  }
0xb1: {  	[dreg:$0x3] =	wrdreg s18  }
0xb2: {  	[dreg:$0x4] =	wrdreg s4  }
0xb3: {  	[dreg:$0x5] =	wrdreg s24  }
0xb4: {  	[dreg:$0x6] =	wrdreg $0x9  }
0xb5: {  	_ =	task.clear_ibuf [dreg:s9], $0x7FFFF;
	_ =	strace $0x9000004C  }
0xb6: {  	s29 =	simm.s32 $0x9;
	_ =	strace $0x8000004E  }
0xb7: {  	_ =	swait.ge [sflag:s29], $0x1  }
0xb8: {  	[sflag:s29] =	ssyncadd.s32 $0xFFFFFFFF  }
0xb9: {  	_ =	strace $0x9000004E  }
0xba: {  	_ =	sfence  }
0xbb: {  	s30 =	sld [smem:$0x0];
	_ =	sdelay $0x2  }
0xbc: {  	s31 =	sshll.u32 s1, $0xD;
	s1 =	sshrl.u32 s1, $0x2  }
0xbd: {  	s3 =	sand.u32 $0x4000, s31;
	s1 =	sadd.s32 s1, s30  }
0xbe: {  	s0 =	sor.u32 s3, s0;
	s1 =	sshll.u32 s1, $0x11  }
0xbf: {  	s0 =	sor.u32 s1, s0  }
0xc0: {  	s0 =	sadd.s32 $0x8F2B, s0  }
0xc1: {  	[sflag:s0] =	ssyncadd.remote.s32 $0x1  }
0xc2: {  	_ =	sfence.sel $0xFFFF  }
0xc3: {  	[dreg:$0x0] =	wrdreg $0xFFFFFFFF;
	(pc) =	sbr.abs _section_cstart, $3  }
0xc4: {  	[dreg:$0x1] =	wrdreg $0xFFFFFFFF  }
0xc5: {  	_ =	task.clear_ibuf [dreg:s9], $0x2FFFF;
	_ =	strace $0x9FFFFFFF  }
0xc6: {  	(tm) =	ssettm $0x7FFFFFFF  }
0xc7: {  	_ =	shalt  }
tec
execute0_lowered:
.L_overlay_start_1:
0x0: {  	(tag) =	ssettag $0x1  }
0x1: {  	s1 =	rddreg [dreg:$0x0]  }
0x2: {  	s2 =	rddreg [dreg:$0x1]  }
0x3: {  	s4 =	rddreg [dreg:$0x2]  }
0x4: {  	s3 =	srdreg.scid;
	s0 =	stileid.u32  }
0x5: {  	s6 =	rddreg [dreg:$0x3];
	s5 =	simm.s32 $0x0;
	s11 =	simm.s32 $0x8000  }
0x6: {  	s12 =	simm.s32 $0xA010;
	s7 =	sand.u32 $0x1, s3;
	s8 =	sshll.u32 s0, $0x1  }
0x7: {  	s13 =	simm.s32 $0x0;
	s3 =	rddreg [dreg:$0x4];
	s8 =	sor.u32 s7, s8  }
0x8: {  	[smem:$0x7FF] =	sst s5;
	s7 =	ssub.s32 $0x2, s7;
	s9 =	sshll.u32 s8, $0x9  }
0x9: {  	_ =	strace $0x8000004D;
	s31 =	sshrl.u32 s7, $0x1;
	s9 =	sadd.s32 s9, s6  }
0xa: {  	v0 =	vlaneseq.u32;
	s10 =	ssub.s32 s7, s31;
	s6 =	sshll.u32 s8, $0x10;
	s7 =	sadd.s32 $0xC00, s9  }
0xb: {  	v1 =	vimm.s32 $0x0;
	v3 =	vimm.s32 $0x1;
	v2 =	vand.u32 $0x7, v0;
	s8 =	smax.u32 s10, $0x1;
	s9 =	simm.s32 $0xA000;
	s10 =	simm.s32 $0x1  }
.LBB2_1:
0xc: {  	[tilespmem:s9], [sflag:$0x1] =	stream.linear.gather [hbm4b:s4+s5], $0x10, $0x38;
	[tilespmem:$0xB010] =	vst v63  }
0xd: {  	_ =	swait.ge [sflag:s10], $0x10  }
0xe: {  	[sflag:s10] =	ssyncset.done $0x0  }
0xf: {  	[sflag:s10] =	ssyncadd.s32 $0xFFFFFFF0  }
0x10: {  	s14 =	simm.s32 $0x40;
	s15 =	simm.s32 $0x0;
	v4 =	vld [tilespmem:$0xA000]  }
.LBB2_2:
0x11: {  	p0 =	seq.s32 s14, $0x3FC0;
	[tilespmem:s15+$0xA010] =	vst v1;
	s15 =	smov.u32 s14;
	s14 =	sadd.s32 $0x40, s14  }
.Ltmp0:
0x12: {  	(pc) =	sbr.rel @!p0 .LBB2_2-.Ltmp0, $2  }
0x13: {  	_ =	sdelay $0x2  }
0x14: {  	s15 =	sshra.s32 s15, $0x2  }
0x15: {  	[tilespmem:s15+$0xA010] =	vst v1;
	v4 =	vbroadcast v4, $0x0;
	s14 =	simm.s32 $0x0;
	s15 =	simm.s32 $0x0  }
.LBB2_4:
0x16: {  	s16 =	sshll.u32 s15, $0xD  }
0x17: {  	s16 =	sadd.s32 s6, s16  }
0x18: {  	s17 =	sshrl.u32 s16, $0x1  }
0x19: {  	s17 =	sadd.s32 s1, s17  }
0x1a: {  	[tilespmem:s14], [sflag:$0x1] =	stream.linear.gather [hbm4b:s17+s14], $0x8000, $0x38;
	[tilespmem:$0xB010] =	vst v63  }
0x1b: {  	_ =	swait.ge [sflag:s10], $0x8000  }
0x1c: {  	s16 =	sshrl.u32 s16, $0x3;
	[sflag:s10] =	ssyncset.done $0x0  }
0x1d: {  	s16 =	sadd.s32 s2, s16;
	[sflag:s10] =	ssyncadd.s32 $0xFFFF8000  }
0x1e: {  	[tilespmem:s11], [sflag:$0x1] =	stream.linear.gather [hbm4b:s16+s14], $0x2000, $0x38;
	[tilespmem:$0xB010] =	vst v63  }
0x1f: {  	_ =	swait.ge [sflag:s10], $0x2000  }
0x20: {  	[sflag:s10] =	ssyncset.done $0x0  }
0x21: {  	s17 =	simm.s32 $0x0;
	s16 =	simm.s32 $0x0;
	[sflag:s10] =	ssyncadd.s32 $0xFFFFE000  }
.LBB2_5:
0x22: {  	s18 =	sshra.s32 s16, $0x2  }
0x23: {  	v5 =	vld [tilespmem:s18+$0x8000];
	_ =	sdelay $0x3  }
0x24: {  	s31 =	sand.u32 $0x7E00, s16;
	s19 =	sand.u32 $0x70, s17  }
0x25: {  	s18 =	sor.u32 s19, s31;
	v6 =	vshll.u32 v5, $0x7  }
0x26: {  	v6 =	vadd.s32 s18, v6  }
0x27: {  	v6 =	vor.u32 v0, v6  }
0x28: {  	v6 =	vand.u32 $0xFFFFFFF8, v6  }
0x29: {  	v6 =	vor.u32 v2, v6;
	_ =	sdelay $0x4  }
0x2a: {  	v6 =	vld.idx.msk [tilespmem:v6+s5+$0x0], $0xffff;
	_ =	sdelay $0x4  }
0x2b: {  	v7 =	vshra.s32 v6, $0x10  }
0x2c: {  	vm0 =	veq.s32 v5, $0x0;
	v5 =	vshrl.u32 v6, $0x4;
	vm1 =	veq.s32 v7, v4  }
0x2d: {  	v5 =	vand.u32 $0xFF0, v5;
	vm0 =	vmand vm0, vm1  }
0x2e: {  	p0 =	sne.s32 s17, $0x1FF0;
	v5 =	vor.u32 v0, v5  }
.Ltmp1:
0x2f: {  	_ = 	snop;
	(pc) =	sbr.rel @p0 .LBB2_5-.Ltmp1, $2  }
0x30: {  	_ =	sdelay $0x2  }
0x31: {  	s16 =	sadd.s32 $0x40, s16;
	s17 =	sadd.s32 $0x10, s17;
	[tilespmem:v5+s12+$0x0] =	vst.idx.add.s32.msk vm0, v3  }
0x32: {  	s15 =	sadd.s32 $0x1, s15  }
0x33: {  	p0 =	sne.s32 s15, $0x8  }
.Ltmp2:
0x34: {  	_ = 	snop;
	(pc) =	sbr.rel @p0 .LBB2_4-.Ltmp2, $1  }
0x35: {  	_ =	sdelay $0x3  }
0x36: {  	s13 =	sadd.s32 $0x1, s13  }
0x37: {  	p0 =	sne.s32 s13, s8  }
.Ltmp3:
0x38: {  	_ = 	snop;
	(pc) =	sbr.rel @p0 .LBB2_1-.Ltmp3, $4  }
0x39: {  	[hbm4b:s7+s5] =	stream.linear.scatter [tilespmem:s12], [sflag:$0x1], $0x1000, $0x38;
	[tilespmem:$0xB010] =	vst v63  }
0x3a: {  	_ =	swait.ge [sflag:s10], $0x1000  }
0x3b: {  	[sflag:s10] =	ssyncset.done $0x0  }
0x3c: {  	[sflag:s10] =	ssyncadd.s32 $0xFFFFF000  }
0x3d: {  	_ =	sfence.sel $0x180000  }
0x3e: {  	[bflag:$0x0] =	sbarrier.arrive $0xFFFF  }
0x3f: {  	p0 =	sne.s32 s0, $0x0;
	_ =	strace $0x9000004D  }
0x40: {  	s0 =	sadd.s32 @!p0 $0x100000, s3;
	[bflag:$0x2] =	sbarrier.arrive $0xFFFF  }
0x41: {  	[sflag:s0] =	ssyncadd.tile.s32 @!p0 $0x1;
	_ =	shalt  }
.Lfunc_end2:
_tile_overlayer_lowered:
.L_overlay_start_2:
0x42: {  	(tag) =	ssettag $0x2  }
0x43: {  	s0 =	rddreg [dreg:$0x0];
	s2 =	stileid.u32  }
0x44: {  	s1 =	rddreg [dreg:$0x1];
	p0 =	sne.s32 s2, $0x0  }
0x45: {  	s3 =	rddreg [dreg:$0x2];
	[bflag:$0x3] =	sbarrier.arrive $0xFFFF;
	s2 =	simm.s32 @!p0 $0x1C01  }
0x46: {  	[timem:s3], [sflag:s2] =	dma.local @!p0 [hbm:s0], s1  }
0x47: {  	s0 =	simm.s32 @!p0 $0x1  }
0x48: {  	_ =	swait.ge @!p0 [sflag:s0], s1  }
0x49: {  	s1 =	ssub.s32 @!p0 $0x0, s1;
	[sflag:s0] =	ssyncset.done @!p0 $0x0  }
0x4a: {  	[sflag:s0] =	ssyncadd.s32 @!p0 s1  }
0x4b: {  	[bflag:$0x3] =	sbarrier.arrive $0xFFFF  }
0x4c: {  	_ =	shalt  }

// kernel: branch_0_fun.21.cloned.1.call-start
scs
__scs_entry_jumppad:
0x0: {  	(pc) =	sbr.rel $0x88, $3  }
0x1: {  	(tag) =	ssettag $0x0;
	lr =	simm.s32 $0x1  }
0x2: {  	[smem:$0x3F9F] =	sst lr;
	_ =	strace $0xD0000000  }
0x3: {  	_ = 	snop  }
0x4: {  	_ = 	snop  }
0x5: {  	_ = 	snop  }
0x6: {  	_ = 	snop  }
0x7: {  	_ = 	snop  }
__scs_overlays_trampoline_lowered:
0x8: {  	[smem:$0x3FAE] =	sst s0  }
0x9: {  	[smem:$0x3FAF] =	sst s1  }
0xa: {  	[smem:$0x3FB0] =	sst s2  }
0xb: {  	[smem:$0x3FB1] =	sst s3  }
0xc: {  	[smem:$0x3FB2] =	sst s4  }
0xd: {  	[smem:$0x3FB3] =	sst s5  }
0xe: {  	[smem:$0x3FB4] =	sst s6  }
0xf: {  	[smem:$0x3FB5] =	sst s7  }
0x10: {  	[smem:$0x3FB6] =	sst s8  }
0x11: {  	[smem:$0x3FB7] =	sst s9;
	s0 =	simm.s32 @!p0 $0x0  }
0x12: {  	s1 =	sld [smem:$0x3F9D];
	s0 =	simm.s32 @p0 $0x1  }
0x13: {  	[smem:$0x3FB8] =	sst s0;
	s0 =	simm.s32 @!p1 $0x0  }
0x14: {  	s2 =	sld [smem:$0x3F9C];
	s0 =	simm.s32 @p1 $0x1  }
0x15: {  	[smem:$0x3FB9] =	sst s0;
	s0 =	simm.s32 @!p2 $0x0  }
0x16: {  	s3 =	sld [smem:$0x3FDB];
	s0 =	simm.s32 @p2 $0x1  }
0x17: {  	s4 =	simm.s32 $0x1BF5;
	[smem:$0x3FBB] =	sst s0  }
0x18: {  	s0 =	sld [smem:$0x3F9E];
	_ =	swait.ge [sflag:s4], $0x0  }
0x19: {  	s7 =	sld [smem:$0x3F9F]  }
0x1a: {  	s8 =	sadd.s32 $0xFFFFE003, lr  }
0x1b: {  	s9 =	sadd.s32 $0xFFFFFEF7, lr;
	s5 =	simm.s32 $0xFFFFFFFF;
	p2 =	slt.u32 s8, $0xFFFFF086  }
0x1c: {  	p1 =	slt.u32 s9, $0xF7A;
	s5 =	simm.s32 @!p2 $0x0  }
0x1d: {  	s5 =	simm.s32 @p1 $0x1;
	p0 =	seq.s32 s7, s2  }
0x1e: {  	s7 =	smul.u32 @!p0 $0xF7A, s2;
	p2 =	seq.s32 @!p0 s5, $0x0  }
0x1f: {  	s9 =	smul.u32 $0xF7A, s1;
	s8 =	simm.s32 @!p0 $0x1BF5;
	p2 =	por !p2, p0  }
0x20: {  	[sflag:s8] =	ssyncset.s32 @!p0 $0xFFFFF086;
	s6 =	sadd.s32 @!p0 s3, s7;
	s7 =	simm.s32 @!p0 $0x108  }
0x21: {  	s3 =	sadd.s32 s3, s9;
	s6 =	sadd.s32 @!p0 $0x88, s6;
	s7 =	simm.s32 @p2 $0x1082  }
0x22: {  	[simem:s7], [sflag:s8] =	dma.local @!p0 [hbm:s6], $0xF7A  }
0x23: {  	s9 =	sor.u32 $0xD0000000, s2;
	s6 =	simm.s32 $0x108;
	_ =	swait.ge @!p0 [sflag:s8], $0x0  }
0x24: {  	s3 =	sadd.s32 $0x88, s3;
	s6 =	simm.s32 @!p1 $0x1082;
	[sflag:s4] =	ssyncset.s32 $0xFFFFF086  }
0x25: {  	[simem:s6], [sflag:s4] =	dma.local [hbm:s3], $0xF7A  }
0x26: {  	[smem:$0x3F9F] =	sst s1;
	(tag) =	ssettag s2;
	_ =	strace s9  }
0x27: {  	s1 =	sld [smem:$0x3FAF]  }
0x28: {  	s2 =	sld [smem:$0x3FB0]  }
0x29: {  	s4 =	sld [smem:$0x3FB2]  }
0x2a: {  	p0 =	seq.s32 s5, $0x0;
	s5 =	sld [smem:$0x3FB3]  }
0x2b: {  	s6 =	sld [smem:$0x3FB4]  }
0x2c: {  	s7 =	sld [smem:$0x3FB5]  }
0x2d: {  	s3 =	simm.s32 $0x108;
	s8 =	sld [smem:$0x3FB6]  }
0x2e: {  	s3 =	simm.s32 @!p0 $0x1082;
	s9 =	sld [smem:$0x3FB7]  }
0x2f: {  	lr =	sadd.s32 s0, s3;
	s0 =	sld [smem:$0x3FAE]  }
0x30: {  	s3 =	sld [smem:$0x3FB1]  }
0x31: {  	[smem:$0x3FBA] =	sst s10  }
0x32: {  	s10 =	sld [smem:$0x3FB8];
	_ =	sdelay $0x3  }
0x33: {  	p0 =	seq.s32 s10, $0x1;
	s10 =	sld [smem:$0x3FBA];
	_ =	sdelay $0x3  }
0x34: {  	[smem:$0x3FBA] =	sst s10  }
0x35: {  	s10 =	sld [smem:$0x3FB9];
	_ =	sdelay $0x3  }
0x36: {  	p1 =	seq.s32 s10, $0x1;
	s10 =	sld [smem:$0x3FBA];
	_ =	sdelay $0x3  }
0x37: {  	[smem:$0x3FBA] =	sst s10  }
0x38: {  	s10 =	sld [smem:$0x3FBB]  }
0x39: {  	_ = 	snop;
	(pc) =	sbr.ind lr, $3  }
0x3a: {  	_ = 	snop  }
0x3b: {  	_ = 	snop  }
0x3c: {  	p2 =	seq.s32 s10, $0x1;
	s10 =	sld [smem:$0x3FBA]  }
0x3d: {  	_ =	shalt  }
0x3e: {  	_ =	shalt  }
0x3f: {  	_ =	shalt  }
0x40: {  	_ =	shalt  }
0x41: {  	_ =	shalt  }
0x42: {  	_ =	shalt  }
0x43: {  	_ =	shalt  }
0x44: {  	_ =	shalt  }
0x45: {  	_ =	shalt  }
0x46: {  	_ =	shalt  }
0x47: {  	_ =	shalt  }
0x48: {  	_ =	shalt  }
0x49: {  	_ =	shalt  }
0x4a: {  	_ =	shalt  }
0x4b: {  	_ =	shalt  }
0x4c: {  	_ =	shalt  }
0x4d: {  	_ =	shalt  }
0x4e: {  	_ =	shalt  }
0x4f: {  	_ =	shalt  }
0x50: {  	_ =	shalt  }
0x51: {  	_ =	shalt  }
0x52: {  	_ =	shalt  }
0x53: {  	_ =	shalt  }
0x54: {  	_ =	shalt  }
0x55: {  	_ =	shalt  }
0x56: {  	_ =	shalt  }
0x57: {  	_ =	shalt  }
0x58: {  	_ =	shalt  }
0x59: {  	_ =	shalt  }
0x5a: {  	_ =	shalt  }
0x5b: {  	_ =	shalt  }
0x5c: {  	_ =	shalt  }
0x5d: {  	_ =	shalt  }
0x5e: {  	_ =	shalt  }
0x5f: {  	_ =	shalt  }
0x60: {  	_ =	shalt  }
0x61: {  	_ =	shalt  }
0x62: {  	_ =	shalt  }
0x63: {  	_ =	shalt  }
0x64: {  	_ =	shalt  }
0x65: {  	_ =	shalt  }
0x66: {  	_ =	shalt  }
0x67: {  	_ =	shalt  }
0x68: {  	_ =	shalt  }
0x69: {  	_ =	shalt  }
0x6a: {  	_ =	shalt  }
0x6b: {  	_ =	shalt  }
0x6c: {  	_ =	shalt  }
0x6d: {  	_ =	shalt  }
0x6e: {  	_ =	shalt  }
0x6f: {  	_ =	shalt  }
0x70: {  	_ =	shalt  }
0x71: {  	_ =	shalt  }
0x72: {  	_ =	shalt  }
0x73: {  	_ =	shalt  }
0x74: {  	_ =	shalt  }
0x75: {  	_ =	shalt  }
0x76: {  	_ =	shalt  }
0x77: {  	_ =	shalt  }
0x78: {  	_ =	shalt  }
0x79: {  	_ =	shalt  }
0x7a: {  	_ =	shalt  }
0x7b: {  	_ =	shalt  }
0x7c: {  	_ =	shalt  }
0x7d: {  	_ =	shalt  }
0x7e: {  	_ =	shalt  }
0x7f: {  	_ =	shalt  }
0x80: {  	_ =	shalt  }
0x81: {  	_ =	shalt  }
0x82: {  	_ =	shalt  }
0x83: {  	_ =	shalt  }
0x84: {  	_ =	shalt  }
0x85: {  	_ =	shalt  }
0x86: {  	_ =	shalt  }
0x87: {  	_ =	shalt  }
.Lfunc_end0:
.L_simem_size_0:
called_computation.3_lowered:
.L_overlay_start_0:
0x88: {  	s2 =	sld [smem:$0x3FD9]  }
0x89: {  	s3 =	sld [smem:$0x3FFE];
	_ =	sdelay $0x1  }
0x8a: {  	s1 =	srdreg.scid  }
0x8b: {  	s0 =	sand.u32 $0x1, s1  }
0x8c: {  	s17 =	sshll.u32 s0, $0xA;
	s2 =	sadd.s32 s3, s2  }
0x8d: {  	s2 =	sadd.s32 s2, s17  }
0x8e: {  	[smem:$0x3FC6] =	sst s2  }
0x8f: {  	_ = 	snop  }
0x90: {  	s2 =	sld [smem:$0x3FC9]  }
0x91: {  	s18 =	sld [smem:$0x3FC8]  }
0x92: {  	s4 =	sld [smem:$0x3FD0];
	(tm) =	ssettm $0x1  }
0x93: {  	s5 =	sld [smem:$0x3FFB];
	_ =	sdelay $0x3  }
0x94: {  	_ =	strace s5  }
0x95: {  	s5 =	sld [smem:$0x3FFC];
	_ =	sdelay $0x3  }
0x96: {  	_ =	strace s5  }
0x97: {  	s5 =	sld [smem:$0x3FFD];
	_ =	sdelay $0x3  }
0x98: {  	_ =	strace s5  }
0x99: {  	_ =	strace $0x8FFFFFFF  }
0x9a: {  	s19 =	sld [smem:$0x3FDB];
	_ =	sdelay $0x1  }
0x9b: {  	s6 =	simm.s32 $_scs_section_size  }
0x9c: {  	s7 =	simm.s32 $_size__tile_overlayer_lowered;
	s8 =	simm.s32 $_tile_overlayer_lowered  }
0x9d: {  	s22 =	simm.s32 $0x1BFF;
	s21 =	sshll.u32 s8, $0x1;
	s5 =	sadd.s32 s6, s19  }
0x9e: {  	s9 =	simm.s32 $0x0;
	s20 =	sshll.u32 s7, $0x1;
	s7 =	sadd.s32 s21, s5  }
0x9f: {  	[timem:s9], [sflag:s22] =	dma.local [hbm:s7], s20  }
0xa0: {  	_ =	swait.ge [sflag:s22], s20  }
0xa1: {  	s6 =	ssub.s32 $0x0, s20;
	[sflag:s22] =	ssyncset.done $0x0  }
0xa2: {  	[sflag:s22] =	ssyncadd.s32 s6;
	_ =	sdelay $0x1  }
0xa3: {  	s23 =	simm.s32 $0x1B8B  }
0xa4: {  	_ =	swait.ge [sflag:s23], $0x1  }
0xa5: {  	[sflag:s23] =	ssyncset.done $0x0  }
0xa6: {  	s25 =	simm.s32 $0x1B8E;
	s24 =	sld [smem:$0x3FFE];
	[sflag:s23] =	ssyncadd.s32 $0xFFFFFFFF  }
0xa7: {  	s26 =	simm.s32 $execute0_lowered;
	[smem:$0x3FD2] =	sst s25  }
0xa8: {  	s7 =	sshll.u32 s26, $0x1;
	_ =	strace $0x8000004F;
	[dreg:$0x1] =	wrdreg $0xFFFFFFFF  }
0xa9: {  	s28 =	simm.s32 $_size_execute0_lowered;
	s5 =	sadd.s32 s5, s7;
	[dreg:$0x0] =	wrdreg $0x0  }
0xaa: {  	s7 =	sshll.u32 s28, $0x1;
	[dreg:$0x2] =	wrdreg s5  }
0xab: {  	[dreg:$0x3] =	wrdreg s7  }
0xac: {  	[dreg:$0x4] =	wrdreg $0xC0  }
0xad: {  	_ =	task [dreg:s9], $0x5FFFF  }
0xae: {  	[dreg:$0x1] =	wrdreg $0xFFFFFFFF  }
0xaf: {  	[dreg:$0x0] =	wrdreg $0x60  }
0xb0: {  	[dreg:$0x2] =	wrdreg s2  }
0xb1: {  	[dreg:$0x3] =	wrdreg s18  }
0xb2: {  	[dreg:$0x4] =	wrdreg s4  }
0xb3: {  	[dreg:$0x5] =	wrdreg s24  }
0xb4: {  	[dreg:$0x6] =	wrdreg $0x9  }
0xb5: {  	_ =	task.clear_ibuf [dreg:s9], $0x7FFFF;
	_ =	strace $0x9000004F  }
0xb6: {  	s29 =	simm.s32 $0x9;
	_ =	strace $0x80000051  }
0xb7: {  	_ =	swait.ge [sflag:s29], $0x1  }
0xb8: {  	[sflag:s29] =	ssyncadd.s32 $0xFFFFFFFF  }
0xb9: {  	_ =	strace $0x90000051  }
0xba: {  	_ =	sfence  }
0xbb: {  	s30 =	sld [smem:$0x0];
	_ =	sdelay $0x2  }
0xbc: {  	s31 =	sshll.u32 s1, $0xD;
	s1 =	sshrl.u32 s1, $0x2  }
0xbd: {  	s3 =	sand.u32 $0x4000, s31;
	s1 =	sadd.s32 s1, s30  }
0xbe: {  	s0 =	sor.u32 s3, s0;
	s1 =	sshll.u32 s1, $0x11  }
0xbf: {  	s0 =	sor.u32 s1, s0  }
0xc0: {  	s0 =	sadd.s32 $0x8F2B, s0  }
0xc1: {  	[sflag:s0] =	ssyncadd.remote.s32 $0x1  }
0xc2: {  	_ =	sfence.sel $0xFFFF  }
0xc3: {  	[dreg:$0x0] =	wrdreg $0xFFFFFFFF;
	(pc) =	sbr.abs _section_cstart, $3  }
0xc4: {  	[dreg:$0x1] =	wrdreg $0xFFFFFFFF  }
0xc5: {  	_ =	task.clear_ibuf [dreg:s9], $0x2FFFF;
	_ =	strace $0x9FFFFFFF  }
0xc6: {  	(tm) =	ssettm $0x7FFFFFFF  }
0xc7: {  	_ =	shalt  }
tec
execute0_lowered:
.L_overlay_start_1:
0x0: {  	(tag) =	ssettag $0x1  }
0x1: {  	s1 =	rddreg [dreg:$0x0]  }
0x2: {  	s2 =	rddreg [dreg:$0x1]  }
0x3: {  	s4 =	rddreg [dreg:$0x2]  }
0x4: {  	s3 =	srdreg.scid;
	s0 =	stileid.u32  }
0x5: {  	s6 =	rddreg [dreg:$0x3];
	s5 =	simm.s32 $0x0;
	s11 =	simm.s32 $0x8000  }
0x6: {  	s12 =	simm.s32 $0xA010;
	s7 =	sand.u32 $0x1, s3;
	s8 =	sshll.u32 s0, $0x1  }
0x7: {  	s13 =	simm.s32 $0x0;
	s3 =	rddreg [dreg:$0x4];
	s8 =	sor.u32 s7, s8  }
0x8: {  	[smem:$0x7FF] =	sst s5;
	s7 =	ssub.s32 $0x2, s7;
	s9 =	sshll.u32 s8, $0x9  }
0x9: {  	_ =	strace $0x80000050;
	s31 =	sshrl.u32 s7, $0x1;
	s9 =	sadd.s32 s9, s6  }
0xa: {  	v0 =	vimm.s32 $0x0;
	v1 =	vlaneseq.u32;
	s10 =	ssub.s32 s7, s31;
	s6 =	sshll.u32 s8, $0x10;
	s7 =	sadd.s32 $0xC00, s9  }
0xb: {  	v4 =	vimm.s32 $0x1;
	v2 =	vand.u32 $0x7, v1;
	v3 =	vor.u32 $0xFF8, v1;
	s8 =	smax.u32 s10, $0x1;
	s9 =	simm.s32 $0xA000;
	s10 =	simm.s32 $0x1  }
.LBB2_1:
0xc: {  	[tilespmem:s9], [sflag:$0x1] =	stream.linear.gather [hbm4b:s4+s5], $0x10, $0x38;
	[tilespmem:$0xB010] =	vst v63  }
0xd: {  	_ =	swait.ge [sflag:s10], $0x10  }
0xe: {  	[sflag:s10] =	ssyncset.done $0x0  }
0xf: {  	[sflag:s10] =	ssyncadd.s32 $0xFFFFFFF0  }
0x10: {  	s14 =	simm.s32 $0x40;
	s15 =	simm.s32 $0x0;
	v5 =	vld [tilespmem:$0xA000]  }
.LBB2_2:
0x11: {  	p0 =	seq.s32 s14, $0x3FC0;
	[tilespmem:s15+$0xA010] =	vst v0;
	s15 =	smov.u32 s14;
	s14 =	sadd.s32 $0x40, s14  }
.Ltmp0:
0x12: {  	(pc) =	sbr.rel @!p0 .LBB2_2-.Ltmp0, $2  }
0x13: {  	_ =	sdelay $0x2  }
0x14: {  	s15 =	sshra.s32 s15, $0x2  }
0x15: {  	[tilespmem:s15+$0xA010] =	vst v0;
	v5 =	vbroadcast v5, $0x0;
	s14 =	simm.s32 $0x0;
	s15 =	simm.s32 $0x0  }
.LBB2_4:
0x16: {  	s16 =	sshll.u32 s15, $0xD  }
0x17: {  	s16 =	sadd.s32 s6, s16  }
0x18: {  	s17 =	sshrl.u32 s16, $0x1  }
0x19: {  	s17 =	sadd.s32 s1, s17  }
0x1a: {  	[tilespmem:s14], [sflag:$0x1] =	stream.linear.gather [hbm4b:s17+s14], $0x8000, $0x38;
	[tilespmem:$0xB010] =	vst v63  }
0x1b: {  	_ =	swait.ge [sflag:s10], $0x8000  }
0x1c: {  	s16 =	sshrl.u32 s16, $0x3;
	[sflag:s10] =	ssyncset.done $0x0  }
0x1d: {  	s16 =	sadd.s32 s2, s16;
	[sflag:s10] =	ssyncadd.s32 $0xFFFF8000  }
0x1e: {  	[tilespmem:s11], [sflag:$0x1] =	stream.linear.gather [hbm4b:s16+s14], $0x2000, $0x38;
	[tilespmem:$0xB010] =	vst v63  }
0x1f: {  	_ =	swait.ge [sflag:s10], $0x2000  }
0x20: {  	[sflag:s10] =	ssyncset.done $0x0  }
0x21: {  	s17 =	simm.s32 $0x0;
	s16 =	simm.s32 $0x0;
	[sflag:s10] =	ssyncadd.s32 $0xFFFFE000  }
.LBB2_5:
0x22: {  	s18 =	sshra.s32 s16, $0x2  }
0x23: {  	v6 =	vld [tilespmem:s18+$0x8000];
	_ =	sdelay $0x3  }
0x24: {  	s31 =	sand.u32 $0x7E00, s16;
	s19 =	sand.u32 $0x70, s17  }
0x25: {  	s18 =	sor.u32 s19, s31;
	v7 =	vshll.u32 v6, $0x7  }
0x26: {  	v7 =	vadd.s32 s18, v7  }
0x27: {  	v7 =	vor.u32 v1, v7  }
0x28: {  	v7 =	vand.u32 $0xFFFFFFF8, v7  }
0x29: {  	v7 =	vor.u32 v2, v7;
	_ =	sdelay $0x4  }
0x2a: {  	v7 =	vld.idx.msk [tilespmem:v7+s5+$0x0], $0xffff;
	_ =	sdelay $0x4  }
0x2b: {  	v8 =	vshra.s32 v7, $0x8  }
0x2c: {  	vm0 =	veq.s32 v6, $0x0;
	v6 =	vshll.u32 v7, $0x4;
	vm1 =	veq.s32 v8, v5  }
0x2d: {  	v6 =	vor.u32 v1, v6;
	vm0 =	vmand vm0, vm1  }
0x2e: {  	p0 =	sne.s32 s17, $0x1FF0;
	v6 =	vand.u32 v3, v6  }
.Ltmp1:
0x2f: {  	_ = 	snop;
	(pc) =	sbr.rel @p0 .LBB2_5-.Ltmp1, $2  }
0x30: {  	_ =	sdelay $0x2  }
0x31: {  	s16 =	sadd.s32 $0x40, s16;
	s17 =	sadd.s32 $0x10, s17;
	[tilespmem:v6+s12+$0x0] =	vst.idx.add.s32.msk vm0, v4  }
0x32: {  	s15 =	sadd.s32 $0x1, s15  }
0x33: {  	p0 =	sne.s32 s15, $0x8  }
.Ltmp2:
0x34: {  	_ = 	snop;
	(pc) =	sbr.rel @p0 .LBB2_4-.Ltmp2, $1  }
0x35: {  	_ =	sdelay $0x3  }
0x36: {  	s13 =	sadd.s32 $0x1, s13  }
0x37: {  	p0 =	sne.s32 s13, s8  }
.Ltmp3:
0x38: {  	_ = 	snop;
	(pc) =	sbr.rel @p0 .LBB2_1-.Ltmp3, $4  }
0x39: {  	[hbm4b:s7+s5] =	stream.linear.scatter [tilespmem:s12], [sflag:$0x1], $0x1000, $0x38;
	[tilespmem:$0xB010] =	vst v63  }
0x3a: {  	_ =	swait.ge [sflag:s10], $0x1000  }
0x3b: {  	[sflag:s10] =	ssyncset.done $0x0  }
0x3c: {  	[sflag:s10] =	ssyncadd.s32 $0xFFFFF000  }
0x3d: {  	_ =	sfence.sel $0x180000  }
0x3e: {  	[bflag:$0x0] =	sbarrier.arrive $0xFFFF  }
0x3f: {  	p0 =	sne.s32 s0, $0x0;
	_ =	strace $0x90000050  }
0x40: {  	s0 =	sadd.s32 @!p0 $0x100000, s3;
	[bflag:$0x2] =	sbarrier.arrive $0xFFFF  }
0x41: {  	[sflag:s0] =	ssyncadd.tile.s32 @!p0 $0x1;
	_ =	shalt  }
.Lfunc_end2:
_tile_overlayer_lowered:
.L_overlay_start_2:
0x42: {  	(tag) =	ssettag $0x2  }
0x43: {  	s0 =	rddreg [dreg:$0x0];
	s2 =	stileid.u32  }
0x44: {  	s1 =	rddreg [dreg:$0x1];
	p0 =	sne.s32 s2, $0x0  }
0x45: {  	s3 =	rddreg [dreg:$0x2];
	[bflag:$0x3] =	sbarrier.arrive $0xFFFF;
	s2 =	simm.s32 @!p0 $0x1C01  }
0x46: {  	[timem:s3], [sflag:s2] =	dma.local @!p0 [hbm:s0], s1  }
0x47: {  	s0 =	simm.s32 @!p0 $0x1  }
0x48: {  	_ =	swait.ge @!p0 [sflag:s0], s1  }
0x49: {  	s1 =	ssub.s32 @!p0 $0x0, s1;
	[sflag:s0] =	ssyncset.done @!p0 $0x0  }
0x4a: {  	[sflag:s0] =	ssyncadd.s32 @!p0 s1  }
0x4b: {  	[bflag:$0x3] =	sbarrier.arrive $0xFFFF  }
0x4c: {  	_ =	shalt  }

// kernel: branch_0_fun.24.cloned.1.call-start
scs
__scs_entry_jumppad:
0x0: {  	(pc) =	sbr.rel $0x88, $3  }
0x1: {  	(tag) =	ssettag $0x0;
	lr =	simm.s32 $0x1  }
0x2: {  	[smem:$0x3F9F] =	sst lr;
	_ =	strace $0xD0000000  }
0x3: {  	_ = 	snop  }
0x4: {  	_ = 	snop  }
0x5: {  	_ = 	snop  }
0x6: {  	_ = 	snop  }
0x7: {  	_ = 	snop  }
__scs_overlays_trampoline_lowered:
0x8: {  	[smem:$0x3FAE] =	sst s0  }
0x9: {  	[smem:$0x3FAF] =	sst s1  }
0xa: {  	[smem:$0x3FB0] =	sst s2  }
0xb: {  	[smem:$0x3FB1] =	sst s3  }
0xc: {  	[smem:$0x3FB2] =	sst s4  }
0xd: {  	[smem:$0x3FB3] =	sst s5  }
0xe: {  	[smem:$0x3FB4] =	sst s6  }
0xf: {  	[smem:$0x3FB5] =	sst s7  }
0x10: {  	[smem:$0x3FB6] =	sst s8  }
0x11: {  	[smem:$0x3FB7] =	sst s9;
	s0 =	simm.s32 @!p0 $0x0  }
0x12: {  	s1 =	sld [smem:$0x3F9D];
	s0 =	simm.s32 @p0 $0x1  }
0x13: {  	[smem:$0x3FB8] =	sst s0;
	s0 =	simm.s32 @!p1 $0x0  }
0x14: {  	s2 =	sld [smem:$0x3F9C];
	s0 =	simm.s32 @p1 $0x1  }
0x15: {  	[smem:$0x3FB9] =	sst s0;
	s0 =	simm.s32 @!p2 $0x0  }
0x16: {  	s3 =	sld [smem:$0x3FDB];
	s0 =	simm.s32 @p2 $0x1  }
0x17: {  	s4 =	simm.s32 $0x1BF5;
	[smem:$0x3FBB] =	sst s0  }
0x18: {  	s0 =	sld [smem:$0x3F9E];
	_ =	swait.ge [sflag:s4], $0x0  }
0x19: {  	s7 =	sld [smem:$0x3F9F]  }
0x1a: {  	s8 =	sadd.s32 $0xFFFFE003, lr  }
0x1b: {  	s9 =	sadd.s32 $0xFFFFFEF7, lr;
	s5 =	simm.s32 $0xFFFFFFFF;
	p2 =	slt.u32 s8, $0xFFFFF086  }
0x1c: {  	p1 =	slt.u32 s9, $0xF7A;
	s5 =	simm.s32 @!p2 $0x0  }
0x1d: {  	s5 =	simm.s32 @p1 $0x1;
	p0 =	seq.s32 s7, s2  }
0x1e: {  	s7 =	smul.u32 @!p0 $0xF7A, s2;
	p2 =	seq.s32 @!p0 s5, $0x0  }
0x1f: {  	s9 =	smul.u32 $0xF7A, s1;
	s8 =	simm.s32 @!p0 $0x1BF5;
	p2 =	por !p2, p0  }
0x20: {  	[sflag:s8] =	ssyncset.s32 @!p0 $0xFFFFF086;
	s6 =	sadd.s32 @!p0 s3, s7;
	s7 =	simm.s32 @!p0 $0x108  }
0x21: {  	s3 =	sadd.s32 s3, s9;
	s6 =	sadd.s32 @!p0 $0x88, s6;
	s7 =	simm.s32 @p2 $0x1082  }
0x22: {  	[simem:s7], [sflag:s8] =	dma.local @!p0 [hbm:s6], $0xF7A  }
0x23: {  	s9 =	sor.u32 $0xD0000000, s2;
	s6 =	simm.s32 $0x108;
	_ =	swait.ge @!p0 [sflag:s8], $0x0  }
0x24: {  	s3 =	sadd.s32 $0x88, s3;
	s6 =	simm.s32 @!p1 $0x1082;
	[sflag:s4] =	ssyncset.s32 $0xFFFFF086  }
0x25: {  	[simem:s6], [sflag:s4] =	dma.local [hbm:s3], $0xF7A  }
0x26: {  	[smem:$0x3F9F] =	sst s1;
	(tag) =	ssettag s2;
	_ =	strace s9  }
0x27: {  	s1 =	sld [smem:$0x3FAF]  }
0x28: {  	s2 =	sld [smem:$0x3FB0]  }
0x29: {  	s4 =	sld [smem:$0x3FB2]  }
0x2a: {  	p0 =	seq.s32 s5, $0x0;
	s5 =	sld [smem:$0x3FB3]  }
0x2b: {  	s6 =	sld [smem:$0x3FB4]  }
0x2c: {  	s7 =	sld [smem:$0x3FB5]  }
0x2d: {  	s3 =	simm.s32 $0x108;
	s8 =	sld [smem:$0x3FB6]  }
0x2e: {  	s3 =	simm.s32 @!p0 $0x1082;
	s9 =	sld [smem:$0x3FB7]  }
0x2f: {  	lr =	sadd.s32 s0, s3;
	s0 =	sld [smem:$0x3FAE]  }
0x30: {  	s3 =	sld [smem:$0x3FB1]  }
0x31: {  	[smem:$0x3FBA] =	sst s10  }
0x32: {  	s10 =	sld [smem:$0x3FB8];
	_ =	sdelay $0x3  }
0x33: {  	p0 =	seq.s32 s10, $0x1;
	s10 =	sld [smem:$0x3FBA];
	_ =	sdelay $0x3  }
0x34: {  	[smem:$0x3FBA] =	sst s10  }
0x35: {  	s10 =	sld [smem:$0x3FB9];
	_ =	sdelay $0x3  }
0x36: {  	p1 =	seq.s32 s10, $0x1;
	s10 =	sld [smem:$0x3FBA];
	_ =	sdelay $0x3  }
0x37: {  	[smem:$0x3FBA] =	sst s10  }
0x38: {  	s10 =	sld [smem:$0x3FBB]  }
0x39: {  	_ = 	snop;
	(pc) =	sbr.ind lr, $3  }
0x3a: {  	_ = 	snop  }
0x3b: {  	_ = 	snop  }
0x3c: {  	p2 =	seq.s32 s10, $0x1;
	s10 =	sld [smem:$0x3FBA]  }
0x3d: {  	_ =	shalt  }
0x3e: {  	_ =	shalt  }
0x3f: {  	_ =	shalt  }
0x40: {  	_ =	shalt  }
0x41: {  	_ =	shalt  }
0x42: {  	_ =	shalt  }
0x43: {  	_ =	shalt  }
0x44: {  	_ =	shalt  }
0x45: {  	_ =	shalt  }
0x46: {  	_ =	shalt  }
0x47: {  	_ =	shalt  }
0x48: {  	_ =	shalt  }
0x49: {  	_ =	shalt  }
0x4a: {  	_ =	shalt  }
0x4b: {  	_ =	shalt  }
0x4c: {  	_ =	shalt  }
0x4d: {  	_ =	shalt  }
0x4e: {  	_ =	shalt  }
0x4f: {  	_ =	shalt  }
0x50: {  	_ =	shalt  }
0x51: {  	_ =	shalt  }
0x52: {  	_ =	shalt  }
0x53: {  	_ =	shalt  }
0x54: {  	_ =	shalt  }
0x55: {  	_ =	shalt  }
0x56: {  	_ =	shalt  }
0x57: {  	_ =	shalt  }
0x58: {  	_ =	shalt  }
0x59: {  	_ =	shalt  }
0x5a: {  	_ =	shalt  }
0x5b: {  	_ =	shalt  }
0x5c: {  	_ =	shalt  }
0x5d: {  	_ =	shalt  }
0x5e: {  	_ =	shalt  }
0x5f: {  	_ =	shalt  }
0x60: {  	_ =	shalt  }
0x61: {  	_ =	shalt  }
0x62: {  	_ =	shalt  }
0x63: {  	_ =	shalt  }
0x64: {  	_ =	shalt  }
0x65: {  	_ =	shalt  }
0x66: {  	_ =	shalt  }
0x67: {  	_ =	shalt  }
0x68: {  	_ =	shalt  }
0x69: {  	_ =	shalt  }
0x6a: {  	_ =	shalt  }
0x6b: {  	_ =	shalt  }
0x6c: {  	_ =	shalt  }
0x6d: {  	_ =	shalt  }
0x6e: {  	_ =	shalt  }
0x6f: {  	_ =	shalt  }
0x70: {  	_ =	shalt  }
0x71: {  	_ =	shalt  }
0x72: {  	_ =	shalt  }
0x73: {  	_ =	shalt  }
0x74: {  	_ =	shalt  }
0x75: {  	_ =	shalt  }
0x76: {  	_ =	shalt  }
0x77: {  	_ =	shalt  }
0x78: {  	_ =	shalt  }
0x79: {  	_ =	shalt  }
0x7a: {  	_ =	shalt  }
0x7b: {  	_ =	shalt  }
0x7c: {  	_ =	shalt  }
0x7d: {  	_ =	shalt  }
0x7e: {  	_ =	shalt  }
0x7f: {  	_ =	shalt  }
0x80: {  	_ =	shalt  }
0x81: {  	_ =	shalt  }
0x82: {  	_ =	shalt  }
0x83: {  	_ =	shalt  }
0x84: {  	_ =	shalt  }
0x85: {  	_ =	shalt  }
0x86: {  	_ =	shalt  }
0x87: {  	_ =	shalt  }
.Lfunc_end0:
.L_simem_size_0:
called_computation.4_lowered:
.L_overlay_start_0:
0x88: {  	s2 =	sld [smem:$0x3FD9]  }
0x89: {  	s3 =	sld [smem:$0x3FFE];
	_ =	sdelay $0x1  }
0x8a: {  	s1 =	srdreg.scid  }
0x8b: {  	s0 =	sand.u32 $0x1, s1  }
0x8c: {  	s17 =	sshll.u32 s0, $0xA;
	s2 =	sadd.s32 s3, s2  }
0x8d: {  	s2 =	sadd.s32 s2, s17  }
0x8e: {  	[smem:$0x3FC6] =	sst s2  }
0x8f: {  	_ = 	snop  }
0x90: {  	s2 =	sld [smem:$0x3FC9]  }
0x91: {  	s18 =	sld [smem:$0x3FC8];
	(tm) =	ssettm $0x1  }
0x92: {  	s4 =	sld [smem:$0x3FFB];
	_ =	sdelay $0x3  }
0x93: {  	_ =	strace s4  }
0x94: {  	s4 =	sld [smem:$0x3FFC];
	_ =	sdelay $0x3  }
0x95: {  	_ =	strace s4  }
0x96: {  	s4 =	sld [smem:$0x3FFD];
	_ =	sdelay $0x3  }
0x97: {  	_ =	strace s4  }
0x98: {  	_ =	strace $0x8FFFFFFF  }
0x99: {  	s19 =	sld [smem:$0x3FDB];
	_ =	sdelay $0x1  }
0x9a: {  	s5 =	simm.s32 $_scs_section_size  }
0x9b: {  	s6 =	simm.s32 $_size__tile_overlayer_lowered;
	s7 =	simm.s32 $_tile_overlayer_lowered  }
0x9c: {  	s22 =	simm.s32 $0x1BFF;
	s21 =	sshll.u32 s7, $0x1;
	s4 =	sadd.s32 s5, s19  }
0x9d: {  	s8 =	simm.s32 $0x0;
	s20 =	sshll.u32 s6, $0x1;
	s6 =	sadd.s32 s21, s4  }
0x9e: {  	[timem:s8], [sflag:s22] =	dma.local [hbm:s6], s20  }
0x9f: {  	_ =	swait.ge [sflag:s22], s20  }
0xa0: {  	s5 =	ssub.s32 $0x0, s20;
	[sflag:s22] =	ssyncset.done $0x0  }
0xa1: {  	[sflag:s22] =	ssyncadd.s32 s5;
	_ =	sdelay $0x1  }
0xa2: {  	s23 =	simm.s32 $0x1B8B  }
0xa3: {  	_ =	swait.ge [sflag:s23], $0x1  }
0xa4: {  	[sflag:s23] =	ssyncset.done $0x0  }
0xa5: {  	s25 =	simm.s32 $0x1B8E;
	s24 =	sld [smem:$0x3FFE];
	[sflag:s23] =	ssyncadd.s32 $0xFFFFFFFF  }
0xa6: {  	s26 =	simm.s32 $execute0_lowered;
	[smem:$0x3FD2] =	sst s25  }
0xa7: {  	s6 =	sshll.u32 s26, $0x1;
	_ =	strace $0x80000052;
	[dreg:$0x1] =	wrdreg $0xFFFFFFFF  }
0xa8: {  	s28 =	simm.s32 $_size_execute0_lowered;
	s4 =	sadd.s32 s4, s6;
	[dreg:$0x0] =	wrdreg $0x0  }
0xa9: {  	s6 =	sshll.u32 s28, $0x1;
	[dreg:$0x2] =	wrdreg s4  }
0xaa: {  	[dreg:$0x3] =	wrdreg s6  }
0xab: {  	[dreg:$0x4] =	wrdreg $0xC0  }
0xac: {  	_ =	task [dreg:s8], $0x5FFFF  }
0xad: {  	[dreg:$0x1] =	wrdreg $0xFFFFFFFF  }
0xae: {  	[dreg:$0x0] =	wrdreg $0x60  }
0xaf: {  	[dreg:$0x2] =	wrdreg s2  }
0xb0: {  	[dreg:$0x3] =	wrdreg s18  }
0xb1: {  	[dreg:$0x4] =	wrdreg s24  }
0xb2: {  	[dreg:$0x5] =	wrdreg $0x9  }
0xb3: {  	_ =	task.clear_ibuf [dreg:s8], $0x6FFFF;
	_ =	strace $0x90000052  }
0xb4: {  	s29 =	simm.s32 $0x9;
	_ =	strace $0x80000054  }
0xb5: {  	_ =	swait.ge [sflag:s29], $0x1  }
0xb6: {  	[sflag:s29] =	ssyncadd.s32 $0xFFFFFFFF  }
0xb7: {  	_ =	strace $0x90000054  }
0xb8: {  	_ =	sfence  }
0xb9: {  	s30 =	sld [smem:$0x0];
	_ =	sdelay $0x2  }
0xba: {  	s31 =	sshll.u32 s1, $0xD;
	s1 =	sshrl.u32 s1, $0x2  }
0xbb: {  	s3 =	sand.u32 $0x4000, s31;
	s1 =	sadd.s32 s1, s30  }
0xbc: {  	s0 =	sor.u32 s3, s0;
	s1 =	sshll.u32 s1, $0x11  }
0xbd: {  	s0 =	sor.u32 s1, s0  }
0xbe: {  	s0 =	sadd.s32 $0x8F2B, s0  }
0xbf: {  	[sflag:s0] =	ssyncadd.remote.s32 $0x1  }
0xc0: {  	_ =	sfence.sel $0xFFFF  }
0xc1: {  	[dreg:$0x0] =	wrdreg $0xFFFFFFFF;
	(pc) =	sbr.abs _section_cstart, $3  }
0xc2: {  	[dreg:$0x1] =	wrdreg $0xFFFFFFFF  }
0xc3: {  	_ =	task.clear_ibuf [dreg:s8], $0x2FFFF;
	_ =	strace $0x9FFFFFFF  }
0xc4: {  	(tm) =	ssettm $0x7FFFFFFF  }
0xc5: {  	_ =	shalt  }
tec
execute0_lowered:
.L_overlay_start_1:
0x0: {  	(tag) =	ssettag $0x1  }
0x1: {  	s1 =	rddreg [dreg:$0x0]  }
0x2: {  	s3 =	rddreg [dreg:$0x1];
	s2 =	srdreg.scid  }
0x3: {  	s0 =	stileid.u32;
	s6 =	rddreg [dreg:$0x2]  }
0x4: {  	s4 =	simm.s32 $0x0;
	s10 =	simm.s32 $0x1;
	s11 =	simm.s32 $0x8000  }
0x5: {  	s12 =	simm.s32 $0xA010;
	s5 =	sand.u32 $0x1, s2;
	s7 =	sshll.u32 s0, $0x1  }
0x6: {  	s13 =	simm.s32 $0x0;
	s2 =	rddreg [dreg:$0x3];
	s7 =	sor.u32 s5, s7  }
0x7: {  	[smem:$0x7FF] =	sst s4;
	s9 =	ssub.s32 $0x2, s5;
	s8 =	smul.u32 $0x6, s7  }
0x8: {  	_ =	strace $0x80000053;
	s5 =	sadd.s32 $0x800, s6;
	s31 =	sshrl.u32 s9, $0x1  }
0x9: {  	v0 =	vlaneseq.u32;
	s9 =	ssub.s32 s9, s31;
	s8 =	sadd.s32 s8, s6;
	s6 =	sshll.u32 s7, $0x10  }
0xa: {  	v2 =	vimm.f32 $0.0e+00;
	v1 =	vand.u32 $0x7, v0;
	s7 =	sadd.s32 $0xA00, s8;
	s8 =	smax.u32 s9, $0x1;
	s9 =	simm.s32 $0xA000  }
.LBB2_1:
0xb: {  	[tilespmem:s9], [sflag:$0x1] =	stream.linear.gather [hbm4b:s5+s4], $0x10, $0x38;
	[tilespmem:$0xA040] =	vst v63  }
0xc: {  	_ =	swait.ge [sflag:s10], $0x10  }
0xd: {  	[sflag:s10] =	ssyncset.done $0x0  }
0xe: {  	[sflag:s10] =	ssyncadd.s32 $0xFFFFFFF0  }
0xf: {  	v6 =	vimm.f32 $0.0e+00;
	v13 =	vimm.f32 $0.0e+00;
	s14 =	simm.s32 $0x0;
	v3 =	vld.msk [tilespmem:$0xA000 ss:$0x0], $0xffff  }
.LBB2_2:
0x10: {  	s15 =	sshll.u32 s14, $0xD  }
0x11: {  	s15 =	sadd.s32 s6, s15  }
0x12: {  	s16 =	sshrl.u32 s15, $0x1  }
0x13: {  	s17 =	simm.s32 $0x0;
	s16 =	sadd.s32 s1, s16  }
0x14: {  	[tilespmem:s17], [sflag:$0x1] =	stream.linear.gather [hbm4b:s16+s17], $0x8000, $0x38;
	[tilespmem:$0xA040] =	vst v63  }
0x15: {  	_ =	swait.ge [sflag:s10], $0x8000  }
0x16: {  	s15 =	sshrl.u32 s15, $0x3;
	[sflag:s10] =	ssyncset.done $0x0  }
0x17: {  	s15 =	sadd.s32 s3, s15;
	[sflag:s10] =	ssyncadd.s32 $0xFFFF8000  }
0x18: {  	[tilespmem:s11], [sflag:$0x1] =	stream.linear.gather [hbm4b:s15+s17], $0x2000, $0x38;
	[tilespmem:$0xA040] =	vst v63  }
0x19: {  	_ =	swait.ge [sflag:s10], $0x2000  }
0x1a: {  	[sflag:s10] =	ssyncset.done $0x0  }
0x1b: {  	s29 =	simm.s32 $0x0;
	[sflag:s10] =	ssyncadd.s32 $0xFFFFE000  }
0x1c: {  	v10 =	vld [tilespmem:s29+$0x8000];
	_ =	sdelay $0x3  }
0x1d: {  	s30 =	sand.u32 $0x7E00, s17;
	s31 =	sand.u32 $0x70, s17  }
0x1e: {  	s15 =	sor.u32 s31, s30;
	v4 =	vshll.u32 v10, $0x7  }
0x1f: {  	v4 =	vadd.s32 s15, v4  }
0x20: {  	v4 =	vor.u32 v0, v4  }
0x21: {  	v4 =	vand.u32 $0xFFFFFFF8, v4  }
0x22: {  	v4 =	vor.u32 v1, v4;
	_ =	sdelay $0x2  }
0x23: {  	s16 =	simm.s32 $0x10  }
0x24: {  	v8 =	vld [tilespmem:s16+$0x8000]  }
0x25: {  	v14 =	vld.idx.msk [tilespmem:v4+s4+$0x0], $0xffff;
	_ =	sdelay $0x2  }
0x26: {  	s18 =	simm.s32 $0x40;
	s17 =	simm.s32 $0x10  }
0x27: {  	s16 =	sand.u32 $0x7E00, s18;
	s15 =	sand.u32 $0x70, s17  }
0x28: {  	s15 =	sor.u32 s15, s16;
	v4 =	vshll.u32 v8, $0x7;
	v5 =	vand.u32 $0x7FFFFF, v14  }
0x29: {  	v4 =	vadd.s32 s15, v4;
	v5 =	vor.u32 $0x3F800000, v5  }
0x2a: {  	v4 =	vor.u32 v0, v4;
	v7 =	vmul.f32 $5.000000000e-01, v5  }
0x2b: {  	v4 =	vand.u32 $0xFFFFFFF8, v4;
	vm0 =	vgt.f32 v5, $1.414213540e+00  }
0x2c: {  	v4 =	vor.u32 v1, v4;
	v5 =	vsel vm0, v7, v5  }
0x2d: {  	v9 =	vadd.f32 $1.000000000e+00, v5  }
0x2e: {  	s19 =	simm.s32 $0x20  }
0x2f: {  	v7 =	vld [tilespmem:s19+$0x8000];
	(erf) = vrcp.f32 v9;
	_ =	sdelay $0x1  }
0x30: {  	v12 =	vld.idx.msk [tilespmem:v4+s4+$0x0], $0xffff  }
0x31: {  	s20 =	simm.s32 $0x20;
	s21 =	simm.s32 $0x80  }
0x32: {  	s16 =	sand.u32 $0x7E00, s21;
	s15 =	sand.u32 $0x70, s20  }
0x33: {  	s15 =	sor.u32 s15, s16;
	v4 =	vshll.u32 v7, $0x7  }
0x34: {  	v4 =	vadd.s32 s15, v4  }
0x35: {  	v9 =	vand.u32 $0x7FFFFF, v12;
	v4 =	vor.u32 v0, v4  }
0x36: {  	v5 =	vadd.f32 $-1.000000000e+00, v5;
	v9 =	vor.u32 $0x3F800000, v9;
	v4 =	vand.u32 $0xFFFFFFF8, v4  }
0x37: {  	v11 =	vmul.f32 $5.000000000e-01, v9;
	v4 =	vor.u32 v1, v4;
	v15 =	vpop (erf)  }
0x38: {  	vm1 =	vgt.f32 v9, $1.414213540e+00;
	v15 =	vmul.f32 v15, v5  }
0x39: {  	v9 =	vsel vm1, v11, v9  }
0x3a: {  	v16 =	vadd.f32 $1.000000000e+00, v9;
	v17 =	vmul.f32 v15, v15;
	_ =	sdelay $0x1  }
0x3b: {  	s22 =	simm.s32 $0x30;
	(erf) = vrcp.f32 v16;
	v11 =	vld.idx.msk [tilespmem:v4+s4+$0x0], $0xffff;
	v4 =	vmul.f32 $1.111111120e-01, v17  }
0x3c: {  	v5 =	vld [tilespmem:s22+$0x8000]  }
0x3d: {  	v4 =	vadd.f32 $1.428571490e-01, v4;
	_ =	sdelay $0x1  }
0x3e: {  	s23 =	simm.s32 $0x30;
	s24 =	simm.s32 $0xC0;
	v4 =	vmul.f32 v4, v17  }
0x3f: {  	s16 =	sand.u32 $0x7E00, s24;
	v21 =	vshra.s32 v14, $0x17;
	s15 =	sand.u32 $0x70, s23  }
0x40: {  	vm0 =	vmmov vm0;
	s15 =	sor.u32 s15, s16;
	v16 =	vshll.u32 v5, $0x7;
	v19 =	vadd.f32 $2.000000030e-01, v4  }
0x41: {  	v9 =	vadd.f32 $-1.000000000e+00, v9;
	v16 =	vadd.s32 s15, v16;
	v18 =	vand.u32 $0x7FFFFF, v11  }
0x42: {  	v16 =	vor.u32 v0, v16;
	v18 =	vor.u32 $0x3F800000, v18;
	v19 =	vmul.f32 v19, v17  }
0x43: {  	v16 =	vand.u32 $0xFFFFFFF8, v16;
	v20 =	vmul.f32 $5.000000000e-01, v18;
	v22 =	vpop (erf);
	vm3 =	vgt.f32 v18, $1.414213540e+00  }
0x44: {  	s25 =	simm.s32 $0x40;
	v16 =	vor.u32 v1, v16;
	v23 =	vmul.f32 v22, v9;
	v9 =	vadd.f32 $3.333333430e-01, v19  }
0x45: {  	v21 =	vadd.s32 $0xFFFFFF81, v21;
	vm0 =	vmmov vm0;
	v4 =	vld [tilespmem:s25+$0x8000];
	v18 =	vsel vm3, v20, v18  }
0x46: {  	v20 =	vcvt.s32.f32 v21;
	v19 =	vadd.f32 $1.000000000e+00, v18;
	v17 =	vmul.f32 v9, v17  }
0x47: {  	v15 =	vadd.f32 v15, v15;
	v22 =	vsel vm0, $0x3F800000, v2;
	v21 =	vmul.f32 v23, v23  }
0x48: {  	s26 =	simm.s32 $0x40;
	s28 =	simm.s32 $0x100;
	(erf) = vrcp.f32 v19;
	v19 =	vadd.f32 v20, v22;
	v17 =	vadd.f32 $1.000000000e+00, v17  }
0x49: {  	s16 =	sand.u32 $0x7E00, s28;
	vm1 =	vmmov vm1;
	s15 =	sand.u32 $0x70, s26;
	v9 =	vld.idx.msk [tilespmem:v16+s4+$0x0], $0xffff;
	v16 =	vmul.f32 $1.111111120e-01, v21  }
0x4a: {  	s15 =	sor.u32 s15, s16;
	v24 =	vshll.u32 v4, $0x7;
	v15 =	vmul.f32 v17, v15;
	v17 =	vmul.f32 $6.931471820e-01, v19  }
0x4b: {  	vm2 =	vmmov vm1;
	v20 =	vadd.s32 s15, v24;
	v16 =	vadd.f32 $1.428571490e-01, v16  }
0x4c: {  	vm1 =	veq.s32 v10, $0x0;
	v19 =	vor.u32 v0, v20;
	v15 =	vadd.f32 v15, v17  }
0x4d: {  	vm0 =	vmmov vm3;
	v16 =	vmul.f32 v16, v21;
	v10 =	vand.u32 $0xFFFFFFF8, v19  }
0x4e: {  	v22 =	vor.u32 v1, v10;
	v10 =	vand.u32 $0x7FFFFF, v9;
	v15 =	vsub.f32 $0.0e+00, v15  }
0x4f: {  	vm3 =	vgt.s32 v3, v14;
	v14 =	vadd.f32 $2.000000030e-01, v16;
	v17 =	vor.u32 $0x3F800000, v10  }
0x50: {  	s29 =	simm.s32 $0x50;
	vm3 =	vmand vm1, vm3;
	v20 =	vadd.f32 $-1.000000000e+00, v18;
	v16 =	vmul.f32 $5.000000000e-01, v17  }
0x51: {  	v19 =	vshra.s32 v12, $0x17;
	v10 =	vld [tilespmem:s29+$0x8000];
	v62 =	vmul.f32 v14, v21;
	vm1 =	vgt.f32 v17, $1.414213540e+00  }
0x52: {  	v19 =	vadd.s32 $0xFFFFFF81, v19;
	v14 =	vnsel vm3, $0x0, v15;
	v18 =	vsel vm1, v16, v17;
	v15 =	vpop (erf)  }
0x53: {  	v14 =	vadd.f32 v14, v13;
	v13 =	vadd.f32 $3.333333430e-01, v62;
	v15 =	vmul.f32 v15, v20  }
0x54: {  	v25 =	vsel vm2, $0x3F800000, v2;
	v63 =	vcvt.s32.f32 v19;
	v20 =	vadd.f32 $1.000000000e+00, v18  }
0x55: {  	s30 =	simm.s32 $0x50;
	v23 =	vadd.f32 v23, v23;
	s15 =	simm.s32 $0x140;
	v21 =	vmul.f32 v13, v21;
	v17 =	vmul.f32 v15, v15  }
0x56: {  	s16 =	sand.u32 $0x70, s30;
	s31 =	sand.u32 $0x7E00, s15;
	v19 =	vsel vm3, $0x3F800000, v2;
	v16 =	vshll.u32 v10, $0x7;
	(erf) = vrcp.f32 v20  }
0x57: {  	s17 =	sor.u32 s16, s31;
	s16 =	simm.s32 $0x60;
	v13 =	vld.idx.msk [tilespmem:v22+s4+$0x0], $0xffff;
	v20 =	vadd.f32 v63, v25;
	v21 =	vadd.f32 $1.000000000e+00, v21;
	v22 =	vmul.f32 $1.111111120e-01, v17  }
.LBB2_3:
0x58: {  	v16 =	vadd.s32 s17, v16  }
0x59: {  	p0 =	sne.s32 s16, $0x1FF0;
	v6 =	vadd.f32 v19, v6;
	vm2 =	vmmov vm0;
	vm0 =	vmmov vm1  }
0x5a: {  	v20 =	vmul.f32 $6.931471820e-01, v20;
	v19 =	vadd.f32 $1.428571490e-01, v22;
	v21 =	vmul.f32 v21, v23  }
0x5b: {  	vm1 =	veq.s32 v8, $0x0;
	v8 =	vmovc v7;
	v7 =	vmovc v5;
	v5 =	vmov v4;
	v16 =	vor.u32 v0, v16  }
0x5c: {  	v4 =	vmovc v10;
	v16 =	vand.u32 $0xFFFFFFF8, v16;
	v19 =	vmul.f32 v19, v17;
	v20 =	vadd.f32 v21, v20  }
0x5d: {  	vm3 =	vgt.s32 v3, v12;
	v12 =	vmovc v11;
	v11 =	vmovc v9;
	v21 =	vor.u32 v1, v16;
	v10 =	vand.u32 $0x7FFFFF, v13  }
0x5e: {  	s15 =	sadd.s32 $0x40, s15;
	v9 =	vmovc v13;
	v16 =	vor.u32 $0x3F800000, v10;
	v19 =	vadd.f32 $2.000000030e-01, v19;
	v20 =	vsub.f32 $0.0e+00, v20  }
0x5f: {  	s17 =	sshra.s32 s15, $0x2;
	v22 =	vshra.s32 v12, $0x17;
	vm3 =	vmand vm1, vm3;
	v13 =	vmul.f32 $5.000000000e-01, v16  }
0x60: {  	v23 =	vadd.f32 $-1.000000000e+00, v18;
	v10 =	vld [tilespmem:s17+$0x8000];
	v24 =	vpop (erf);
	v19 =	vmul.f32 v19, v17;
	v18 =	vnsel vm3, $0x0, v20  }
0x61: {  	vm1 =	vgt.f32 v16, $1.414213540e+00;
	v20 =	vadd.s32 $0xFFFFFF81, v22;
	v14 =	vadd.f32 v18, v14  }
.Ltmp0:
0x62: {  	v18 =	vsel vm1, v13, v16;
	v24 =	vmul.f32 v24, v23;
	v13 =	vadd.f32 $3.333333430e-01, v19;
	(pc) =	sbr.rel @p0 .LBB2_3-.Ltmp0, $4  }
0x63: {  	v20 =	vcvt.s32.f32 v20;
	v22 =	vadd.f32 $1.000000000e+00, v18;
	v19 =	vsel vm3, $0x3F800000, v2  }
0x64: {  	v23 =	vsel vm2, $0x3F800000, v2;
	v25 =	vmul.f32 v13, v17;
	v17 =	vmul.f32 v24, v24  }
0x65: {  	s18 =	sand.u32 $0x70, s16;
	s17 =	sand.u32 $0x7E00, s15;
	v20 =	vadd.f32 v20, v23;
	v16 =	vshll.u32 v10, $0x7;
	v13 =	vld.idx.msk [tilespmem:v21+s4+$0x0], $0xffff;
	(erf) = vrcp.f32 v22  }
0x66: {  	s16 =	sadd.s32 $0x10, s16;
	s17 =	sor.u32 s18, s17;
	v23 =	vadd.f32 v15, v15;
	v15 =	vmovc v24;
	v22 =	vmul.f32 $1.111111120e-01, v17;
	v21 =	vadd.f32 $1.000000000e+00, v25  }
0x67: {  	v16 =	vadd.s32 s17, v16  }
0x68: {  	v16 =	vor.u32 v0, v16  }
0x69: {  	v16 =	vand.u32 $0xFFFFFFF8, v16  }
0x6a: {  	v16 =	vor.u32 v1, v16;
	_ =	sdelay $0x4  }
0x6b: {  	v16 =	vld.idx.msk [tilespmem:v16+s4+$0x0], $0xffff  }
0x6c: {  	v24 =	vand.u32 $0x7FFFFF, v13  }
0x6d: {  	v24 =	vor.u32 $0x3F800000, v24  }
0x6e: {  	v6 =	vadd.f32 v19, v6;
	v37 =	vadd.f32 $1.428571490e-01, v22;
	v38 =	vmul.f32 $5.000000000e-01, v24  }
0x6f: {  	v20 =	vmul.f32 $6.931471820e-01, v20;
	vm4 =	veq.s32 v8, $0x0;
	vm3 =	vgt.f32 v24, $1.414213540e+00  }
0x70: {  	v19 =	vmul.f32 v37, v17;
	v22 =	vsel vm3, v38, v24;
	v39 =	vand.u32 $0x7FFFFF, v16  }
0x71: {  	v21 =	vmul.f32 v21, v23;
	v8 =	vadd.f32 $1.000000000e+00, v22;
	v23 =	vor.u32 $0x3F800000, v39  }
0x72: {  	vm5 =	vgt.s32 v3, v12;
	v19 =	vadd.f32 $2.000000030e-01, v19;
	v40 =	vmul.f32 $5.000000000e-01, v23  }
0x73: {  	v20 =	vadd.f32 v21, v20;
	(erf) = vrcp.f32 v8;
	vm2 =	vgt.f32 v23, $1.414213540e+00  }
0x74: {  	v12 =	vmul.f32 v19, v17;
	v8 =	vadd.f32 $-1.000000000e+00, v18;
	v41 =	vsel vm2, v40, v23  }
0x75: {  	v44 =	vshra.s32 v11, $0x17;
	v42 =	vsub.f32 $0.0e+00, v20;
	v43 =	vpop (erf);
	v21 =	vadd.f32 $1.000000000e+00, v41  }
0x76: {  	v20 =	vadd.s32 $0xFFFFFF81, v44;
	v12 =	vadd.f32 $3.333333430e-01, v12;
	v8 =	vmul.f32 v43, v8  }
0x77: {  	vm0 =	vmmov vm0;
	v46 =	vcvt.s32.f32 v20;
	(erf) = vrcp.f32 v21  }
0x78: {  	vm14 =	veq.s32 v7, $0x0;
	v12 =	vmul.f32 v12, v17;
	v45 =	vmul.f32 v8, v8  }
0x79: {  	v15 =	vadd.f32 v15, v15;
	vm15 =	vgt.s32 v3, v11;
	v48 =	vsel vm0, $0x3F800000, v2  }
0x7a: {  	v17 =	vadd.f32 v46, v48;
	v12 =	vadd.f32 $1.000000000e+00, v12;
	v7 =	vmul.f32 $1.111111120e-01, v45  }
0x7b: {  	vm1 =	vmmov vm1;
	v53 =	vshra.s32 v9, $0x17;
	v49 =	vadd.f32 $-1.000000000e+00, v22  }
0x7c: {  	v12 =	vmul.f32 v12, v15;
	v15 =	vmul.f32 $6.931471820e-01, v17;
	v7 =	vadd.f32 $1.428571490e-01, v7;
	v50 =	vpop (erf)  }
0x7d: {  	vm9 =	veq.s32 v5, $0x0;
	vm10 =	vgt.s32 v3, v9;
	v11 =	vmul.f32 v50, v49  }
0x7e: {  	vm11 =	veq.s32 v4, $0x0;
	vm4 =	vmand vm4, vm5;
	v7 =	vmul.f32 v7, v45  }
0x7f: {  	vm0 =	vmand vm14, vm15;
	v18 =	vadd.f32 $-1.000000000e+00, v41;
	v51 =	vmul.f32 v11, v11  }
0x80: {  	vm1 =	vmmov vm1;
	v12 =	vadd.f32 v12, v15;
	v7 =	vadd.f32 $2.000000030e-01, v7;
	v15 =	vpop (erf)  }
0x81: {  	vm14 =	veq.s32 v10, $0x0;
	v52 =	vmul.f32 $1.111111120e-01, v51;
	v15 =	vmul.f32 v15, v18  }
0x82: {  	v19 =	vnsel vm4, $0x0, v42;
	v12 =	vsub.f32 $0.0e+00, v12;
	v7 =	vmul.f32 v7, v45  }
0x83: {  	v14 =	vadd.f32 v19, v14;
	v19 =	vadd.f32 $1.428571490e-01, v52;
	v54 =	vmul.f32 v15, v15  }
0x84: {  	v8 =	vadd.f32 v8, v8;
	v12 =	vnsel vm0, $0x0, v12;
	v7 =	vadd.f32 $3.333333430e-01, v7  }
0x85: {  	v19 =	vmul.f32 v19, v51;
	v18 =	vadd.s32 $0xFFFFFF81, v53;
	v56 =	vmul.f32 $1.111111120e-01, v54  }
0x86: {  	v12 =	vadd.f32 v12, v14;
	v7 =	vmul.f32 v7, v45;
	v18 =	vcvt.s32.f32 v18  }
0x87: {  	v55 =	vsel vm1, $0x3F800000, v2;
	v19 =	vadd.f32 $2.000000030e-01, v19;
	v58 =	vadd.f32 $1.428571490e-01, v56  }
0x88: {  	v47 =	vsel vm4, $0x3F800000, v2;
	v7 =	vadd.f32 $1.000000000e+00, v7;
	v14 =	vadd.f32 v18, v55  }
0x89: {  	vm3 =	vmmov vm3;
	v19 =	vmul.f32 v19, v51;
	v21 =	vmul.f32 v58, v54  }
0x8a: {  	v7 =	vmul.f32 v7, v8;
	v8 =	vmul.f32 $6.931471820e-01, v14;
	v14 =	vshra.s32 v13, $0x17  }
0x8b: {  	v19 =	vadd.f32 $3.333333430e-01, v19;
	v14 =	vadd.s32 $0xFFFFFF81, v14;
	v21 =	vadd.f32 $2.000000030e-01, v21  }
0x8c: {  	vm7 =	vmmov vm3;
	v5 =	vadd.f32 v7, v8;
	v7 =	vcvt.s32.f32 v14  }
0x8d: {  	v8 =	vsel vm7, $0x3F800000, v2;
	v14 =	vmul.f32 v19, v51;
	v59 =	vmul.f32 v21, v54  }
0x8e: {  	vm8 =	vmmov vm2;
	v7 =	vadd.f32 v7, v8;
	v8 =	vshra.s32 v16, $0x17  }
0x8f: {  	v60 =	vadd.f32 $1.000000000e+00, v14;
	v8 =	vadd.s32 $0xFFFFFF81, v8;
	v14 =	vadd.f32 $3.333333430e-01, v59  }
0x90: {  	vm1 =	vmmov vm8;
	v11 =	vadd.f32 v11, v11;
	v8 =	vcvt.s32.f32 v8  }
0x91: {  	v57 =	vsel vm0, $0x3F800000, v2;
	v61 =	vsel vm1, $0x3F800000, v2;
	v14 =	vmul.f32 v14, v54  }
0x92: {  	v6 =	vadd.f32 v47, v6;
	v9 =	vmul.f32 v60, v11;
	v8 =	vadd.f32 v8, v61  }
0x93: {  	v7 =	vmul.f32 $6.931471820e-01, v7;
	v62 =	vadd.f32 $1.000000000e+00, v14;
	v14 =	vadd.f32 v15, v15  }
0x94: {  	vm12 =	vgt.s32 v3, v13;
	vm0 =	vmand vm9, vm10;
	v5 =	vsub.f32 $0.0e+00, v5  }
0x95: {  	v7 =	vadd.f32 v9, v7;
	v8 =	vmul.f32 $6.931471820e-01, v8;
	v63 =	vmul.f32 v62, v14  }
0x96: {  	s14 =	sadd.s32 $0x1, s14;
	vm13 =	vmand vm11, vm12;
	v6 =	vadd.f32 v57, v6;
	v5 =	vnsel vm0, $0x0, v5  }
0x97: {  	p0 =	sne.s32 s14, $0x8;
	v4 =	vsub.f32 $0.0e+00, v7;
	v7 =	vsel vm0, $0x3F800000, v2;
	v8 =	vadd.f32 v63, v8  }
.Ltmp1:
0x98: {  	vm15 =	vgt.s32 v3, v16;
	v5 =	vadd.f32 v5, v12;
	v6 =	vadd.f32 v7, v6;
	(pc) =	sbr.rel @p0 .LBB2_2-.Ltmp1, $4  }
0x99: {  	v7 =	vsel vm13, $0x3F800000, v2;
	v4 =	vnsel vm13, $0x0, v4;
	v8 =	vsub.f32 $0.0e+00, v8  }
0x9a: {  	vm0 =	vmand vm14, vm15;
	v4 =	vadd.f32 v4, v5;
	v5 =	vadd.f32 v7, v6  }
0x9b: {  	v7 =	vsel vm0, $0x3F800000, v2;
	v6 =	vnsel vm0, $0x0, v8  }
0x9c: {  	v13 =	vadd.f32 v6, v4;
	v6 =	vadd.f32 v7, v5  }
0x9d: {  	[tilespmem:$0xA030] =	vst v2;
	s13 =	sadd.s32 $0x1, s13  }
0x9e: {  	[tilespmem:$0xA010] =	vst v13;
	p0 =	sne.s32 s13, s8  }
.Ltmp2:
0x9f: {  	[tilespmem:$0xA020] =	vst v6;
	(pc) =	sbr.rel @p0 .LBB2_1-.Ltmp2, $4  }
0xa0: {  	[hbm4b:s7+s4] =	stream.linear.scatter [tilespmem:s12], [sflag:$0x1], $0x30, $0x38;
	[tilespmem:$0xA040] =	vst v63  }
0xa1: {  	_ =	swait.ge [sflag:s10], $0x30  }
0xa2: {  	[sflag:s10] =	ssyncset.done $0x0  }
0xa3: {  	[sflag:s10] =	ssyncadd.s32 $0xFFFFFFD0  }
0xa4: {  	_ =	sfence.sel $0x180000  }
0xa5: {  	[bflag:$0x0] =	sbarrier.arrive $0xFFFF  }
0xa6: {  	p0 =	sne.s32 s0, $0x0;
	_ =	strace $0x90000053  }
0xa7: {  	s0 =	sadd.s32 @!p0 $0x100000, s2;
	[bflag:$0x2] =	sbarrier.arrive $0xFFFF  }
0xa8: {  	[sflag:s0] =	ssyncadd.tile.s32 @!p0 $0x1;
	_ =	shalt  }
.Lfunc_end2:
_tile_overlayer_lowered:
.L_overlay_start_2:
0xa9: {  	(tag) =	ssettag $0x2  }
0xaa: {  	s0 =	rddreg [dreg:$0x0];
	s2 =	stileid.u32  }
0xab: {  	s1 =	rddreg [dreg:$0x1];
	p0 =	sne.s32 s2, $0x0  }
0xac: {  	s3 =	rddreg [dreg:$0x2];
	[bflag:$0x3] =	sbarrier.arrive $0xFFFF;
	s2 =	simm.s32 @!p0 $0x1C01  }
0xad: {  	[timem:s3], [sflag:s2] =	dma.local @!p0 [hbm:s0], s1  }
0xae: {  	s0 =	simm.s32 @!p0 $0x1  }
0xaf: {  	_ =	swait.ge @!p0 [sflag:s0], s1  }
0xb0: {  	s1 =	ssub.s32 @!p0 $0x0, s1;
	[sflag:s0] =	ssyncset.done @!p0 $0x0  }
0xb1: {  	[sflag:s0] =	ssyncadd.s32 @!p0 s1  }
0xb2: {  	[bflag:$0x3] =	sbarrier.arrive $0xFFFF  }
0xb3: {  	_ =	shalt  }

// kernel: kernel.3.cloned.1.call-start
scs
__scs_entry_jumppad:
0x0: {  	(pc) =	sbr.rel $0x88, $3  }
0x1: {  	(tag) =	ssettag $0x0;
	lr =	simm.s32 $0x1  }
0x2: {  	[smem:$0x3F9F] =	sst lr;
	_ =	strace $0xD0000000  }
0x3: {  	_ = 	snop  }
0x4: {  	_ = 	snop  }
0x5: {  	_ = 	snop  }
0x6: {  	_ = 	snop  }
0x7: {  	_ = 	snop  }
__scs_overlays_trampoline_lowered:
0x8: {  	[smem:$0x3FAE] =	sst s0  }
0x9: {  	[smem:$0x3FAF] =	sst s1  }
0xa: {  	[smem:$0x3FB0] =	sst s2  }
0xb: {  	[smem:$0x3FB1] =	sst s3  }
0xc: {  	[smem:$0x3FB2] =	sst s4  }
0xd: {  	[smem:$0x3FB3] =	sst s5  }
0xe: {  	[smem:$0x3FB4] =	sst s6  }
0xf: {  	[smem:$0x3FB5] =	sst s7  }
0x10: {  	[smem:$0x3FB6] =	sst s8  }
0x11: {  	[smem:$0x3FB7] =	sst s9;
	s0 =	simm.s32 @!p0 $0x0  }
0x12: {  	s1 =	sld [smem:$0x3F9D];
	s0 =	simm.s32 @p0 $0x1  }
0x13: {  	[smem:$0x3FB8] =	sst s0;
	s0 =	simm.s32 @!p1 $0x0  }
0x14: {  	s2 =	sld [smem:$0x3F9C];
	s0 =	simm.s32 @p1 $0x1  }
0x15: {  	[smem:$0x3FB9] =	sst s0;
	s0 =	simm.s32 @!p2 $0x0  }
0x16: {  	s3 =	sld [smem:$0x3FDB];
	s0 =	simm.s32 @p2 $0x1  }
0x17: {  	s4 =	simm.s32 $0x1BF5;
	[smem:$0x3FBB] =	sst s0  }
0x18: {  	s0 =	sld [smem:$0x3F9E];
	_ =	swait.ge [sflag:s4], $0x0  }
0x19: {  	s7 =	sld [smem:$0x3F9F]  }
0x1a: {  	s8 =	sadd.s32 $0xFFFFE003, lr  }
0x1b: {  	s9 =	sadd.s32 $0xFFFFFEF7, lr;
	s5 =	simm.s32 $0xFFFFFFFF;
	p2 =	slt.u32 s8, $0xFFFFF086  }
0x1c: {  	p1 =	slt.u32 s9, $0xF7A;
	s5 =	simm.s32 @!p2 $0x0  }
0x1d: {  	s5 =	simm.s32 @p1 $0x1;
	p0 =	seq.s32 s7, s2  }
0x1e: {  	s7 =	smul.u32 @!p0 $0xF7A, s2;
	p2 =	seq.s32 @!p0 s5, $0x0  }
0x1f: {  	s9 =	smul.u32 $0xF7A, s1;
	s8 =	simm.s32 @!p0 $0x1BF5;
	p2 =	por !p2, p0  }
0x20: {  	[sflag:s8] =	ssyncset.s32 @!p0 $0xFFFFF086;
	s6 =	sadd.s32 @!p0 s3, s7;
	s7 =	simm.s32 @!p0 $0x108  }
0x21: {  	s3 =	sadd.s32 s3, s9;
	s6 =	sadd.s32 @!p0 $0x88, s6;
	s7 =	simm.s32 @p2 $0x1082  }
0x22: {  	[simem:s7], [sflag:s8] =	dma.local @!p0 [hbm:s6], $0xF7A  }
0x23: {  	s9 =	sor.u32 $0xD0000000, s2;
	s6 =	simm.s32 $0x108;
	_ =	swait.ge @!p0 [sflag:s8], $0x0  }
0x24: {  	s3 =	sadd.s32 $0x88, s3;
	s6 =	simm.s32 @!p1 $0x1082;
	[sflag:s4] =	ssyncset.s32 $0xFFFFF086  }
0x25: {  	[simem:s6], [sflag:s4] =	dma.local [hbm:s3], $0xF7A  }
0x26: {  	[smem:$0x3F9F] =	sst s1;
	(tag) =	ssettag s2;
	_ =	strace s9  }
0x27: {  	s1 =	sld [smem:$0x3FAF]  }
0x28: {  	s2 =	sld [smem:$0x3FB0]  }
0x29: {  	s4 =	sld [smem:$0x3FB2]  }
0x2a: {  	p0 =	seq.s32 s5, $0x0;
	s5 =	sld [smem:$0x3FB3]  }
0x2b: {  	s6 =	sld [smem:$0x3FB4]  }
0x2c: {  	s7 =	sld [smem:$0x3FB5]  }
0x2d: {  	s3 =	simm.s32 $0x108;
	s8 =	sld [smem:$0x3FB6]  }
0x2e: {  	s3 =	simm.s32 @!p0 $0x1082;
	s9 =	sld [smem:$0x3FB7]  }
0x2f: {  	lr =	sadd.s32 s0, s3;
	s0 =	sld [smem:$0x3FAE]  }
0x30: {  	s3 =	sld [smem:$0x3FB1]  }
0x31: {  	[smem:$0x3FBA] =	sst s10  }
0x32: {  	s10 =	sld [smem:$0x3FB8];
	_ =	sdelay $0x3  }
0x33: {  	p0 =	seq.s32 s10, $0x1;
	s10 =	sld [smem:$0x3FBA];
	_ =	sdelay $0x3  }
0x34: {  	[smem:$0x3FBA] =	sst s10  }
0x35: {  	s10 =	sld [smem:$0x3FB9];
	_ =	sdelay $0x3  }
0x36: {  	p1 =	seq.s32 s10, $0x1;
	s10 =	sld [smem:$0x3FBA];
	_ =	sdelay $0x3  }
0x37: {  	[smem:$0x3FBA] =	sst s10  }
0x38: {  	s10 =	sld [smem:$0x3FBB]  }
0x39: {  	_ = 	snop;
	(pc) =	sbr.ind lr, $3  }
0x3a: {  	_ = 	snop  }
0x3b: {  	_ = 	snop  }
0x3c: {  	p2 =	seq.s32 s10, $0x1;
	s10 =	sld [smem:$0x3FBA]  }
0x3d: {  	_ =	shalt  }
0x3e: {  	_ =	shalt  }
0x3f: {  	_ =	shalt  }
0x40: {  	_ =	shalt  }
0x41: {  	_ =	shalt  }
0x42: {  	_ =	shalt  }
0x43: {  	_ =	shalt  }
0x44: {  	_ =	shalt  }
0x45: {  	_ =	shalt  }
0x46: {  	_ =	shalt  }
0x47: {  	_ =	shalt  }
0x48: {  	_ =	shalt  }
0x49: {  	_ =	shalt  }
0x4a: {  	_ =	shalt  }
0x4b: {  	_ =	shalt  }
0x4c: {  	_ =	shalt  }
0x4d: {  	_ =	shalt  }
0x4e: {  	_ =	shalt  }
0x4f: {  	_ =	shalt  }
0x50: {  	_ =	shalt  }
0x51: {  	_ =	shalt  }
0x52: {  	_ =	shalt  }
0x53: {  	_ =	shalt  }
0x54: {  	_ =	shalt  }
0x55: {  	_ =	shalt  }
0x56: {  	_ =	shalt  }
0x57: {  	_ =	shalt  }
0x58: {  	_ =	shalt  }
0x59: {  	_ =	shalt  }
0x5a: {  	_ =	shalt  }
0x5b: {  	_ =	shalt  }
0x5c: {  	_ =	shalt  }
0x5d: {  	_ =	shalt  }
0x5e: {  	_ =	shalt  }
0x5f: {  	_ =	shalt  }
0x60: {  	_ =	shalt  }
0x61: {  	_ =	shalt  }
0x62: {  	_ =	shalt  }
0x63: {  	_ =	shalt  }
0x64: {  	_ =	shalt  }
0x65: {  	_ =	shalt  }
0x66: {  	_ =	shalt  }
0x67: {  	_ =	shalt  }
0x68: {  	_ =	shalt  }
0x69: {  	_ =	shalt  }
0x6a: {  	_ =	shalt  }
0x6b: {  	_ =	shalt  }
0x6c: {  	_ =	shalt  }
0x6d: {  	_ =	shalt  }
0x6e: {  	_ =	shalt  }
0x6f: {  	_ =	shalt  }
0x70: {  	_ =	shalt  }
0x71: {  	_ =	shalt  }
0x72: {  	_ =	shalt  }
0x73: {  	_ =	shalt  }
0x74: {  	_ =	shalt  }
0x75: {  	_ =	shalt  }
0x76: {  	_ =	shalt  }
0x77: {  	_ =	shalt  }
0x78: {  	_ =	shalt  }
0x79: {  	_ =	shalt  }
0x7a: {  	_ =	shalt  }
0x7b: {  	_ =	shalt  }
0x7c: {  	_ =	shalt  }
0x7d: {  	_ =	shalt  }
0x7e: {  	_ =	shalt  }
0x7f: {  	_ =	shalt  }
0x80: {  	_ =	shalt  }
0x81: {  	_ =	shalt  }
0x82: {  	_ =	shalt  }
0x83: {  	_ =	shalt  }
0x84: {  	_ =	shalt  }
0x85: {  	_ =	shalt  }
0x86: {  	_ =	shalt  }
0x87: {  	_ =	shalt  }
.Lfunc_end0:
.L_simem_size_0:
called_computation.5_lowered:
.L_overlay_start_0:
0x88: {  	s2 =	sld [smem:$0x3FD9]  }
0x89: {  	s3 =	sld [smem:$0x3FFE];
	_ =	sdelay $0x1  }
0x8a: {  	s1 =	srdreg.scid  }
0x8b: {  	s0 =	sand.u32 $0x1, s1  }
0x8c: {  	s17 =	sshll.u32 s0, $0xA;
	s2 =	sadd.s32 s3, s2  }
0x8d: {  	s2 =	sadd.s32 s2, s17  }
0x8e: {  	[smem:$0x3FC6] =	sst s2  }
0x8f: {  	_ = 	snop  }
0x90: {  	s2 =	sld [smem:$0x3FC9]  }
0x91: {  	s18 =	sld [smem:$0x3FC8];
	(tm) =	ssettm $0x1  }
0x92: {  	s4 =	sld [smem:$0x3FFB];
	_ =	sdelay $0x3  }
0x93: {  	_ =	strace s4  }
0x94: {  	s4 =	sld [smem:$0x3FFC];
	_ =	sdelay $0x3  }
0x95: {  	_ =	strace s4  }
0x96: {  	s4 =	sld [smem:$0x3FFD];
	_ =	sdelay $0x3  }
0x97: {  	_ =	strace s4  }
0x98: {  	_ =	strace $0x8FFFFFFF  }
0x99: {  	s19 =	sld [smem:$0x3FDB];
	_ =	sdelay $0x1  }
0x9a: {  	s5 =	simm.s32 $_scs_section_size  }
0x9b: {  	s6 =	simm.s32 $_size__tile_overlayer_lowered;
	s7 =	simm.s32 $_tile_overlayer_lowered  }
0x9c: {  	s22 =	simm.s32 $0x1BFF;
	s21 =	sshll.u32 s7, $0x1;
	s4 =	sadd.s32 s5, s19  }
0x9d: {  	s8 =	simm.s32 $0x0;
	s20 =	sshll.u32 s6, $0x1;
	s6 =	sadd.s32 s21, s4  }
0x9e: {  	[timem:s8], [sflag:s22] =	dma.local [hbm:s6], s20  }
0x9f: {  	_ =	swait.ge [sflag:s22], s20  }
0xa0: {  	s5 =	ssub.s32 $0x0, s20;
	[sflag:s22] =	ssyncset.done $0x0  }
0xa1: {  	[sflag:s22] =	ssyncadd.s32 s5;
	_ =	sdelay $0x1  }
0xa2: {  	s23 =	simm.s32 $0x1B8B  }
0xa3: {  	_ =	swait.ge [sflag:s23], $0x1  }
0xa4: {  	[sflag:s23] =	ssyncset.done $0x0  }
0xa5: {  	s25 =	simm.s32 $0x1B8E;
	s24 =	sld [smem:$0x3FFE];
	[sflag:s23] =	ssyncadd.s32 $0xFFFFFFFF  }
0xa6: {  	s26 =	simm.s32 $execute0_lowered;
	[smem:$0x3FD2] =	sst s25  }
0xa7: {  	s6 =	sshll.u32 s26, $0x1;
	_ =	strace $0x80000055;
	[dreg:$0x1] =	wrdreg $0xFFFFFFFF  }
0xa8: {  	s28 =	simm.s32 $_size_execute0_lowered;
	s4 =	sadd.s32 s4, s6;
	[dreg:$0x0] =	wrdreg $0x0  }
0xa9: {  	s6 =	sshll.u32 s28, $0x1;
	[dreg:$0x2] =	wrdreg s4  }
0xaa: {  	[dreg:$0x3] =	wrdreg s6  }
0xab: {  	[dreg:$0x4] =	wrdreg $0xC0  }
0xac: {  	_ =	task [dreg:s8], $0x5FFFF  }
0xad: {  	[dreg:$0x1] =	wrdreg $0xFFFFFFFF  }
0xae: {  	[dreg:$0x0] =	wrdreg $0x60  }
0xaf: {  	[dreg:$0x2] =	wrdreg s2  }
0xb0: {  	[dreg:$0x3] =	wrdreg s18  }
0xb1: {  	[dreg:$0x4] =	wrdreg s24  }
0xb2: {  	[dreg:$0x5] =	wrdreg $0x9  }
0xb3: {  	_ =	task.clear_ibuf [dreg:s8], $0x6FFFF;
	_ =	strace $0x90000055  }
0xb4: {  	s29 =	simm.s32 $0x9;
	_ =	strace $0x80000057  }
0xb5: {  	_ =	swait.ge [sflag:s29], $0x1  }
0xb6: {  	[sflag:s29] =	ssyncadd.s32 $0xFFFFFFFF  }
0xb7: {  	_ =	strace $0x90000057  }
0xb8: {  	_ =	sfence  }
0xb9: {  	s30 =	sld [smem:$0x0];
	_ =	sdelay $0x2  }
0xba: {  	s31 =	sshll.u32 s1, $0xD;
	s1 =	sshrl.u32 s1, $0x2  }
0xbb: {  	s3 =	sand.u32 $0x4000, s31;
	s1 =	sadd.s32 s1, s30  }
0xbc: {  	s0 =	sor.u32 s3, s0;
	s1 =	sshll.u32 s1, $0x11  }
0xbd: {  	s0 =	sor.u32 s1, s0  }
0xbe: {  	s0 =	sadd.s32 $0x8F2B, s0  }
0xbf: {  	[sflag:s0] =	ssyncadd.remote.s32 $0x1  }
0xc0: {  	_ =	sfence.sel $0xFFFF  }
0xc1: {  	[dreg:$0x0] =	wrdreg $0xFFFFFFFF;
	(pc) =	sbr.abs _section_cstart, $3  }
0xc2: {  	[dreg:$0x1] =	wrdreg $0xFFFFFFFF  }
0xc3: {  	_ =	task.clear_ibuf [dreg:s8], $0x2FFFF;
	_ =	strace $0x9FFFFFFF  }
0xc4: {  	(tm) =	ssettm $0x7FFFFFFF  }
0xc5: {  	_ =	shalt  }
tec
execute0_lowered:
.L_overlay_start_1:
0x0: {  	(tag) =	ssettag $0x1  }
0x1: {  	s1 =	rddreg [dreg:$0x0]  }
0x2: {  	s2 =	srdreg.scid;
	s3 =	rddreg [dreg:$0x1]  }
0x3: {  	s0 =	stileid.u32;
	s4 =	rddreg [dreg:$0x2]  }
0x4: {  	s5 =	simm.s32 $0x0;
	s14 =	simm.s32 $0x14030;
	s15 =	simm.s32 $0x3  }
0x5: {  	s16 =	simm.s32 $0x10000;
	s17 =	simm.s32 $0x8000;
	s18 =	simm.s32 $0x12000  }
0x6: {  	s19 =	simm.s32 $0x1;
	s20 =	simm.s32 $0x2;
	s21 =	simm.s32 $0x14000  }
0x7: {  	s6 =	sand.u32 $0x1, s2;
	s28 =	sshll.u32 s0, $0x1;
	s2 =	rddreg [dreg:$0x3]  }
0x8: {  	s22 =	simm.s32 $0x0;
	[smem:$0x7FF] =	sst s5;
	s7 =	sor.u32 s6, s28  }
0x9: {  	s6 =	ssub.s32 $0x2, s6;
	_ =	strace $0x80000056;
	s8 =	smul.u32 $0x6, s7  }
0xa: {  	s29 =	sshrl.u32 s6, $0x1;
	s11 =	sshll.u32 s7, $0x10;
	s30 =	sshll.u32 s7, $0xF  }
.Ltmp0:
0xb: {  	s7 =	sshll.u32 s7, $0xD;
	s13 =	ssub.s32 s6, s29;
	(pc) =	sbr.rel .LBB2_1-.Ltmp0, $4  }
0xc: {  	s6 =	sadd.s32 s1, s30;
	s31 =	sor.u32 $0x2000, s11;
	s7 =	sadd.s32 s3, s7  }
0xd: {  	s12 =	sadd.s32 s8, s4;
	s9 =	sshrl.u32 s31, $0x1;
	s10 =	sshrl.u32 s31, $0x3  }
0xe: {  	v0 =	vlaneseq.u32;
	s13 =	smax.u32 s13, $0x1;
	s8 =	sadd.s32 s1, s9;
	s9 =	sadd.s32 s3, s10  }
0xf: {  	v2 =	vimm.f32 $0.0e+00;
	v1 =	vand.u32 $0x7, v0;
	s10 =	sor.u32 $0x4000, s11;
	s11 =	sor.u32 $0x6000, s11;
	s12 =	sadd.s32 $0x400, s12  }
.LBB2_8:
0x10: {  	v4 =	vsub.f32 v4, v6;
	[tilespmem:$0x14000] =	vst v6;
	s22 =	sadd.s32 $0x1, s22  }
0x11: {  	[tilespmem:$0x14020] =	vst v3;
	p0 =	sne.s32 s22, s13  }
.Ltmp1:
0x12: {  	[tilespmem:$0x14010] =	vst v4;
	(pc) =	sbr.rel @!p0 .LBB2_9-.Ltmp1, $4  }
0x13: {  	[hbm4b:s12+s5] =	stream.linear.scatter [tilespmem:s21], [sflag:$0x3], $0x30, $0x38;
	[tilespmem:$0x16030] =	vst v63  }
0x14: {  	_ =	swait.ge [sflag:s15], $0x30  }
0x15: {  	[sflag:s15] =	ssyncset.done $0x0  }
0x16: {  	[sflag:s15] =	ssyncadd.s32 $0xFFFFFFD0  }
.LBB2_1:
0x17: {  	[tilespmem:s14], [sflag:$0x3] =	stream.linear.gather [hbm4b:s4+s5], $0x2000, $0x38;
	[tilespmem:$0x16030] =	vst v63  }
0x18: {  	_ =	swait.ge [sflag:s15], $0x2000  }
0x19: {  	[sflag:s15] =	ssyncset.done $0x0  }
0x1a: {  	[sflag:s15] =	ssyncadd.s32 $0xFFFFE000  }
0x1b: {  	[tilespmem:s5], [sflag:$0x1] =	stream.linear.gather [hbm4b:s6+s5], $0x8000, $0x38;
	[tilespmem:$0x16030] =	vst v63  }
0x1c: {  	_ = 	snop  }
0x1d: {  	[tilespmem:s16], [sflag:$0x1] =	stream.linear.gather [hbm4b:s7+s5], $0x2000, $0x38;
	[tilespmem:$0x16030] =	vst v63  }
0x1e: {  	_ = 	snop  }
0x1f: {  	[tilespmem:s17], [sflag:$0x2] =	stream.linear.gather [hbm4b:s8+s5], $0x8000, $0x38;
	[tilespmem:$0x16030] =	vst v63  }
0x20: {  	s23 =	simm.s32 $0x0  }
0x21: {  	v3 =	vimm.f32 $0.0e+00;
	v4 =	vimm.f32 $0.0e+00;
	v6 =	vimm.f32 $0.0e+00;
	[tilespmem:s18], [sflag:$0x2] =	stream.linear.gather [hbm4b:s9+s5], $0x2000, $0x38;
	[tilespmem:$0x16030] =	vst v63  }
.LBB2_2:
0x22: {  	_ =	swait.ge [sflag:s19], $0x8000  }
0x23: {  	[sflag:s19] =	ssyncset.done $0x0  }
0x24: {  	[sflag:s19] =	ssyncadd.s32 $0xFFFF8000  }
0x25: {  	_ =	swait.ge [sflag:s19], $0x2000  }
0x26: {  	[sflag:s19] =	ssyncset.done $0x0  }
0x27: {  	s24 =	simm.s32 $0x0;
	[sflag:s19] =	ssyncadd.s32 $0xFFFFE000  }
0x28: {  	v8 =	vld [tilespmem:s24+$0x10000];
	_ =	sdelay $0x2  }
0x29: {  	s26 =	simm.s32 $0x0  }
0x2a: {  	s25 =	sand.u32 $0x7E00, s26;
	s24 =	sand.u32 $0x70, s26;
	s26 =	simm.s32 $0x10  }
0x2b: {  	s24 =	sor.u32 s24, s25;
	v11 =	vld [tilespmem:s26+$0x10000];
	v5 =	vshll.u32 v8, $0x7  }
0x2c: {  	v5 =	vadd.s32 s24, v5  }
0x2d: {  	v5 =	vor.u32 v0, v5  }
0x2e: {  	s29 =	simm.s32 $0x10;
	s30 =	simm.s32 $0x40;
	v5 =	vand.u32 $0xFFFFFFF8, v5  }
0x2f: {  	s31 =	simm.s32 $0x20;
	s25 =	sand.u32 $0x7E00, s30;
	s24 =	sand.u32 $0x70, s29;
	v5 =	vor.u32 v1, v5  }
0x30: {  	v10 =	vld [tilespmem:s31+$0x10000];
	v7 =	vshll.u32 v11, $0x7;
	s24 =	sor.u32 s24, s25  }
0x31: {  	v7 =	vadd.s32 s24, v7  }
0x32: {  	v7 =	vor.u32 v0, v7  }
0x33: {  	s30 =	simm.s32 $0x80;
	s29 =	simm.s32 $0x20;
	v7 =	vand.u32 $0xFFFFFFF8, v7  }
0x34: {  	s31 =	simm.s32 $0x30;
	s25 =	sand.u32 $0x7E00, s30;
	s24 =	sand.u32 $0x70, s29;
	v12 =	vld.idx.msk [tilespmem:v5+s5+$0x0], $0xffff;
	v5 =	vor.u32 v1, v7  }
0x35: {  	v9 =	vld [tilespmem:s31+$0x10000];
	s24 =	sor.u32 s24, s25;
	v7 =	vshll.u32 v10, $0x7  }
0x36: {  	v7 =	vadd.s32 s24, v7  }
0x37: {  	v7 =	vor.u32 v0, v7  }
0x38: {  	s26 =	simm.s32 $0x30;
	s29 =	simm.s32 $0xC0;
	v7 =	vand.u32 $0xFFFFFFF8, v7  }
0x39: {  	s25 =	sand.u32 $0x7E00, s29;
	s24 =	sand.u32 $0x70, s26;
	v7 =	vor.u32 v1, v7;
	v13 =	vld.idx.msk [tilespmem:v5+s5+$0x0], $0xffff;
	v5 =	vshrl.u32 v12, $0xA  }
0x3a: {  	v14 =	vshll.u32 v9, $0x7;
	s30 =	simm.s32 $0x40;
	s24 =	sor.u32 s24, s25;
	v15 =	vand.u32 $0x1FFF, v5  }
0x3b: {  	v14 =	vadd.s32 s24, v14;
	v5 =	vld [tilespmem:s30+$0x10000]  }
0x3c: {  	v14 =	vor.u32 v0, v14  }
0x3d: {  	v16 =	vand.u32 $0xFFFFFFF8, v14  }
0x3e: {  	s31 =	simm.s32 $0x40;
	s26 =	simm.s32 $0x100;
	v16 =	vor.u32 v1, v16;
	v14 =	vld.idx.msk [tilespmem:v7+s5+$0x0], $0xffff;
	v7 =	vshrl.u32 v13, $0xA  }
0x3f: {  	s25 =	sand.u32 $0x7E00, s26;
	s24 =	sand.u32 $0x70, s31;
	v18 =	vld.idx.msk [tilespmem:v15+s14+$0x0], $0xffff;
	v15 =	vand.u32 $0x1FFF, v7  }
0x40: {  	s29 =	simm.s32 $0x50;
	s24 =	sor.u32 s24, s25;
	v12 =	vshra.s32 v12, $0x17;
	v7 =	vshll.u32 v5, $0x7  }
0x41: {  	v12 =	vadd.s32 $0xFFFFFF81, v12;
	v17 =	vadd.s32 s24, v7;
	v7 =	vld [tilespmem:s29+$0x10000]  }
0x42: {  	s31 =	simm.s32 $0x140;
	v19 =	vcvt.s32.f32 v12;
	v17 =	vor.u32 v0, v17  }
0x43: {  	s26 =	sand.u32 $0x7E00, s31;
	s30 =	simm.s32 $0x50;
	v12 =	vld.idx.msk [tilespmem:v16+s5+$0x0], $0xffff;
	v17 =	vand.u32 $0xFFFFFFF8, v17;
	v20 =	vshrl.u32 v14, $0xA  }
0x44: {  	s25 =	simm.s32 $0x180;
	s28 =	sand.u32 $0x70, s30;
	s24 =	simm.s32 $0x60;
	v17 =	vor.u32 v1, v17;
	v15 =	vld.idx.msk [tilespmem:v15+s14+$0x0], $0xffff;
	v16 =	vadd.f32 v19, v18;
	v18 =	vand.u32 $0x1FFF, v20  }
.LBB2_3:
0x45: {  	s29 =	sshra.s32 s25, $0x2  }
0x46: {  	s26 =	sor.u32 s28, s26;
	v19 =	vshll.u32 v7, $0x7;
	v20 =	vshra.s32 v13, $0x17;
	v21 =	vmul.f32 $-6.931471820e-01, v16;
	v16 =	vmovc v7;
	v13 =	vmovc v14;
	s28 =	smov.u32 s24;
	p0 =	sne.s32 s24, $0x1FF0  }
.Ltmp2:
0x47: {  	s24 =	sadd.s32 $0x10, s24;
	vm0 =	vgt.s32 v8, $0x0;
	v8 =	vmovc v11;
	v11 =	vmovc v10;
	v7 =	vld [tilespmem:s29+$0x10000];
	v24 =	vadd.s32 s26, v19;
	v19 =	vadd.s32 $0xFFFFFF81, v20;
	(pc) =	sbr.rel @p0 .LBB2_3-.Ltmp2, $4  }
0x48: {  	v10 =	vmovc v9;
	v9 =	vmovc v5;
	v23 =	vor.u32 v0, v24;
	v19 =	vcvt.s32.f32 v19;
	v20 =	vnsel vm0, $0x0, v21  }
0x49: {  	v5 =	vmovc v16;
	v14 =	vmovc v12;
	v22 =	vand.u32 $0xFFFFFFF8, v23;
	v6 =	vadd.f32 v20, v6;
	v20 =	vsel vm0, $0x3F800000, v2;
	v12 =	vld.idx.msk [tilespmem:v17+s5+$0x0], $0xffff  }
0x4a: {  	v17 =	vor.u32 v1, v22;
	v22 =	vshrl.u32 v14, $0xA;
	v16 =	vadd.f32 v19, v15;
	v15 =	vld.idx.msk [tilespmem:v18+s14+$0x0], $0xffff  }
0x4b: {  	s26 =	sand.u32 $0x7E00, s25;
	s28 =	sand.u32 $0x70, s28;
	s25 =	sadd.s32 $0x40, s25;
	v4 =	vadd.f32 v21, v4;
	v3 =	vadd.f32 v20, v3;
	v18 =	vand.u32 $0x1FFF, v22  }
0x4c: {  	s24 =	sor.u32 s28, s26;
	v19 =	vshll.u32 v7, $0x7  }
0x4d: {  	v19 =	vadd.s32 s24, v19  }
0x4e: {  	v19 =	vor.u32 v0, v19  }
0x4f: {  	v19 =	vand.u32 $0xFFFFFFF8, v19  }
0x50: {  	v19 =	vor.u32 v1, v19;
	_ =	sdelay $0x3  }
0x51: {  	v17 =	vld.idx.msk [tilespmem:v17+s5+$0x0], $0xffff  }
0x52: {  	v19 =	vld.idx.msk [tilespmem:v19+s5+$0x0], $0xffff;
	_ =	sdelay $0x2  }
0x53: {  	v20 =	vshrl.u32 v12, $0xA  }
0x54: {  	v20 =	vand.u32 $0x1FFF, v20;
	v21 =	vshrl.u32 v17, $0xA  }
0x55: {  	v21 =	vand.u32 $0x1FFF, v21;
	v22 =	vshrl.u32 v19, $0xA  }
0x56: {  	v22 =	vand.u32 $0x1FFF, v22  }
0x57: {  	p0 =	seq.s32 s23, $0x3;
	s24 =	sshll.u32 s23, $0xE  }
0x58: {  	v18 =	vld.idx.msk [tilespmem:v18+s14+$0x0], $0xffff;
	s25 =	sadd.s32 @!p0 s24, s10  }
0x59: {  	s26 =	sshrl.u32 @!p0 s25, $0x1;
	v20 =	vld.idx.msk [tilespmem:v20+s14+$0x0], $0xffff  }
0x5a: {  	s28 =	simm.s32 @!p0 $0x0;
	s25 =	sshrl.u32 @!p0 s25, $0x3;
	s26 =	sadd.s32 @!p0 s1, s26;
	v21 =	vld.idx.msk [tilespmem:v21+s14+$0x0], $0xffff  }
0x5b: {  	v22 =	vld.idx.msk [tilespmem:v22+s14+$0x0], $0xffff;
	[tilespmem:s28], [sflag:$0x1] =	stream.linear.gather @!p0 [hbm4b:s26+s28], $0x8000, $0x38  }
0x5c: {  	s25 =	sadd.s32 @!p0 s3, s25;
	s26 =	simm.s32 @!p0 $0x10000  }
0x5d: {  	[tilespmem:s26], [sflag:$0x1] =	stream.linear.gather @!p0 [hbm4b:s25+s28], $0x2000, $0x38;
	[tilespmem:$0x16030] =	vst v63  }
0x5e: {  	_ =	swait.ge [sflag:s20], $0x8000  }
0x5f: {  	[sflag:s20] =	ssyncset.done $0x0  }
0x60: {  	v13 =	vshra.s32 v13, $0x17;
	[sflag:s20] =	ssyncadd.s32 $0xFFFF8000  }
0x61: {  	v13 =	vadd.s32 $0xFFFFFF81, v13;
	_ =	swait.ge [sflag:s20], $0x2000  }
0x62: {  	v13 =	vcvt.s32.f32 v13;
	[sflag:s20] =	ssyncset.done $0x0  }
0x63: {  	v16 =	vmul.f32 $-6.931471820e-01, v16;
	vm0 =	vgt.s32 v8, $0x0;
	v14 =	vshra.s32 v14, $0x17;
	s26 =	simm.s32 $0x0;
	[sflag:s20] =	ssyncadd.s32 $0xFFFFE000  }
0x64: {  	vm11 =	vgt.s32 v11, $0x0;
	v14 =	vadd.s32 $0xFFFFFF81, v14;
	v13 =	vadd.f32 v13, v15;
	v8 =	vld [tilespmem:s26+$0x12000]  }
0x65: {  	vm12 =	vgt.s32 v10, $0x0;
	vm13 =	vgt.s32 v9, $0x0;
	v11 =	vcvt.s32.f32 v14  }
0x66: {  	v4 =	vadd.f32 v16, v4;
	v15 =	vnsel vm0, $0x0, v16;
	v13 =	vmul.f32 $-6.931471820e-01, v13  }
0x67: {  	s30 =	simm.s32 $0x0;
	v12 =	vshra.s32 v12, $0x17;
	v6 =	vadd.f32 v15, v6;
	v15 =	vsel vm0, $0x3F800000, v2  }
0x68: {  	s31 =	sand.u32 $0x7E00, s30;
	v11 =	vadd.f32 v11, v18;
	v14 =	vadd.f32 v15, v3;
	v3 =	vnsel vm11, $0x0, v13;
	s25 =	sand.u32 $0x70, s30;
	s28 =	simm.s32 $0x10  }
0x69: {  	v13 =	vadd.f32 v13, v4;
	v6 =	vadd.f32 v3, v6;
	s25 =	sor.u32 s25, s31;
	v3 =	vld [tilespmem:s28+$0x12000];
	v4 =	vshll.u32 v8, $0x7  }
0x6a: {  	v12 =	vadd.s32 $0xFFFFFF81, v12;
	v11 =	vmul.f32 $-6.931471820e-01, v11;
	v4 =	vadd.s32 s25, v4  }
0x6b: {  	v10 =	vcvt.s32.f32 v12;
	v15 =	vsel vm11, $0x3F800000, v2;
	v4 =	vor.u32 v0, v4  }
0x6c: {  	v14 =	vadd.f32 v15, v14;
	v12 =	vnsel vm12, $0x0, v11;
	s30 =	simm.s32 $0x10;
	s31 =	simm.s32 $0x40;
	v4 =	vand.u32 $0xFFFFFFF8, v4  }
0x6d: {  	v15 =	vsel vm12, $0x3F800000, v2;
	v6 =	vadd.f32 v12, v6;
	s26 =	sand.u32 $0x7E00, s31;
	s28 =	simm.s32 $0x20;
	s25 =	sand.u32 $0x70, s30;
	v12 =	vor.u32 v1, v4  }
0x6e: {  	v11 =	vadd.f32 v11, v13;
	v10 =	vadd.f32 v10, v20;
	v16 =	vshll.u32 v3, $0x7;
	s25 =	sor.u32 s25, s26;
	v4 =	vld [tilespmem:s28+$0x12000]  }
0x6f: {  	v13 =	vadd.f32 v15, v14;
	v15 =	vshra.s32 v17, $0x17;
	v14 =	vadd.s32 s25, v16  }
0x70: {  	v10 =	vmul.f32 $-6.931471820e-01, v10;
	v16 =	vsel vm13, $0x3F800000, v2;
	v14 =	vor.u32 v0, v14  }
0x71: {  	v15 =	vadd.s32 $0xFFFFFF81, v15;
	s31 =	simm.s32 $0x80;
	s30 =	simm.s32 $0x20;
	v13 =	vadd.f32 v16, v13;
	v9 =	vand.u32 $0xFFFFFFF8, v14  }
0x72: {  	s26 =	sand.u32 $0x7E00, s31;
	s25 =	sand.u32 $0x70, s30;
	s28 =	simm.s32 $0x30;
	v14 =	vcvt.s32.f32 v15;
	v15 =	vnsel vm13, $0x0, v10;
	v9 =	vor.u32 v1, v9;
	v12 =	vld.idx.msk [tilespmem:v12+s17+$0x0], $0xffff  }
0x73: {  	s25 =	sor.u32 s25, s26;
	v16 =	vshra.s32 v19, $0x17;
	v15 =	vadd.f32 v15, v6;
	v6 =	vld [tilespmem:s28+$0x12000];
	v17 =	vshll.u32 v4, $0x7  }
0x74: {  	v10 =	vadd.f32 v10, v11;
	v16 =	vadd.s32 $0xFFFFFF81, v16;
	v11 =	vadd.s32 s25, v17  }
0x75: {  	v16 =	vcvt.s32.f32 v16;
	v11 =	vor.u32 v0, v11  }
0x76: {  	s31 =	simm.s32 $0xC0;
	s30 =	simm.s32 $0x30;
	v14 =	vadd.f32 v14, v21;
	v11 =	vand.u32 $0xFFFFFFF8, v11  }
0x77: {  	s26 =	sand.u32 $0x7E00, s31;
	v16 =	vadd.f32 v16, v22;
	s25 =	sand.u32 $0x70, s30;
	v9 =	vld.idx.msk [tilespmem:v9+s17+$0x0], $0xffff;
	v11 =	vor.u32 v1, v11;
	v17 =	vshrl.u32 v12, $0xA  }
0x78: {  	s28 =	simm.s32 $0x40;
	v14 =	vmul.f32 $-6.931471820e-01, v14;
	s25 =	sor.u32 s25, s26;
	v18 =	vshll.u32 v6, $0x7;
	v17 =	vand.u32 $0x1FFF, v17  }
0x79: {  	vm14 =	vgt.s32 v5, $0x0;
	vm15 =	vgt.s32 v7, $0x0;
	v5 =	vld [tilespmem:s28+$0x12000];
	v18 =	vadd.s32 s25, v18  }
0x7a: {  	v16 =	vmul.f32 $-6.931471820e-01, v16;
	v19 =	vnsel vm14, $0x0, v14;
	v18 =	vor.u32 v0, v18  }
0x7b: {  	v20 =	vadd.f32 v14, v10;
	v15 =	vadd.f32 v19, v15;
	v10 =	vand.u32 $0xFFFFFFF8, v18  }
0x7c: {  	s31 =	simm.s32 $0x100;
	s30 =	simm.s32 $0x40;
	v19 =	vsel vm14, $0x3F800000, v2;
	v7 =	vshrl.u32 v9, $0xA;
	v14 =	vld.idx.msk [tilespmem:v11+s17+$0x0], $0xffff;
	v11 =	vor.u32 v1, v10  }
0x7d: {  	s26 =	sand.u32 $0x7E00, s31;
	s25 =	sand.u32 $0x70, s30;
	v18 =	vadd.f32 v19, v13;
	v12 =	vshra.s32 v12, $0x17;
	v63 =	vand.u32 $0x1FFF, v7;
	v19 =	vld.idx.msk [tilespmem:v17+s14+$0x0], $0xffff  }
0x7e: {  	s30 =	simm.s32 $0x50;
	s25 =	sor.u32 s25, s26;
	v13 =	vadd.f32 v16, v20;
	v12 =	vadd.s32 $0xFFFFFF81, v12;
	v7 =	vshll.u32 v5, $0x7  }
0x7f: {  	v20 =	vcvt.s32.f32 v12;
	v10 =	vnsel vm15, $0x0, v16;
	v17 =	vadd.s32 s25, v7;
	v7 =	vld [tilespmem:s30+$0x12000]  }
0x80: {  	s28 =	simm.s32 $0x140;
	v10 =	vadd.f32 v10, v15;
	v15 =	vsel vm15, $0x3F800000, v2;
	v16 =	vor.u32 v0, v17  }
0x81: {  	s28 =	sand.u32 $0x7E00, s28;
	s31 =	simm.s32 $0x50;
	v12 =	vadd.f32 v15, v18;
	v15 =	vand.u32 $0xFFFFFFF8, v16;
	v11 =	vld.idx.msk [tilespmem:v11+s17+$0x0], $0xffff;
	v16 =	vshrl.u32 v14, $0xA  }
0x82: {  	s29 =	sand.u32 $0x70, s31;
	s26 =	simm.s32 $0x180;
	s25 =	simm.s32 $0x60;
	v17 =	vor.u32 v1, v15;
	v15 =	vld.idx.msk [tilespmem:v63+s14+$0x0], $0xffff;
	v16 =	vand.u32 $0x1FFF, v16;
	v18 =	vadd.f32 v20, v19  }
.LBB2_5:
0x83: {  	s30 =	sshra.s32 s26, $0x2  }
0x84: {  	s28 =	sor.u32 s29, s28;
	v19 =	vshll.u32 v7, $0x7;
	v20 =	vshra.s32 v9, $0x17;
	v21 =	vmul.f32 $-6.931471820e-01, v18;
	v18 =	vmovc v7;
	v9 =	vmovc v14;
	s29 =	smov.u32 s25;
	p1 =	sne.s32 s25, $0x1FF0  }
.Ltmp3:
0x85: {  	s25 =	sadd.s32 $0x10, s25;
	vm0 =	vgt.s32 v8, $0x0;
	v8 =	vmovc v3;
	v3 =	vmovc v4;
	v7 =	vld [tilespmem:s30+$0x12000];
	v24 =	vadd.s32 s28, v19;
	v19 =	vadd.s32 $0xFFFFFF81, v20;
	(pc) =	sbr.rel @p1 .LBB2_5-.Ltmp3, $4  }
0x86: {  	v4 =	vmovc v6;
	v6 =	vmovc v5;
	v23 =	vor.u32 v0, v24;
	v19 =	vcvt.s32.f32 v19;
	v20 =	vnsel vm0, $0x0, v21  }
0x87: {  	v5 =	vmovc v18;
	v14 =	vmovc v11;
	v22 =	vand.u32 $0xFFFFFFF8, v23;
	v10 =	vadd.f32 v20, v10;
	v20 =	vsel vm0, $0x3F800000, v2;
	v11 =	vld.idx.msk [tilespmem:v17+s17+$0x0], $0xffff  }
0x88: {  	v17 =	vor.u32 v1, v22;
	v22 =	vshrl.u32 v14, $0xA;
	v18 =	vadd.f32 v19, v15;
	v15 =	vld.idx.msk [tilespmem:v16+s14+$0x0], $0xffff  }
0x89: {  	s28 =	sand.u32 $0x7E00, s26;
	s29 =	sand.u32 $0x70, s29;
	s26 =	sadd.s32 $0x40, s26;
	v13 =	vadd.f32 v21, v13;
	v12 =	vadd.f32 v20, v12;
	v16 =	vand.u32 $0x1FFF, v22  }
0x8a: {  	s25 =	sor.u32 s29, s28;
	v19 =	vshll.u32 v7, $0x7  }
0x8b: {  	v19 =	vadd.s32 s25, v19  }
0x8c: {  	v19 =	vor.u32 v0, v19  }
0x8d: {  	v19 =	vand.u32 $0xFFFFFFF8, v19  }
0x8e: {  	v19 =	vor.u32 v1, v19;
	_ =	sdelay $0x2  }
0x8f: {  	v17 =	vld.idx.msk [tilespmem:v17+s17+$0x0], $0xffff  }
0x90: {  	v9 =	vshra.s32 v9, $0x17;
	v18 =	vmul.f32 $-6.931471820e-01, v18  }
0x91: {  	vm0 =	vgt.s32 v8, $0x0;
	v14 =	vshra.s32 v14, $0x17;
	v8 =	vshrl.u32 v11, $0xA;
	v19 =	vld.idx.msk [tilespmem:v19+s17+$0x0], $0xffff  }
0x92: {  	vm11 =	vgt.s32 v3, $0x0;
	v9 =	vadd.s32 $0xFFFFFF81, v9;
	v8 =	vand.u32 $0x1FFF, v8  }
0x93: {  	vm12 =	vgt.s32 v4, $0x0;
	vm13 =	vgt.s32 v6, $0x0;
	v9 =	vcvt.s32.f32 v9  }
0x94: {  	vm14 =	vgt.s32 v5, $0x0;
	v50 =	vsel vm0, $0x3F800000, v2;
	v51 =	vshrl.u32 v17, $0xA  }
0x95: {  	v16 =	vld.idx.msk [tilespmem:v16+s14+$0x0], $0xffff;
	v14 =	vadd.s32 $0xFFFFFF81, v14;
	v9 =	vadd.f32 v9, v15;
	v15 =	vand.u32 $0x1FFF, v51  }
0x96: {  	v55 =	vsel vm11, $0x3F800000, v2;
	v60 =	vsel vm12, $0x3F800000, v2;
	v52 =	vshrl.u32 v19, $0xA  }
0x97: {  	v20 =	vnsel vm0, $0x0, v18;
	v12 =	vadd.f32 v50, v12;
	v3 =	vld.idx.msk [tilespmem:v8+s14+$0x0], $0xffff;
	v8 =	vand.u32 $0x1FFF, v52  }
0x98: {  	v13 =	vadd.f32 v18, v13;
	v14 =	vcvt.s32.f32 v14;
	v54 =	vshra.s32 v11, $0x17  }
0x99: {  	v10 =	vadd.f32 v20, v10;
	v11 =	vadd.s32 $0xFFFFFF81, v54;
	v12 =	vadd.f32 v55, v12  }
0x9a: {  	v14 =	vadd.f32 v14, v16;
	v4 =	vshra.s32 v17, $0x17;
	v9 =	vmul.f32 $-6.931471820e-01, v9;
	v57 =	vld.idx.msk [tilespmem:v15+s14+$0x0], $0xffff  }
0x9b: {  	v11 =	vcvt.s32.f32 v11;
	v4 =	vadd.s32 $0xFFFFFF81, v4;
	v61 =	vadd.f32 v60, v12  }
0x9c: {  	v56 =	vmul.f32 $-6.931471820e-01, v14;
	v4 =	vcvt.s32.f32 v4;
	v53 =	vnsel vm11, $0x0, v9;
	v8 =	vld.idx.msk [tilespmem:v8+s14+$0x0], $0xffff  }
0x9d: {  	v9 =	vadd.f32 v9, v13;
	v3 =	vadd.f32 v11, v3;
	v59 =	vshra.s32 v19, $0x17  }
0x9e: {  	v10 =	vadd.f32 v53, v10;
	v58 =	vnsel vm12, $0x0, v56;
	v11 =	vadd.s32 $0xFFFFFF81, v59  }
0x9f: {  	v3 =	vmul.f32 $-6.931471820e-01, v3;
	v4 =	vadd.f32 v4, v57;
	v6 =	vcvt.s32.f32 v11  }
0xa0: {  	vm15 =	vgt.s32 v7, $0x0;
	v9 =	vadd.f32 v56, v9;
	v10 =	vadd.f32 v58, v10  }
0xa1: {  	v62 =	vnsel vm13, $0x0, v3;
	v4 =	vmul.f32 $-6.931471820e-01, v4;
	v6 =	vadd.f32 v6, v8  }
0xa2: {  	v3 =	vadd.f32 v3, v9;
	v10 =	vadd.f32 v62, v10;
	v8 =	vsel vm13, $0x3F800000, v2  }
.Ltmp4:
0xa3: {  	v5 =	vadd.f32 v8, v61;
	v8 =	vnsel vm14, $0x0, v4;
	v63 =	vmul.f32 $-6.931471820e-01, v6;
	(pc) =	sbr.rel @p0 .LBB2_8-.Ltmp4, $4  }
0xa4: {  	v3 =	vadd.f32 v4, v3;
	v6 =	vadd.f32 v8, v10;
	v8 =	vsel vm14, $0x3F800000, v2  }
0xa5: {  	v5 =	vadd.f32 v8, v5;
	v4 =	vnsel vm15, $0x0, v63  }
0xa6: {  	v7 =	vsel vm15, $0x3F800000, v2;
	v6 =	vadd.f32 v4, v6;
	v4 =	vadd.f32 v63, v3  }
0xa7: {  	v3 =	vadd.f32 v7, v5  }
0xa8: {  	s24 =	sadd.s32 s24, s11  }
.Ltmp5:
0xa9: {  	s25 =	sshrl.u32 s24, $0x1;
	(pc) =	sbr.rel .LBB2_2-.Ltmp5, $4  }
0xaa: {  	s24 =	sshrl.u32 s24, $0x3;
	s25 =	sadd.s32 s1, s25  }
0xab: {  	[tilespmem:s17], [sflag:$0x2] =	stream.linear.gather [hbm4b:s25+s5], $0x8000, $0x38;
	[tilespmem:$0x16030] =	vst v63  }
0xac: {  	s23 =	sadd.s32 $0x1, s23;
	s24 =	sadd.s32 s3, s24  }
0xad: {  	[tilespmem:s18], [sflag:$0x2] =	stream.linear.gather [hbm4b:s24+s5], $0x2000, $0x38;
	[tilespmem:$0x16030] =	vst v63  }
.LBB2_9:
0xae: {  	_ =	sfence.sel $0x180000  }
0xaf: {  	[bflag:$0x0] =	sbarrier.arrive $0xFFFF  }
0xb0: {  	p0 =	sne.s32 s0, $0x0;
	_ =	strace $0x90000056  }
0xb1: {  	s0 =	sadd.s32 @!p0 $0x100000, s2;
	[bflag:$0x2] =	sbarrier.arrive $0xFFFF  }
0xb2: {  	[sflag:s0] =	ssyncadd.tile.s32 @!p0 $0x1;
	_ =	shalt  }
.Lfunc_end2:
_tile_overlayer_lowered:
.L_overlay_start_2:
0xb3: {  	(tag) =	ssettag $0x2  }
0xb4: {  	s0 =	rddreg [dreg:$0x0];
	s2 =	stileid.u32  }
0xb5: {  	s1 =	rddreg [dreg:$0x1];
	p0 =	sne.s32 s2, $0x0  }
0xb6: {  	s3 =	rddreg [dreg:$0x2];
	[bflag:$0x3] =	sbarrier.arrive $0xFFFF;
	s2 =	simm.s32 @!p0 $0x1C03  }
0xb7: {  	[timem:s3], [sflag:s2] =	dma.local @!p0 [hbm:s0], s1  }
0xb8: {  	s0 =	simm.s32 @!p0 $0x3  }
0xb9: {  	_ =	swait.ge @!p0 [sflag:s0], s1  }
0xba: {  	s1 =	ssub.s32 @!p0 $0x0, s1;
	[sflag:s0] =	ssyncset.done @!p0 $0x0  }
0xbb: {  	[sflag:s0] =	ssyncadd.s32 @!p0 s1  }
0xbc: {  	[bflag:$0x3] =	sbarrier.arrive $0xFFFF  }
0xbd: {  	_ =	shalt  }

</sc_bundles>
